<compile_context>
chip_gen: v7x
topology: tpu7x:2x2x1
jax: 0.10.2.dev20260603
libtpu: 0.0.44.dev20260713+nightly
codegen_flags: <defaults>
</compile_context>

<pallas_src>
import functools

import jax
import jax.numpy as jnp
from jax import lax
from jax.experimental import pallas as pl
from jax.experimental.pallas import tpu as pltpu
from jax.experimental.pallas import tpu_sc as plsc

N = 10000
NP = 10240
E = 320000
D = 128

NC = 2
NS = 16
NW = NC * NS
CH = 128
NCHUNK = 80
EP = NW * NCHUNK * CH
EPW = EP // NW
NPAD_DST = 240
RPT = NP // NS
WCH = 128
WLOOPS = RPT // WCH

BR = 1280


def _make_seg_sum(with_deg):
    out_type = [jax.ShapeDtypeStruct((NC * NP, D), jnp.float32)]
    scratch = (
        [pltpu.VMEM((CH,), jnp.int32)] * 4 +
        [pltpu.VMEM((CH,), jnp.int32)] * 4 +
        [pltpu.VMEM((CH, D), jnp.float32)] * 2 +
        [pltpu.VMEM_SHARED((NP, D), jnp.float32)] +
        [pltpu.SemaphoreType.DMA] * 8
    )
    if with_deg:
        out_type.append(jax.ShapeDtypeStruct((NC * NP,), jnp.float32))
        scratch += [
            pltpu.VMEM((CH,), jnp.float32),
            pltpu.VMEM((RPT,), jnp.float32),
            pltpu.VMEM_SHARED((NP,), jnp.float32),
        ]

    def body(t_hbm, src_hbm, dst_hbm, out_hbm, *rest):
        if with_deg:
            deg_hbm = rest[0]
            rest = rest[1:]
        srcb = rest[0:4]
        dstb = rest[4:8]
        rowsb = rest[8:10]
        acc_sh = rest[10]
        isem = rest[11:15]
        gsem = rest[15:17]
        ssem = rest[17:19]
        if with_deg:
            ones_v, zdeg_v, deg_sh = rest[19:22]
        cid = lax.axis_index("c")
        sid = lax.axis_index("s")
        wid = sid * NC + cid
        row0 = sid * RPT

        def zb(i, c):
            for j in range(D // 16):
                rowsb[0][i, pl.ds(j * 16, 16)] = jnp.zeros((16,), jnp.float32)
            return c
        lax.fori_loop(0, WCH, zb, 0)
        for k in range(WLOOPS):
            pltpu.sync_copy(rowsb[0], acc_sh.at[pl.ds(row0 + k * WCH, WCH)])

        if with_deg:
            for q in range(CH // 16):
                ones_v[pl.ds(q * 16, 16)] = jnp.ones((16,), jnp.float32)
            for q in range(RPT // 16):
                zdeg_v[pl.ds(q * 16, 16)] = jnp.zeros((16,), jnp.float32)
            pltpu.sync_copy(zdeg_v, deg_sh.at[pl.ds(row0, RPT)])

        plsc.subcore_barrier()

        def idx_start(c, k):
            base = wid * EPW + c * CH
            pltpu.async_copy(src_hbm.at[pl.ds(base, CH)], srcb[k], isem[k])
            pltpu.async_copy(dst_hbm.at[pl.ds(base, CH)], dstb[k], isem[k])

        def idx_wait(c, k):
            base = wid * EPW + c * CH
            pltpu.make_async_copy(src_hbm.at[pl.ds(base, CH)], srcb[k], isem[k]).wait()
            pltpu.make_async_copy(dst_hbm.at[pl.ds(base, CH)], dstb[k], isem[k]).wait()

        def gather_start(k, b):
            pltpu.async_copy(t_hbm.at[srcb[k]], rowsb[b], gsem[b])

        def gather_wait(k, b):
            pltpu.make_async_copy(t_hbm.at[srcb[k]], rowsb[b], gsem[b]).wait()

        def scat_start(k, b):
            pltpu.async_copy(rowsb[b], acc_sh.at[dstb[k]], ssem[b], add=True)
            if with_deg:
                pltpu.sync_copy(ones_v, deg_sh.at[dstb[k]], add=True)

        def scat_wait(k, b):
            pltpu.make_async_copy(rowsb[b], acc_sh.at[dstb[k]], ssem[b]).wait()

        idx_start(0, 0)
        idx_start(1, 1)
        idx_start(2, 2)
        idx_start(3, 3)
        idx_wait(0, 0)
        gather_start(0, 0)
        idx_wait(1, 1)
        gather_start(1, 1)
        gather_wait(0, 0)
        scat_start(0, 0)

        def steady(g, carry):
            for p in range(4):
                c = 2 + 4 * g + p
                k = (2 + p) % 4
                b = p % 2
                scat_wait(k, b)
                idx_wait(c, k)
                gather_start(k, b)
                idx_start(c + 2, p)
                gather_wait((k + 3) % 4, 1 - b)
                scat_start((k + 3) % 4, 1 - b)
            return carry
        lax.fori_loop(0, (NCHUNK - 4) // 4, steady, 0)

        scat_wait(2, 0)
        idx_wait(NCHUNK - 2, 2)
        gather_start(2, 0)
        gather_wait(1, 1)
        scat_start(1, 1)
        scat_wait(3, 1)
        idx_wait(NCHUNK - 1, 3)
        gather_start(3, 1)
        gather_wait(2, 0)
        scat_start(2, 0)
        gather_wait(3, 1)
        scat_start(3, 1)
        scat_wait(2, 0)
        scat_wait(3, 1)

        plsc.subcore_barrier()

        for k in range(WLOOPS):
            r = row0 + k * WCH
            pltpu.sync_copy(acc_sh.at[pl.ds(r, WCH)], rowsb[0])
            pltpu.sync_copy(rowsb[0], out_hbm.at[pl.ds(cid * NP + r, WCH)])
        if with_deg:
            pltpu.sync_copy(deg_sh.at[pl.ds(row0, RPT)], zdeg_v)
            pltpu.sync_copy(zdeg_v, deg_hbm.at[pl.ds(cid * NP + row0, RPT)])

    mesh = plsc.VectorSubcoreMesh(
        core_axis_name="c", subcore_axis_name="s",
        num_cores=NC, num_subcores=NS)
    return pl.kernel(
        body,
        out_type=tuple(out_type) if with_deg else out_type[0],
        mesh=mesh,
        scratch_types=scratch,
    )


@functools.lru_cache(maxsize=None)
def _seg_sum(with_deg):
    return _make_seg_sum(with_deg)


def _pre_body(x_ref, wl_ref, wr_ref, b_ref, y_ref, z_ref):
    x = x_ref[...]
    y_ref[...] = jnp.dot(x, wl_ref[...], preferred_element_type=jnp.float32)
    z_ref[...] = jnp.dot(x, wr_ref[...], preferred_element_type=jnp.float32) + b_ref[...]


_pre = pl.pallas_call(
    _pre_body,
    grid=(NP // BR,),
    in_specs=[
        pl.BlockSpec((BR, D), lambda i: (i, 0)),
        pl.BlockSpec((D, D), lambda i: (0, 0)),
        pl.BlockSpec((D, D), lambda i: (0, 0)),
        pl.BlockSpec((1, D), lambda i: (0, 0)),
    ],
    out_specs=[
        pl.BlockSpec((BR, D), lambda i: (i, 0)),
        pl.BlockSpec((BR, D), lambda i: (i, 0)),
    ],
    out_shape=[jax.ShapeDtypeStruct((NP, D), jnp.float32)] * 2,
)


def _mid_body(p_ref, d_ref, z1_ref, wl_ref, wr_ref, b_ref, y_ref, z_ref):
    s = p_ref[0] + p_ref[1]
    d = d_ref[...]
    deg = d[0] + d[1]
    rcp = 1.0 / jnp.maximum(deg, 1.0)
    h = jnp.maximum(s * rcp + z1_ref[...], 0.0)
    y_ref[...] = jnp.dot(h, wl_ref[...], preferred_element_type=jnp.float32)
    z_ref[...] = jnp.dot(h, wr_ref[...], preferred_element_type=jnp.float32) + b_ref[...]


_mid = pl.pallas_call(
    _mid_body,
    grid=(NP // BR,),
    in_specs=[
        pl.BlockSpec((NC, BR, D), lambda i: (0, i, 0)),
        pl.BlockSpec((NC, BR, 1), lambda i: (0, i, 0)),
        pl.BlockSpec((BR, D), lambda i: (i, 0)),
        pl.BlockSpec((D, D), lambda i: (0, 0)),
        pl.BlockSpec((D, D), lambda i: (0, 0)),
        pl.BlockSpec((1, D), lambda i: (0, 0)),
    ],
    out_specs=[
        pl.BlockSpec((BR, D), lambda i: (i, 0)),
        pl.BlockSpec((BR, D), lambda i: (i, 0)),
    ],
    out_shape=[jax.ShapeDtypeStruct((NP, D), jnp.float32)] * 2,
)


def _post_body(p_ref, d_ref, z2_ref, o_ref):
    s = p_ref[0] + p_ref[1]
    d = d_ref[...]
    deg = d[0] + d[1]
    rcp = 1.0 / jnp.maximum(deg, 1.0)
    o_ref[...] = s * rcp + z2_ref[...]


_post = pl.pallas_call(
    _post_body,
    grid=(NP // BR,),
    in_specs=[
        pl.BlockSpec((NC, BR, D), lambda i: (0, i, 0)),
        pl.BlockSpec((NC, BR, 1), lambda i: (0, i, 0)),
        pl.BlockSpec((BR, D), lambda i: (i, 0)),
    ],
    out_specs=pl.BlockSpec((BR, D), lambda i: (i, 0)),
    out_shape=jax.ShapeDtypeStruct((NP, D), jnp.float32),
)


def kernel(x, edge_index, W1_l, W1_r, b1, W2_l, W2_r, b2):
    npad = EP - E
    src = jnp.concatenate(
        [edge_index[0].astype(jnp.int32),
         jnp.arange(npad, dtype=jnp.int32) % N])
    dst = jnp.concatenate(
        [edge_index[1].astype(jnp.int32),
         N + (jnp.arange(npad, dtype=jnp.int32) % NPAD_DST)])
    xp = jnp.pad(x, ((0, NP - N), (0, 0)))
    y1, z1 = _pre(xp, W1_l, W1_r, b1.reshape(1, D))
    p1, d1 = _seg_sum(True)(y1, src, dst)
    p1 = p1.reshape(NC, NP, D)
    d1 = d1.reshape(NC, NP, 1)
    y2, z2 = _mid(p1, d1, z1, W2_l, W2_r, b2.reshape(1, D))
    p2 = _seg_sum(False)(y2, src, dst).reshape(NC, NP, D)
    return _post(p2, d1, z2)[:N]

# --- scband reference (transcript-rebuilt; emitter-appended) ---
"""Pipeline reference for scband-graph-sage-56813827392143 (READ-ONLY COPY).

The authoritative reference and input builder live on the scoring server;
editing this copy changes nothing except your own understanding.
"""

import jax, jax.numpy as jnp
import numpy as np

N = 10000
E = 320000
D_IN = 128
D_HID = 128
D_OUT = 128

def setup_inputs(seed: int = 0) -> dict:
    key = jax.random.key(seed)
    ks = jax.random.split(key, 9)
    x = jax.random.normal(ks[0], (N, D_IN), dtype=jnp.float32)
    edge_index = jax.random.randint(ks[1], (2, E), 0, N, dtype=jnp.int64)
    s1 = 1.0 / np.sqrt(D_IN)
    s2 = 1.0 / np.sqrt(D_HID)
    W1_l = jax.random.uniform(ks[2], (D_IN, D_HID), dtype=jnp.float32, minval=-s1, maxval=s1)
    W1_r = jax.random.uniform(ks[3], (D_IN, D_HID), dtype=jnp.float32, minval=-s1, maxval=s1)
    b1 = jax.random.uniform(ks[4], (D_HID,), dtype=jnp.float32, minval=-s1, maxval=s1)
    W2_l = jax.random.uniform(ks[5], (D_HID, D_OUT), dtype=jnp.float32, minval=-s2, maxval=s2)
    W2_r = jax.random.uniform(ks[6], (D_HID, D_OUT), dtype=jnp.float32, minval=-s2, maxval=s2)
    b2 = jax.random.uniform(ks[7], (D_OUT,), dtype=jnp.float32, minval=-s2, maxval=s2)
    return {"x": x, "edge_index": edge_index, "W1_l": W1_l, "W1_r": W1_r, "b1": b1, "W2_l": W2_l, "W2_r": W2_r, "b2": b2}

def _sage_conv(x, src, dst, W_l, W_r, b):
    # mean aggregation of source-node features onto destination nodes
    msgs = jnp.take(x, src, axis=0)                      # gather [E, d]
    summed = jax.ops.segment_sum(msgs, dst, num_segments=N)
    ones = jnp.ones((src.shape[0],), dtype=x.dtype)
    deg = jax.ops.segment_sum(ones, dst, num_segments=N)
    deg = jnp.clip(deg, 1.0, None)
    agg = summed / deg[:, None]
    return agg @ W_l + x @ W_r + b

def reference(x, edge_index, W1_l, W1_r, b1, W2_l, W2_r, b2):
    src = edge_index[0]
    dst = edge_index[1]
    h = _sage_conv(x, src, dst, W1_l, W1_r, b1)
    h = jax.nn.relu(h)
    h = _sage_conv(h, src, dst, W2_l, W2_r, b2)
    return h

if __name__ == "__main__":
    import jax
    _d = setup_inputs()
    print(jax.jit(kernel)(*tuple(_d.values())))

</pallas_src>

<mosaic_0001>
#map = affine_map<(d0, d1) -> (0, 0)>
#map1 = affine_map<(d0, d1) -> (0)>
module attributes {stable_mosaic.version = 14 : i64} {
  func.func @body(%arg0: i32, %arg1: i32, %arg2: memref<10240x128xf32, #tpu.memory_space<hbm>>, %arg3: memref<327680xi32, #tpu.memory_space<hbm>>, %arg4: memref<327680xi32, #tpu.memory_space<hbm>>, %arg5: memref<20480x128xf32, #tpu.memory_space<hbm>>, %arg6: memref<20480xf32, #tpu.memory_space<hbm>>, %arg7: memref<128xi32, #tpu.memory_space<vmem>>, %arg8: memref<128xi32, #tpu.memory_space<vmem>>, %arg9: memref<128xi32, #tpu.memory_space<vmem>>, %arg10: memref<128xi32, #tpu.memory_space<vmem>>, %arg11: memref<128xi32, #tpu.memory_space<vmem>>, %arg12: memref<128xi32, #tpu.memory_space<vmem>>, %arg13: memref<128xi32, #tpu.memory_space<vmem>>, %arg14: memref<128xi32, #tpu.memory_space<vmem>>, %arg15: memref<128x128xf32, #tpu.memory_space<vmem>>, %arg16: memref<128x128xf32, #tpu.memory_space<vmem>>, %arg17: memref<10240x128xf32, #tpu.memory_space<vmem_shared>>, %arg18: memref<!tpu.dma_semaphore, #tpu.memory_space<semaphore_mem>>, %arg19: memref<!tpu.dma_semaphore, #tpu.memory_space<semaphore_mem>>, %arg20: memref<!tpu.dma_semaphore, #tpu.memory_space<semaphore_mem>>, %arg21: memref<!tpu.dma_semaphore, #tpu.memory_space<semaphore_mem>>, %arg22: memref<!tpu.dma_semaphore, #tpu.memory_space<semaphore_mem>>, %arg23: memref<!tpu.dma_semaphore, #tpu.memory_space<semaphore_mem>>, %arg24: memref<!tpu.dma_semaphore, #tpu.memory_space<semaphore_mem>>, %arg25: memref<!tpu.dma_semaphore, #tpu.memory_space<semaphore_mem>>, %arg26: memref<128xf32, #tpu.memory_space<vmem>>, %arg27: memref<640xf32, #tpu.memory_space<vmem>>, %arg28: memref<10240xf32, #tpu.memory_space<vmem_shared>>) attributes {dimension_semantics = [#tpu.dimension_semantics<core_parallel>, #tpu.dimension_semantics<subcore_parallel>], iteration_bounds = array<i64: 2, 16>, scalar_prefetch = 0 : i64, scratch_operands = 22 : i64, tpu.core_type = #tpu.core_type<sc_vector_subcore>, window_params = [{transform_indices = #map}, {transform_indices = #map1}, {transform_indices = #map1}, {transform_indices = #map}, {transform_indices = #map1}]} {
    %mul3A = arith.constant 2 : i32
    %mul3A_0 = arith.muli %arg1, %mul3A : i32
    %add3A = arith.addi %mul3A_0, %arg0 : i32
    %mul3A_1 = arith.constant 640 : i32
    %mul3A_2 = arith.muli %arg1, %mul3A_1 : i32
    %scan3A = arith.constant 0 : i32
    %scan3A_3 = arith.constant 0 : i32
    %scan3A_4 = arith.constant 128 : i32
    %scan3A_5 = arith.addi %scan3A_3, %scan3A_4 : i32
    %scan3A_6 = arith.constant 1 : i32
    scf.for %scan3A_449 = %scan3A_3 to %scan3A_5 step %scan3A_6  : i32 {
      %broadcast_in_dim3A_450 = arith.constant 0.000000e+00 : f32
      %broadcast_in_dim3A_451 = vector.broadcast %broadcast_in_dim3A_450 : f32 to vector<16xf32>
      %swap3A_452 = arith.index_cast %scan3A_449 : i32 to index
      %swap3A_453 = arith.constant 0 : index
      %swap3A_454 = tpu.vector_load %arg15[%swap3A_452, %swap3A_453] {strides = array<i32>} : memref<128x128xf32, #tpu.memory_space<vmem>>, vector<1x16xf32>,
      %swap3A_455 = vector.shape_cast %swap3A_454 : vector<1x16xf32> to vector<16xf32>
      %swap3A_456 = vector.shape_cast %broadcast_in_dim3A_451 : vector<16xf32> to vector<1x16xf32>
      tpu.vector_store %arg15[%swap3A_452, %swap3A_453], %swap3A_456 {strides = array<i32>} : memref<128x128xf32, #tpu.memory_space<vmem>>, vector<1x16xf32>,
      %broadcast_in_dim3A_457 = arith.constant 0.000000e+00 : f32
      %broadcast_in_dim3A_458 = vector.broadcast %broadcast_in_dim3A_457 : f32 to vector<16xf32>
      %swap3A_459 = arith.index_cast %scan3A_449 : i32 to index
      %swap3A_460 = arith.constant 16 : index
      %swap3A_461 = tpu.vector_load %arg15[%swap3A_459, %swap3A_460] {strides = array<i32>} : memref<128x128xf32, #tpu.memory_space<vmem>>, vector<1x16xf32>,
      %swap3A_462 = vector.shape_cast %swap3A_461 : vector<1x16xf32> to vector<16xf32>
      %swap3A_463 = vector.shape_cast %broadcast_in_dim3A_458 : vector<16xf32> to vector<1x16xf32>
      tpu.vector_store %arg15[%swap3A_459, %swap3A_460], %swap3A_463 {strides = array<i32>} : memref<128x128xf32, #tpu.memory_space<vmem>>, vector<1x16xf32>,
      %broadcast_in_dim3A_464 = arith.constant 0.000000e+00 : f32
      %broadcast_in_dim3A_465 = vector.broadcast %broadcast_in_dim3A_464 : f32 to vector<16xf32>
      %swap3A_466 = arith.index_cast %scan3A_449 : i32 to index
      %swap3A_467 = arith.constant 32 : index
      %swap3A_468 = tpu.vector_load %arg15[%swap3A_466, %swap3A_467] {strides = array<i32>} : memref<128x128xf32, #tpu.memory_space<vmem>>, vector<1x16xf32>,
      %swap3A_469 = vector.shape_cast %swap3A_468 : vector<1x16xf32> to vector<16xf32>
      %swap3A_470 = vector.shape_cast %broadcast_in_dim3A_465 : vector<16xf32> to vector<1x16xf32>
      tpu.vector_store %arg15[%swap3A_466, %swap3A_467], %swap3A_470 {strides = array<i32>} : memref<128x128xf32, #tpu.memory_space<vmem>>, vector<1x16xf32>,
      %broadcast_in_dim3A_471 = arith.constant 0.000000e+00 : f32
      %broadcast_in_dim3A_472 = vector.broadcast %broadcast_in_dim3A_471 : f32 to vector<16xf32>
      %swap3A_473 = arith.index_cast %scan3A_449 : i32 to index
      %swap3A_474 = arith.constant 48 : index
      %swap3A_475 = tpu.vector_load %arg15[%swap3A_473, %swap3A_474] {strides = array<i32>} : memref<128x128xf32, #tpu.memory_space<vmem>>, vector<1x16xf32>,
      %swap3A_476 = vector.shape_cast %swap3A_475 : vector<1x16xf32> to vector<16xf32>
      %swap3A_477 = vector.shape_cast %broadcast_in_dim3A_472 : vector<16xf32> to vector<1x16xf32>
      tpu.vector_store %arg15[%swap3A_473, %swap3A_474], %swap3A_477 {strides = array<i32>} : memref<128x128xf32, #tpu.memory_space<vmem>>, vector<1x16xf32>,
      %broadcast_in_dim3A_478 = arith.constant 0.000000e+00 : f32
      %broadcast_in_dim3A_479 = vector.broadcast %broadcast_in_dim3A_478 : f32 to vector<16xf32>
      %swap3A_480 = arith.index_cast %scan3A_449 : i32 to index
      %swap3A_481 = arith.constant 64 : index
      %swap3A_482 = tpu.vector_load %arg15[%swap3A_480, %swap3A_481] {strides = array<i32>} : memref<128x128xf32, #tpu.memory_space<vmem>>, vector<1x16xf32>,
      %swap3A_483 = vector.shape_cast %swap3A_482 : vector<1x16xf32> to vector<16xf32>
      %swap3A_484 = vector.shape_cast %broadcast_in_dim3A_479 : vector<16xf32> to vector<1x16xf32>
      tpu.vector_store %arg15[%swap3A_480, %swap3A_481], %swap3A_484 {strides = array<i32>} : memref<128x128xf32, #tpu.memory_space<vmem>>, vector<1x16xf32>,
      %broadcast_in_dim3A_485 = arith.constant 0.000000e+00 : f32
      %broadcast_in_dim3A_486 = vector.broadcast %broadcast_in_dim3A_485 : f32 to vector<16xf32>
      %swap3A_487 = arith.index_cast %scan3A_449 : i32 to index
      %swap3A_488 = arith.constant 80 : index
      %swap3A_489 = tpu.vector_load %arg15[%swap3A_487, %swap3A_488] {strides = array<i32>} : memref<128x128xf32, #tpu.memory_space<vmem>>, vector<1x16xf32>,
      %swap3A_490 = vector.shape_cast %swap3A_489 : vector<1x16xf32> to vector<16xf32>
      %swap3A_491 = vector.shape_cast %broadcast_in_dim3A_486 : vector<16xf32> to vector<1x16xf32>
      tpu.vector_store %arg15[%swap3A_487, %swap3A_488], %swap3A_491 {strides = array<i32>} : memref<128x128xf32, #tpu.memory_space<vmem>>, vector<1x16xf32>,
      %broadcast_in_dim3A_492 = arith.constant 0.000000e+00 : f32
      %broadcast_in_dim3A_493 = vector.broadcast %broadcast_in_dim3A_492 : f32 to vector<16xf32>
      %swap3A_494 = arith.index_cast %scan3A_449 : i32 to index
      %swap3A_495 = arith.constant 96 : index
      %swap3A_496 = tpu.vector_load %arg15[%swap3A_494, %swap3A_495] {strides = array<i32>} : memref<128x128xf32, #tpu.memory_space<vmem>>, vector<1x16xf32>,
      %swap3A_497 = vector.shape_cast %swap3A_496 : vector<1x16xf32> to vector<16xf32>
      %swap3A_498 = vector.shape_cast %broadcast_in_dim3A_493 : vector<16xf32> to vector<1x16xf32>
      tpu.vector_store %arg15[%swap3A_494, %swap3A_495], %swap3A_498 {strides = array<i32>} : memref<128x128xf32, #tpu.memory_space<vmem>>, vector<1x16xf32>,
      %broadcast_in_dim3A_499 = arith.constant 0.000000e+00 : f32
      %broadcast_in_dim3A_500 = vector.broadcast %broadcast_in_dim3A_499 : f32 to vector<16xf32>
      %swap3A_501 = arith.index_cast %scan3A_449 : i32 to index
      %swap3A_502 = arith.constant 112 : index
      %swap3A_503 = tpu.vector_load %arg15[%swap3A_501, %swap3A_502] {strides = array<i32>} : memref<128x128xf32, #tpu.memory_space<vmem>>, vector<1x16xf32>,
      %swap3A_504 = vector.shape_cast %swap3A_503 : vector<1x16xf32> to vector<16xf32>
      %swap3A_505 = vector.shape_cast %broadcast_in_dim3A_500 : vector<16xf32> to vector<1x16xf32>
      tpu.vector_store %arg15[%swap3A_501, %swap3A_502], %swap3A_505 {strides = array<i32>} : memref<128x128xf32, #tpu.memory_space<vmem>>, vector<1x16xf32>,
    }
    %scan3A_7 = arith.constant 128 : i32
    %add3A_8 = arith.constant 0 : i32
    %add3A_9 = arith.addi %mul3A_2, %add3A_8 : i32
    "tpu.region"() ({
      %run_scoped3A = tpu.sem_alloc : memref<!tpu.dma_semaphore, #tpu.memory_space<semaphore_mem>>
      %dma_start3A_449 = arith.constant 0 : i32
      %dma_start3A_450 = tpu.memref_slice %arg17[%add3A_9, %dma_start3A_449] : memref<10240x128xf32, #tpu.memory_space<vmem_shared>> -> memref<128x128xf32, #tpu.memory_space<vmem_shared>>
      %dma_start3A_451 = arith.constant 0 : i32
      %dma_start3A_452 = tpu.memref_slice %arg17[%add3A_9, %dma_start3A_451] : memref<10240x128xf32, #tpu.memory_space<vmem_shared>> -> memref<128x128xf32, #tpu.memory_space<vmem_shared>>
      tpu.enqueue_dma source(%arg15 : memref<128x128xf32, #tpu.memory_space<vmem>>) target(%dma_start3A_452 : memref<128x128xf32, #tpu.memory_space<vmem_shared>>) target_semaphore(%run_scoped3A : memref<!tpu.dma_semaphore, #tpu.memory_space<semaphore_mem>>)
      %dma_wait3A_453 = arith.constant 0 : i32
      %dma_wait3A_454 = tpu.memref_slice %arg17[%add3A_9, %dma_wait3A_453] : memref<10240x128xf32, #tpu.memory_space<vmem_shared>> -> memref<128x128xf32, #tpu.memory_space<vmem_shared>>
      %dma_wait3A_455 = arith.constant 0 : i32
      %dma_wait3A_456 = tpu.memref_slice %arg17[%add3A_9, %dma_wait3A_455] : memref<10240x128xf32, #tpu.memory_space<vmem_shared>> -> memref<128x128xf32, #tpu.memory_space<vmem_shared>>
      tpu.wait_dma2 semaphore(%run_scoped3A : memref<!tpu.dma_semaphore, #tpu.memory_space<semaphore_mem>>) src(%arg15 : memref<128x128xf32, #tpu.memory_space<vmem>>) dst(%dma_wait3A_456 : memref<128x128xf32, #tpu.memory_space<vmem_shared>>)
      tpu.yield
    }) : () -> ()
    %add3A_10 = arith.constant 128 : i32
    %add3A_11 = arith.addi %mul3A_2, %add3A_10 : i32
    "tpu.region"() ({
      %run_scoped3A = tpu.sem_alloc : memref<!tpu.dma_semaphore, #tpu.memory_space<semaphore_mem>>
      %dma_start3A_449 = arith.constant 0 : i32
      %dma_start3A_450 = tpu.memref_slice %arg17[%add3A_11, %dma_start3A_449] : memref<10240x128xf32, #tpu.memory_space<vmem_shared>> -> memref<128x128xf32, #tpu.memory_space<vmem_shared>>
      %dma_start3A_451 = arith.constant 0 : i32
      %dma_start3A_452 = tpu.memref_slice %arg17[%add3A_11, %dma_start3A_451] : memref<10240x128xf32, #tpu.memory_space<vmem_shared>> -> memref<128x128xf32, #tpu.memory_space<vmem_shared>>
      tpu.enqueue_dma source(%arg15 : memref<128x128xf32, #tpu.memory_space<vmem>>) target(%dma_start3A_452 : memref<128x128xf32, #tpu.memory_space<vmem_shared>>) target_semaphore(%run_scoped3A : memref<!tpu.dma_semaphore, #tpu.memory_space<semaphore_mem>>)
      %dma_wait3A_453 = arith.constant 0 : i32
      %dma_wait3A_454 = tpu.memref_slice %arg17[%add3A_11, %dma_wait3A_453] : memref<10240x128xf32, #tpu.memory_space<vmem_shared>> -> memref<128x128xf32, #tpu.memory_space<vmem_shared>>
      %dma_wait3A_455 = arith.constant 0 : i32
      %dma_wait3A_456 = tpu.memref_slice %arg17[%add3A_11, %dma_wait3A_455] : memref<10240x128xf32, #tpu.memory_space<vmem_shared>> -> memref<128x128xf32, #tpu.memory_space<vmem_shared>>
      tpu.wait_dma2 semaphore(%run_scoped3A : memref<!tpu.dma_semaphore, #tpu.memory_space<semaphore_mem>>) src(%arg15 : memref<128x128xf32, #tpu.memory_space<vmem>>) dst(%dma_wait3A_456 : memref<128x128xf32, #tpu.memory_space<vmem_shared>>)
      tpu.yield
    }) : () -> ()
    %add3A_12 = arith.constant 256 : i32
    %add3A_13 = arith.addi %mul3A_2, %add3A_12 : i32
    "tpu.region"() ({
      %run_scoped3A = tpu.sem_alloc : memref<!tpu.dma_semaphore, #tpu.memory_space<semaphore_mem>>
      %dma_start3A_449 = arith.constant 0 : i32
      %dma_start3A_450 = tpu.memref_slice %arg17[%add3A_13, %dma_start3A_449] : memref<10240x128xf32, #tpu.memory_space<vmem_shared>> -> memref<128x128xf32, #tpu.memory_space<vmem_shared>>
      %dma_start3A_451 = arith.constant 0 : i32
      %dma_start3A_452 = tpu.memref_slice %arg17[%add3A_13, %dma_start3A_451] : memref<10240x128xf32, #tpu.memory_space<vmem_shared>> -> memref<128x128xf32, #tpu.memory_space<vmem_shared>>
      tpu.enqueue_dma source(%arg15 : memref<128x128xf32, #tpu.memory_space<vmem>>) target(%dma_start3A_452 : memref<128x128xf32, #tpu.memory_space<vmem_shared>>) target_semaphore(%run_scoped3A : memref<!tpu.dma_semaphore, #tpu.memory_space<semaphore_mem>>)
      %dma_wait3A_453 = arith.constant 0 : i32
      %dma_wait3A_454 = tpu.memref_slice %arg17[%add3A_13, %dma_wait3A_453] : memref<10240x128xf32, #tpu.memory_space<vmem_shared>> -> memref<128x128xf32, #tpu.memory_space<vmem_shared>>
      %dma_wait3A_455 = arith.constant 0 : i32
      %dma_wait3A_456 = tpu.memref_slice %arg17[%add3A_13, %dma_wait3A_455] : memref<10240x128xf32, #tpu.memory_space<vmem_shared>> -> memref<128x128xf32, #tpu.memory_space<vmem_shared>>
      tpu.wait_dma2 semaphore(%run_scoped3A : memref<!tpu.dma_semaphore, #tpu.memory_space<semaphore_mem>>) src(%arg15 : memref<128x128xf32, #tpu.memory_space<vmem>>) dst(%dma_wait3A_456 : memref<128x128xf32, #tpu.memory_space<vmem_shared>>)
      tpu.yield
    }) : () -> ()
    %add3A_14 = arith.constant 384 : i32
    %add3A_15 = arith.addi %mul3A_2, %add3A_14 : i32
    "tpu.region"() ({
      %run_scoped3A = tpu.sem_alloc : memref<!tpu.dma_semaphore, #tpu.memory_space<semaphore_mem>>
      %dma_start3A_449 = arith.constant 0 : i32
      %dma_start3A_450 = tpu.memref_slice %arg17[%add3A_15, %dma_start3A_449] : memref<10240x128xf32, #tpu.memory_space<vmem_shared>> -> memref<128x128xf32, #tpu.memory_space<vmem_shared>>
      %dma_start3A_451 = arith.constant 0 : i32
      %dma_start3A_452 = tpu.memref_slice %arg17[%add3A_15, %dma_start3A_451] : memref<10240x128xf32, #tpu.memory_space<vmem_shared>> -> memref<128x128xf32, #tpu.memory_space<vmem_shared>>
      tpu.enqueue_dma source(%arg15 : memref<128x128xf32, #tpu.memory_space<vmem>>) target(%dma_start3A_452 : memref<128x128xf32, #tpu.memory_space<vmem_shared>>) target_semaphore(%run_scoped3A : memref<!tpu.dma_semaphore, #tpu.memory_space<semaphore_mem>>)
      %dma_wait3A_453 = arith.constant 0 : i32
      %dma_wait3A_454 = tpu.memref_slice %arg17[%add3A_15, %dma_wait3A_453] : memref<10240x128xf32, #tpu.memory_space<vmem_shared>> -> memref<128x128xf32, #tpu.memory_space<vmem_shared>>
      %dma_wait3A_455 = arith.constant 0 : i32
      %dma_wait3A_456 = tpu.memref_slice %arg17[%add3A_15, %dma_wait3A_455] : memref<10240x128xf32, #tpu.memory_space<vmem_shared>> -> memref<128x128xf32, #tpu.memory_space<vmem_shared>>
      tpu.wait_dma2 semaphore(%run_scoped3A : memref<!tpu.dma_semaphore, #tpu.memory_space<semaphore_mem>>) src(%arg15 : memref<128x128xf32, #tpu.memory_space<vmem>>) dst(%dma_wait3A_456 : memref<128x128xf32, #tpu.memory_space<vmem_shared>>)
      tpu.yield
    }) : () -> ()
    %add3A_16 = arith.constant 512 : i32
    %add3A_17 = arith.addi %mul3A_2, %add3A_16 : i32
    "tpu.region"() ({
      %run_scoped3A = tpu.sem_alloc : memref<!tpu.dma_semaphore, #tpu.memory_space<semaphore_mem>>
      %dma_start3A_449 = arith.constant 0 : i32
      %dma_start3A_450 = tpu.memref_slice %arg17[%add3A_17, %dma_start3A_449] : memref<10240x128xf32, #tpu.memory_space<vmem_shared>> -> memref<128x128xf32, #tpu.memory_space<vmem_shared>>
      %dma_start3A_451 = arith.constant 0 : i32
      %dma_start3A_452 = tpu.memref_slice %arg17[%add3A_17, %dma_start3A_451] : memref<10240x128xf32, #tpu.memory_space<vmem_shared>> -> memref<128x128xf32, #tpu.memory_space<vmem_shared>>
      tpu.enqueue_dma source(%arg15 : memref<128x128xf32, #tpu.memory_space<vmem>>) target(%dma_start3A_452 : memref<128x128xf32, #tpu.memory_space<vmem_shared>>) target_semaphore(%run_scoped3A : memref<!tpu.dma_semaphore, #tpu.memory_space<semaphore_mem>>)
      %dma_wait3A_453 = arith.constant 0 : i32
      %dma_wait3A_454 = tpu.memref_slice %arg17[%add3A_17, %dma_wait3A_453] : memref<10240x128xf32, #tpu.memory_space<vmem_shared>> -> memref<128x128xf32, #tpu.memory_space<vmem_shared>>
      %dma_wait3A_455 = arith.constant 0 : i32
      %dma_wait3A_456 = tpu.memref_slice %arg17[%add3A_17, %dma_wait3A_455] : memref<10240x128xf32, #tpu.memory_space<vmem_shared>> -> memref<128x128xf32, #tpu.memory_space<vmem_shared>>
      tpu.wait_dma2 semaphore(%run_scoped3A : memref<!tpu.dma_semaphore, #tpu.memory_space<semaphore_mem>>) src(%arg15 : memref<128x128xf32, #tpu.memory_space<vmem>>) dst(%dma_wait3A_456 : memref<128x128xf32, #tpu.memory_space<vmem_shared>>)
      tpu.yield
    }) : () -> ()
    %broadcast_in_dim3A = arith.constant 1.000000e+00 : f32
    %broadcast_in_dim3A_18 = vector.broadcast %broadcast_in_dim3A : f32 to vector<16xf32>
    %swap3A = arith.constant 0 : index
    %swap3A_19 = tpu.vector_load %arg26[%swap3A] {strides = array<i32>} : memref<128xf32, #tpu.memory_space<vmem>>, vector<16xf32>,
    %swap3A_20 = vector.shape_cast %swap3A_19 : vector<16xf32> to vector<16xf32>
    %swap3A_21 = vector.shape_cast %broadcast_in_dim3A_18 : vector<16xf32> to vector<16xf32>
    tpu.vector_store %arg26[%swap3A], %swap3A_21 {strides = array<i32>} : memref<128xf32, #tpu.memory_space<vmem>>, vector<16xf32>,
    %broadcast_in_dim3A_22 = arith.constant 1.000000e+00 : f32
    %broadcast_in_dim3A_23 = vector.broadcast %broadcast_in_dim3A_22 : f32 to vector<16xf32>
    %swap3A_24 = arith.constant 16 : index
    %swap3A_25 = tpu.vector_load %arg26[%swap3A_24] {strides = array<i32>} : memref<128xf32, #tpu.memory_space<vmem>>, vector<16xf32>,
    %swap3A_26 = vector.shape_cast %swap3A_25 : vector<16xf32> to vector<16xf32>
    %swap3A_27 = vector.shape_cast %broadcast_in_dim3A_23 : vector<16xf32> to vector<16xf32>
    tpu.vector_store %arg26[%swap3A_24], %swap3A_27 {strides = array<i32>} : memref<128xf32, #tpu.memory_space<vmem>>, vector<16xf32>,
    %broadcast_in_dim3A_28 = arith.constant 1.000000e+00 : f32
    %broadcast_in_dim3A_29 = vector.broadcast %broadcast_in_dim3A_28 : f32 to vector<16xf32>
    %swap3A_30 = arith.constant 32 : index
    %swap3A_31 = tpu.vector_load %arg26[%swap3A_30] {strides = array<i32>} : memref<128xf32, #tpu.memory_space<vmem>>, vector<16xf32>,
    %swap3A_32 = vector.shape_cast %swap3A_31 : vector<16xf32> to vector<16xf32>
    %swap3A_33 = vector.shape_cast %broadcast_in_dim3A_29 : vector<16xf32> to vector<16xf32>
    tpu.vector_store %arg26[%swap3A_30], %swap3A_33 {strides = array<i32>} : memref<128xf32, #tpu.memory_space<vmem>>, vector<16xf32>,
    %broadcast_in_dim3A_34 = arith.constant 1.000000e+00 : f32
    %broadcast_in_dim3A_35 = vector.broadcast %broadcast_in_dim3A_34 : f32 to vector<16xf32>
    %swap3A_36 = arith.constant 48 : index
    %swap3A_37 = tpu.vector_load %arg26[%swap3A_36] {strides = array<i32>} : memref<128xf32, #tpu.memory_space<vmem>>, vector<16xf32>,
    %swap3A_38 = vector.shape_cast %swap3A_37 : vector<16xf32> to vector<16xf32>
    %swap3A_39 = vector.shape_cast %broadcast_in_dim3A_35 : vector<16xf32> to vector<16xf32>
    tpu.vector_store %arg26[%swap3A_36], %swap3A_39 {strides = array<i32>} : memref<128xf32, #tpu.memory_space<vmem>>, vector<16xf32>,
    %broadcast_in_dim3A_40 = arith.constant 1.000000e+00 : f32
    %broadcast_in_dim3A_41 = vector.broadcast %broadcast_in_dim3A_40 : f32 to vector<16xf32>
    %swap3A_42 = arith.constant 64 : index
    %swap3A_43 = tpu.vector_load %arg26[%swap3A_42] {strides = array<i32>} : memref<128xf32, #tpu.memory_space<vmem>>, vector<16xf32>,
    %swap3A_44 = vector.shape_cast %swap3A_43 : vector<16xf32> to vector<16xf32>
    %swap3A_45 = vector.shape_cast %broadcast_in_dim3A_41 : vector<16xf32> to vector<16xf32>
    tpu.vector_store %arg26[%swap3A_42], %swap3A_45 {strides = array<i32>} : memref<128xf32, #tpu.memory_space<vmem>>, vector<16xf32>,
    %broadcast_in_dim3A_46 = arith.constant 1.000000e+00 : f32
    %broadcast_in_dim3A_47 = vector.broadcast %broadcast_in_dim3A_46 : f32 to vector<16xf32>
    %swap3A_48 = arith.constant 80 : index
    %swap3A_49 = tpu.vector_load %arg26[%swap3A_48] {strides = array<i32>} : memref<128xf32, #tpu.memory_space<vmem>>, vector<16xf32>,
    %swap3A_50 = vector.shape_cast %swap3A_49 : vector<16xf32> to vector<16xf32>
    %swap3A_51 = vector.shape_cast %broadcast_in_dim3A_47 : vector<16xf32> to vector<16xf32>
    tpu.vector_store %arg26[%swap3A_48], %swap3A_51 {strides = array<i32>} : memref<128xf32, #tpu.memory_space<vmem>>, vector<16xf32>,
    %broadcast_in_dim3A_52 = arith.constant 1.000000e+00 : f32
    %broadcast_in_dim3A_53 = vector.broadcast %broadcast_in_dim3A_52 : f32 to vector<16xf32>
    %swap3A_54 = arith.constant 96 : index
    %swap3A_55 = tpu.vector_load %arg26[%swap3A_54] {strides = array<i32>} : memref<128xf32, #tpu.memory_space<vmem>>, vector<16xf32>,
    %swap3A_56 = vector.shape_cast %swap3A_55 : vector<16xf32> to vector<16xf32>
    %swap3A_57 = vector.shape_cast %broadcast_in_dim3A_53 : vector<16xf32> to vector<16xf32>
    tpu.vector_store %arg26[%swap3A_54], %swap3A_57 {strides = array<i32>} : memref<128xf32, #tpu.memory_space<vmem>>, vector<16xf32>,
    %broadcast_in_dim3A_58 = arith.constant 1.000000e+00 : f32
    %broadcast_in_dim3A_59 = vector.broadcast %broadcast_in_dim3A_58 : f32 to vector<16xf32>
    %swap3A_60 = arith.constant 112 : index
    %swap3A_61 = tpu.vector_load %arg26[%swap3A_60] {strides = array<i32>} : memref<128xf32, #tpu.memory_space<vmem>>, vector<16xf32>,
    %swap3A_62 = vector.shape_cast %swap3A_61 : vector<16xf32> to vector<16xf32>
    %swap3A_63 = vector.shape_cast %broadcast_in_dim3A_59 : vector<16xf32> to vector<16xf32>
    tpu.vector_store %arg26[%swap3A_60], %swap3A_63 {strides = array<i32>} : memref<128xf32, #tpu.memory_space<vmem>>, vector<16xf32>,
    %broadcast_in_dim3A_64 = arith.constant 0.000000e+00 : f32
    %broadcast_in_dim3A_65 = vector.broadcast %broadcast_in_dim3A_64 : f32 to vector<16xf32>
    %swap3A_66 = arith.constant 0 : index
    %swap3A_67 = tpu.vector_load %arg27[%swap3A_66] {strides = array<i32>} : memref<640xf32, #tpu.memory_space<vmem>>, vector<16xf32>,
    %swap3A_68 = vector.shape_cast %swap3A_67 : vector<16xf32> to vector<16xf32>
    %swap3A_69 = vector.shape_cast %broadcast_in_dim3A_65 : vector<16xf32> to vector<16xf32>
    tpu.vector_store %arg27[%swap3A_66], %swap3A_69 {strides = array<i32>} : memref<640xf32, #tpu.memory_space<vmem>>, vector<16xf32>,
    %broadcast_in_dim3A_70 = arith.constant 0.000000e+00 : f32
    %broadcast_in_dim3A_71 = vector.broadcast %broadcast_in_dim3A_70 : f32 to vector<16xf32>
    %swap3A_72 = arith.constant 16 : index
    %swap3A_73 = tpu.vector_load %arg27[%swap3A_72] {strides = array<i32>} : memref<640xf32, #tpu.memory_space<vmem>>, vector<16xf32>,
    %swap3A_74 = vector.shape_cast %swap3A_73 : vector<16xf32> to vector<16xf32>
    %swap3A_75 = vector.shape_cast %broadcast_in_dim3A_71 : vector<16xf32> to vector<16xf32>
    tpu.vector_store %arg27[%swap3A_72], %swap3A_75 {strides = array<i32>} : memref<640xf32, #tpu.memory_space<vmem>>, vector<16xf32>,
    %broadcast_in_dim3A_76 = arith.constant 0.000000e+00 : f32
    %broadcast_in_dim3A_77 = vector.broadcast %broadcast_in_dim3A_76 : f32 to vector<16xf32>
    %swap3A_78 = arith.constant 32 : index
    %swap3A_79 = tpu.vector_load %arg27[%swap3A_78] {strides = array<i32>} : memref<640xf32, #tpu.memory_space<vmem>>, vector<16xf32>,
    %swap3A_80 = vector.shape_cast %swap3A_79 : vector<16xf32> to vector<16xf32>
    %swap3A_81 = vector.shape_cast %broadcast_in_dim3A_77 : vector<16xf32> to vector<16xf32>
    tpu.vector_store %arg27[%swap3A_78], %swap3A_81 {strides = array<i32>} : memref<640xf32, #tpu.memory_space<vmem>>, vector<16xf32>,
    %broadcast_in_dim3A_82 = arith.constant 0.000000e+00 : f32
    %broadcast_in_dim3A_83 = vector.broadcast %broadcast_in_dim3A_82 : f32 to vector<16xf32>
    %swap3A_84 = arith.constant 48 : index
    %swap3A_85 = tpu.vector_load %arg27[%swap3A_84] {strides = array<i32>} : memref<640xf32, #tpu.memory_space<vmem>>, vector<16xf32>,
    %swap3A_86 = vector.shape_cast %swap3A_85 : vector<16xf32> to vector<16xf32>
    %swap3A_87 = vector.shape_cast %broadcast_in_dim3A_83 : vector<16xf32> to vector<16xf32>
    tpu.vector_store %arg27[%swap3A_84], %swap3A_87 {strides = array<i32>} : memref<640xf32, #tpu.memory_space<vmem>>, vector<16xf32>,
    %broadcast_in_dim3A_88 = arith.constant 0.000000e+00 : f32
    %broadcast_in_dim3A_89 = vector.broadcast %broadcast_in_dim3A_88 : f32 to vector<16xf32>
    %swap3A_90 = arith.constant 64 : index
    %swap3A_91 = tpu.vector_load %arg27[%swap3A_90] {strides = array<i32>} : memref<640xf32, #tpu.memory_space<vmem>>, vector<16xf32>,
    %swap3A_92 = vector.shape_cast %swap3A_91 : vector<16xf32> to vector<16xf32>
    %swap3A_93 = vector.shape_cast %broadcast_in_dim3A_89 : vector<16xf32> to vector<16xf32>
    tpu.vector_store %arg27[%swap3A_90], %swap3A_93 {strides = array<i32>} : memref<640xf32, #tpu.memory_space<vmem>>, vector<16xf32>,
    %broadcast_in_dim3A_94 = arith.constant 0.000000e+00 : f32
    %broadcast_in_dim3A_95 = vector.broadcast %broadcast_in_dim3A_94 : f32 to vector<16xf32>
    %swap3A_96 = arith.constant 80 : index
    %swap3A_97 = tpu.vector_load %arg27[%swap3A_96] {strides = array<i32>} : memref<640xf32, #tpu.memory_space<vmem>>, vector<16xf32>,
    %swap3A_98 = vector.shape_cast %swap3A_97 : vector<16xf32> to vector<16xf32>
    %swap3A_99 = vector.shape_cast %broadcast_in_dim3A_95 : vector<16xf32> to vector<16xf32>
    tpu.vector_store %arg27[%swap3A_96], %swap3A_99 {strides = array<i32>} : memref<640xf32, #tpu.memory_space<vmem>>, vector<16xf32>,
    %broadcast_in_dim3A_100 = arith.constant 0.000000e+00 : f32
    %broadcast_in_dim3A_101 = vector.broadcast %broadcast_in_dim3A_100 : f32 to vector<16xf32>
    %swap3A_102 = arith.constant 96 : index
    %swap3A_103 = tpu.vector_load %arg27[%swap3A_102] {strides = array<i32>} : memref<640xf32, #tpu.memory_space<vmem>>, vector<16xf32>,
    %swap3A_104 = vector.shape_cast %swap3A_103 : vector<16xf32> to vector<16xf32>
    %swap3A_105 = vector.shape_cast %broadcast_in_dim3A_101 : vector<16xf32> to vector<16xf32>
    tpu.vector_store %arg27[%swap3A_102], %swap3A_105 {strides = array<i32>} : memref<640xf32, #tpu.memory_space<vmem>>, vector<16xf32>,
    %broadcast_in_dim3A_106 = arith.constant 0.000000e+00 : f32
    %broadcast_in_dim3A_107 = vector.broadcast %broadcast_in_dim3A_106 : f32 to vector<16xf32>
    %swap3A_108 = arith.constant 112 : index
    %swap3A_109 = tpu.vector_load %arg27[%swap3A_108] {strides = array<i32>} : memref<640xf32, #tpu.memory_space<vmem>>, vector<16xf32>,
    %swap3A_110 = vector.shape_cast %swap3A_109 : vector<16xf32> to vector<16xf32>
    %swap3A_111 = vector.shape_cast %broadcast_in_dim3A_107 : vector<16xf32> to vector<16xf32>
    tpu.vector_store %arg27[%swap3A_108], %swap3A_111 {strides = array<i32>} : memref<640xf32, #tpu.memory_space<vmem>>, vector<16xf32>,
    %broadcast_in_dim3A_112 = arith.constant 0.000000e+00 : f32
    %broadcast_in_dim3A_113 = vector.broadcast %broadcast_in_dim3A_112 : f32 to vector<16xf32>
    %swap3A_114 = arith.constant 128 : index
    %swap3A_115 = tpu.vector_load %arg27[%swap3A_114] {strides = array<i32>} : memref<640xf32, #tpu.memory_space<vmem>>, vector<16xf32>,
    %swap3A_116 = vector.shape_cast %swap3A_115 : vector<16xf32> to vector<16xf32>
    %swap3A_117 = vector.shape_cast %broadcast_in_dim3A_113 : vector<16xf32> to vector<16xf32>
    tpu.vector_store %arg27[%swap3A_114], %swap3A_117 {strides = array<i32>} : memref<640xf32, #tpu.memory_space<vmem>>, vector<16xf32>,
    %broadcast_in_dim3A_118 = arith.constant 0.000000e+00 : f32
    %broadcast_in_dim3A_119 = vector.broadcast %broadcast_in_dim3A_118 : f32 to vector<16xf32>
    %swap3A_120 = arith.constant 144 : index
    %swap3A_121 = tpu.vector_load %arg27[%swap3A_120] {strides = array<i32>} : memref<640xf32, #tpu.memory_space<vmem>>, vector<16xf32>,
    %swap3A_122 = vector.shape_cast %swap3A_121 : vector<16xf32> to vector<16xf32>
    %swap3A_123 = vector.shape_cast %broadcast_in_dim3A_119 : vector<16xf32> to vector<16xf32>
    tpu.vector_store %arg27[%swap3A_120], %swap3A_123 {strides = array<i32>} : memref<640xf32, #tpu.memory_space<vmem>>, vector<16xf32>,
    %broadcast_in_dim3A_124 = arith.constant 0.000000e+00 : f32
    %broadcast_in_dim3A_125 = vector.broadcast %broadcast_in_dim3A_124 : f32 to vector<16xf32>
    %swap3A_126 = arith.constant 160 : index
    %swap3A_127 = tpu.vector_load %arg27[%swap3A_126] {strides = array<i32>} : memref<640xf32, #tpu.memory_space<vmem>>, vector<16xf32>,
    %swap3A_128 = vector.shape_cast %swap3A_127 : vector<16xf32> to vector<16xf32>
    %swap3A_129 = vector.shape_cast %broadcast_in_dim3A_125 : vector<16xf32> to vector<16xf32>
    tpu.vector_store %arg27[%swap3A_126], %swap3A_129 {strides = array<i32>} : memref<640xf32, #tpu.memory_space<vmem>>, vector<16xf32>,
    %broadcast_in_dim3A_130 = arith.constant 0.000000e+00 : f32
    %broadcast_in_dim3A_131 = vector.broadcast %broadcast_in_dim3A_130 : f32 to vector<16xf32>
    %swap3A_132 = arith.constant 176 : index
    %swap3A_133 = tpu.vector_load %arg27[%swap3A_132] {strides = array<i32>} : memref<640xf32, #tpu.memory_space<vmem>>, vector<16xf32>,
    %swap3A_134 = vector.shape_cast %swap3A_133 : vector<16xf32> to vector<16xf32>
    %swap3A_135 = vector.shape_cast %broadcast_in_dim3A_131 : vector<16xf32> to vector<16xf32>
    tpu.vector_store %arg27[%swap3A_132], %swap3A_135 {strides = array<i32>} : memref<640xf32, #tpu.memory_space<vmem>>, vector<16xf32>,
    %broadcast_in_dim3A_136 = arith.constant 0.000000e+00 : f32
    %broadcast_in_dim3A_137 = vector.broadcast %broadcast_in_dim3A_136 : f32 to vector<16xf32>
    %swap3A_138 = arith.constant 192 : index
    %swap3A_139 = tpu.vector_load %arg27[%swap3A_138] {strides = array<i32>} : memref<640xf32, #tpu.memory_space<vmem>>, vector<16xf32>,
    %swap3A_140 = vector.shape_cast %swap3A_139 : vector<16xf32> to vector<16xf32>
    %swap3A_141 = vector.shape_cast %broadcast_in_dim3A_137 : vector<16xf32> to vector<16xf32>
    tpu.vector_store %arg27[%swap3A_138], %swap3A_141 {strides = array<i32>} : memref<640xf32, #tpu.memory_space<vmem>>, vector<16xf32>,
    %broadcast_in_dim3A_142 = arith.constant 0.000000e+00 : f32
    %broadcast_in_dim3A_143 = vector.broadcast %broadcast_in_dim3A_142 : f32 to vector<16xf32>
    %swap3A_144 = arith.constant 208 : index
    %swap3A_145 = tpu.vector_load %arg27[%swap3A_144] {strides = array<i32>} : memref<640xf32, #tpu.memory_space<vmem>>, vector<16xf32>,
    %swap3A_146 = vector.shape_cast %swap3A_145 : vector<16xf32> to vector<16xf32>
    %swap3A_147 = vector.shape_cast %broadcast_in_dim3A_143 : vector<16xf32> to vector<16xf32>
    tpu.vector_store %arg27[%swap3A_144], %swap3A_147 {strides = array<i32>} : memref<640xf32, #tpu.memory_space<vmem>>, vector<16xf32>,
    %broadcast_in_dim3A_148 = arith.constant 0.000000e+00 : f32
    %broadcast_in_dim3A_149 = vector.broadcast %broadcast_in_dim3A_148 : f32 to vector<16xf32>
    %swap3A_150 = arith.constant 224 : index
    %swap3A_151 = tpu.vector_load %arg27[%swap3A_150] {strides = array<i32>} : memref<640xf32, #tpu.memory_space<vmem>>, vector<16xf32>,
    %swap3A_152 = vector.shape_cast %swap3A_151 : vector<16xf32> to vector<16xf32>
    %swap3A_153 = vector.shape_cast %broadcast_in_dim3A_149 : vector<16xf32> to vector<16xf32>
    tpu.vector_store %arg27[%swap3A_150], %swap3A_153 {strides = array<i32>} : memref<640xf32, #tpu.memory_space<vmem>>, vector<16xf32>,
    %broadcast_in_dim3A_154 = arith.constant 0.000000e+00 : f32
    %broadcast_in_dim3A_155 = vector.broadcast %broadcast_in_dim3A_154 : f32 to vector<16xf32>
    %swap3A_156 = arith.constant 240 : index
    %swap3A_157 = tpu.vector_load %arg27[%swap3A_156] {strides = array<i32>} : memref<640xf32, #tpu.memory_space<vmem>>, vector<16xf32>,
    %swap3A_158 = vector.shape_cast %swap3A_157 : vector<16xf32> to vector<16xf32>
    %swap3A_159 = vector.shape_cast %broadcast_in_dim3A_155 : vector<16xf32> to vector<16xf32>
    tpu.vector_store %arg27[%swap3A_156], %swap3A_159 {strides = array<i32>} : memref<640xf32, #tpu.memory_space<vmem>>, vector<16xf32>,
    %broadcast_in_dim3A_160 = arith.constant 0.000000e+00 : f32
    %broadcast_in_dim3A_161 = vector.broadcast %broadcast_in_dim3A_160 : f32 to vector<16xf32>
    %swap3A_162 = arith.constant 256 : index
    %swap3A_163 = tpu.vector_load %arg27[%swap3A_162] {strides = array<i32>} : memref<640xf32, #tpu.memory_space<vmem>>, vector<16xf32>,
    %swap3A_164 = vector.shape_cast %swap3A_163 : vector<16xf32> to vector<16xf32>
    %swap3A_165 = vector.shape_cast %broadcast_in_dim3A_161 : vector<16xf32> to vector<16xf32>
    tpu.vector_store %arg27[%swap3A_162], %swap3A_165 {strides = array<i32>} : memref<640xf32, #tpu.memory_space<vmem>>, vector<16xf32>,
    %broadcast_in_dim3A_166 = arith.constant 0.000000e+00 : f32
    %broadcast_in_dim3A_167 = vector.broadcast %broadcast_in_dim3A_166 : f32 to vector<16xf32>
    %swap3A_168 = arith.constant 272 : index
    %swap3A_169 = tpu.vector_load %arg27[%swap3A_168] {strides = array<i32>} : memref<640xf32, #tpu.memory_space<vmem>>, vector<16xf32>,
    %swap3A_170 = vector.shape_cast %swap3A_169 : vector<16xf32> to vector<16xf32>
    %swap3A_171 = vector.shape_cast %broadcast_in_dim3A_167 : vector<16xf32> to vector<16xf32>
    tpu.vector_store %arg27[%swap3A_168], %swap3A_171 {strides = array<i32>} : memref<640xf32, #tpu.memory_space<vmem>>, vector<16xf32>,
    %broadcast_in_dim3A_172 = arith.constant 0.000000e+00 : f32
    %broadcast_in_dim3A_173 = vector.broadcast %broadcast_in_dim3A_172 : f32 to vector<16xf32>
    %swap3A_174 = arith.constant 288 : index
    %swap3A_175 = tpu.vector_load %arg27[%swap3A_174] {strides = array<i32>} : memref<640xf32, #tpu.memory_space<vmem>>, vector<16xf32>,
    %swap3A_176 = vector.shape_cast %swap3A_175 : vector<16xf32> to vector<16xf32>
    %swap3A_177 = vector.shape_cast %broadcast_in_dim3A_173 : vector<16xf32> to vector<16xf32>
    tpu.vector_store %arg27[%swap3A_174], %swap3A_177 {strides = array<i32>} : memref<640xf32, #tpu.memory_space<vmem>>, vector<16xf32>,
    %broadcast_in_dim3A_178 = arith.constant 0.000000e+00 : f32
    %broadcast_in_dim3A_179 = vector.broadcast %broadcast_in_dim3A_178 : f32 to vector<16xf32>
    %swap3A_180 = arith.constant 304 : index
    %swap3A_181 = tpu.vector_load %arg27[%swap3A_180] {strides = array<i32>} : memref<640xf32, #tpu.memory_space<vmem>>, vector<16xf32>,
    %swap3A_182 = vector.shape_cast %swap3A_181 : vector<16xf32> to vector<16xf32>
    %swap3A_183 = vector.shape_cast %broadcast_in_dim3A_179 : vector<16xf32> to vector<16xf32>
    tpu.vector_store %arg27[%swap3A_180], %swap3A_183 {strides = array<i32>} : memref<640xf32, #tpu.memory_space<vmem>>, vector<16xf32>,
    %broadcast_in_dim3A_184 = arith.constant 0.000000e+00 : f32
    %broadcast_in_dim3A_185 = vector.broadcast %broadcast_in_dim3A_184 : f32 to vector<16xf32>
    %swap3A_186 = arith.constant 320 : index
    %swap3A_187 = tpu.vector_load %arg27[%swap3A_186] {strides = array<i32>} : memref<640xf32, #tpu.memory_space<vmem>>, vector<16xf32>,
    %swap3A_188 = vector.shape_cast %swap3A_187 : vector<16xf32> to vector<16xf32>
    %swap3A_189 = vector.shape_cast %broadcast_in_dim3A_185 : vector<16xf32> to vector<16xf32>
    tpu.vector_store %arg27[%swap3A_186], %swap3A_189 {strides = array<i32>} : memref<640xf32, #tpu.memory_space<vmem>>, vector<16xf32>,
    %broadcast_in_dim3A_190 = arith.constant 0.000000e+00 : f32
    %broadcast_in_dim3A_191 = vector.broadcast %broadcast_in_dim3A_190 : f32 to vector<16xf32>
    %swap3A_192 = arith.constant 336 : index
    %swap3A_193 = tpu.vector_load %arg27[%swap3A_192] {strides = array<i32>} : memref<640xf32, #tpu.memory_space<vmem>>, vector<16xf32>,
    %swap3A_194 = vector.shape_cast %swap3A_193 : vector<16xf32> to vector<16xf32>
    %swap3A_195 = vector.shape_cast %broadcast_in_dim3A_191 : vector<16xf32> to vector<16xf32>
    tpu.vector_store %arg27[%swap3A_192], %swap3A_195 {strides = array<i32>} : memref<640xf32, #tpu.memory_space<vmem>>, vector<16xf32>,
    %broadcast_in_dim3A_196 = arith.constant 0.000000e+00 : f32
    %broadcast_in_dim3A_197 = vector.broadcast %broadcast_in_dim3A_196 : f32 to vector<16xf32>
    %swap3A_198 = arith.constant 352 : index
    %swap3A_199 = tpu.vector_load %arg27[%swap3A_198] {strides = array<i32>} : memref<640xf32, #tpu.memory_space<vmem>>, vector<16xf32>,
    %swap3A_200 = vector.shape_cast %swap3A_199 : vector<16xf32> to vector<16xf32>
    %swap3A_201 = vector.shape_cast %broadcast_in_dim3A_197 : vector<16xf32> to vector<16xf32>
    tpu.vector_store %arg27[%swap3A_198], %swap3A_201 {strides = array<i32>} : memref<640xf32, #tpu.memory_space<vmem>>, vector<16xf32>,
    %broadcast_in_dim3A_202 = arith.constant 0.000000e+00 : f32
    %broadcast_in_dim3A_203 = vector.broadcast %broadcast_in_dim3A_202 : f32 to vector<16xf32>
    %swap3A_204 = arith.constant 368 : index
    %swap3A_205 = tpu.vector_load %arg27[%swap3A_204] {strides = array<i32>} : memref<640xf32, #tpu.memory_space<vmem>>, vector<16xf32>,
    %swap3A_206 = vector.shape_cast %swap3A_205 : vector<16xf32> to vector<16xf32>
    %swap3A_207 = vector.shape_cast %broadcast_in_dim3A_203 : vector<16xf32> to vector<16xf32>
    tpu.vector_store %arg27[%swap3A_204], %swap3A_207 {strides = array<i32>} : memref<640xf32, #tpu.memory_space<vmem>>, vector<16xf32>,
    %broadcast_in_dim3A_208 = arith.constant 0.000000e+00 : f32
    %broadcast_in_dim3A_209 = vector.broadcast %broadcast_in_dim3A_208 : f32 to vector<16xf32>
    %swap3A_210 = arith.constant 384 : index
    %swap3A_211 = tpu.vector_load %arg27[%swap3A_210] {strides = array<i32>} : memref<640xf32, #tpu.memory_space<vmem>>, vector<16xf32>,
    %swap3A_212 = vector.shape_cast %swap3A_211 : vector<16xf32> to vector<16xf32>
    %swap3A_213 = vector.shape_cast %broadcast_in_dim3A_209 : vector<16xf32> to vector<16xf32>
    tpu.vector_store %arg27[%swap3A_210], %swap3A_213 {strides = array<i32>} : memref<640xf32, #tpu.memory_space<vmem>>, vector<16xf32>,
    %broadcast_in_dim3A_214 = arith.constant 0.000000e+00 : f32
    %broadcast_in_dim3A_215 = vector.broadcast %broadcast_in_dim3A_214 : f32 to vector<16xf32>
    %swap3A_216 = arith.constant 400 : index
    %swap3A_217 = tpu.vector_load %arg27[%swap3A_216] {strides = array<i32>} : memref<640xf32, #tpu.memory_space<vmem>>, vector<16xf32>,
    %swap3A_218 = vector.shape_cast %swap3A_217 : vector<16xf32> to vector<16xf32>
    %swap3A_219 = vector.shape_cast %broadcast_in_dim3A_215 : vector<16xf32> to vector<16xf32>
    tpu.vector_store %arg27[%swap3A_216], %swap3A_219 {strides = array<i32>} : memref<640xf32, #tpu.memory_space<vmem>>, vector<16xf32>,
    %broadcast_in_dim3A_220 = arith.constant 0.000000e+00 : f32
    %broadcast_in_dim3A_221 = vector.broadcast %broadcast_in_dim3A_220 : f32 to vector<16xf32>
    %swap3A_222 = arith.constant 416 : index
    %swap3A_223 = tpu.vector_load %arg27[%swap3A_222] {strides = array<i32>} : memref<640xf32, #tpu.memory_space<vmem>>, vector<16xf32>,
    %swap3A_224 = vector.shape_cast %swap3A_223 : vector<16xf32> to vector<16xf32>
    %swap3A_225 = vector.shape_cast %broadcast_in_dim3A_221 : vector<16xf32> to vector<16xf32>
    tpu.vector_store %arg27[%swap3A_222], %swap3A_225 {strides = array<i32>} : memref<640xf32, #tpu.memory_space<vmem>>, vector<16xf32>,
    %broadcast_in_dim3A_226 = arith.constant 0.000000e+00 : f32
    %broadcast_in_dim3A_227 = vector.broadcast %broadcast_in_dim3A_226 : f32 to vector<16xf32>
    %swap3A_228 = arith.constant 432 : index
    %swap3A_229 = tpu.vector_load %arg27[%swap3A_228] {strides = array<i32>} : memref<640xf32, #tpu.memory_space<vmem>>, vector<16xf32>,
    %swap3A_230 = vector.shape_cast %swap3A_229 : vector<16xf32> to vector<16xf32>
    %swap3A_231 = vector.shape_cast %broadcast_in_dim3A_227 : vector<16xf32> to vector<16xf32>
    tpu.vector_store %arg27[%swap3A_228], %swap3A_231 {strides = array<i32>} : memref<640xf32, #tpu.memory_space<vmem>>, vector<16xf32>,
    %broadcast_in_dim3A_232 = arith.constant 0.000000e+00 : f32
    %broadcast_in_dim3A_233 = vector.broadcast %broadcast_in_dim3A_232 : f32 to vector<16xf32>
    %swap3A_234 = arith.constant 448 : index
    %swap3A_235 = tpu.vector_load %arg27[%swap3A_234] {strides = array<i32>} : memref<640xf32, #tpu.memory_space<vmem>>, vector<16xf32>,
    %swap3A_236 = vector.shape_cast %swap3A_235 : vector<16xf32> to vector<16xf32>
    %swap3A_237 = vector.shape_cast %broadcast_in_dim3A_233 : vector<16xf32> to vector<16xf32>
    tpu.vector_store %arg27[%swap3A_234], %swap3A_237 {strides = array<i32>} : memref<640xf32, #tpu.memory_space<vmem>>, vector<16xf32>,
    %broadcast_in_dim3A_238 = arith.constant 0.000000e+00 : f32
    %broadcast_in_dim3A_239 = vector.broadcast %broadcast_in_dim3A_238 : f32 to vector<16xf32>
    %swap3A_240 = arith.constant 464 : index
    %swap3A_241 = tpu.vector_load %arg27[%swap3A_240] {strides = array<i32>} : memref<640xf32, #tpu.memory_space<vmem>>, vector<16xf32>,
    %swap3A_242 = vector.shape_cast %swap3A_241 : vector<16xf32> to vector<16xf32>
    %swap3A_243 = vector.shape_cast %broadcast_in_dim3A_239 : vector<16xf32> to vector<16xf32>
    tpu.vector_store %arg27[%swap3A_240], %swap3A_243 {strides = array<i32>} : memref<640xf32, #tpu.memory_space<vmem>>, vector<16xf32>,
    %broadcast_in_dim3A_244 = arith.constant 0.000000e+00 : f32
    %broadcast_in_dim3A_245 = vector.broadcast %broadcast_in_dim3A_244 : f32 to vector<16xf32>
    %swap3A_246 = arith.constant 480 : index
    %swap3A_247 = tpu.vector_load %arg27[%swap3A_246] {strides = array<i32>} : memref<640xf32, #tpu.memory_space<vmem>>, vector<16xf32>,
    %swap3A_248 = vector.shape_cast %swap3A_247 : vector<16xf32> to vector<16xf32>
    %swap3A_249 = vector.shape_cast %broadcast_in_dim3A_245 : vector<16xf32> to vector<16xf32>
    tpu.vector_store %arg27[%swap3A_246], %swap3A_249 {strides = array<i32>} : memref<640xf32, #tpu.memory_space<vmem>>, vector<16xf32>,
    %broadcast_in_dim3A_250 = arith.constant 0.000000e+00 : f32
    %broadcast_in_dim3A_251 = vector.broadcast %broadcast_in_dim3A_250 : f32 to vector<16xf32>
    %swap3A_252 = arith.constant 496 : index
    %swap3A_253 = tpu.vector_load %arg27[%swap3A_252] {strides = array<i32>} : memref<640xf32, #tpu.memory_space<vmem>>, vector<16xf32>,
    %swap3A_254 = vector.shape_cast %swap3A_253 : vector<16xf32> to vector<16xf32>
    %swap3A_255 = vector.shape_cast %broadcast_in_dim3A_251 : vector<16xf32> to vector<16xf32>
    tpu.vector_store %arg27[%swap3A_252], %swap3A_255 {strides = array<i32>} : memref<640xf32, #tpu.memory_space<vmem>>, vector<16xf32>,
    %broadcast_in_dim3A_256 = arith.constant 0.000000e+00 : f32
    %broadcast_in_dim3A_257 = vector.broadcast %broadcast_in_dim3A_256 : f32 to vector<16xf32>
    %swap3A_258 = arith.constant 512 : index
    %swap3A_259 = tpu.vector_load %arg27[%swap3A_258] {strides = array<i32>} : memref<640xf32, #tpu.memory_space<vmem>>, vector<16xf32>,
    %swap3A_260 = vector.shape_cast %swap3A_259 : vector<16xf32> to vector<16xf32>
    %swap3A_261 = vector.shape_cast %broadcast_in_dim3A_257 : vector<16xf32> to vector<16xf32>
    tpu.vector_store %arg27[%swap3A_258], %swap3A_261 {strides = array<i32>} : memref<640xf32, #tpu.memory_space<vmem>>, vector<16xf32>,
    %broadcast_in_dim3A_262 = arith.constant 0.000000e+00 : f32
    %broadcast_in_dim3A_263 = vector.broadcast %broadcast_in_dim3A_262 : f32 to vector<16xf32>
    %swap3A_264 = arith.constant 528 : index
    %swap3A_265 = tpu.vector_load %arg27[%swap3A_264] {strides = array<i32>} : memref<640xf32, #tpu.memory_space<vmem>>, vector<16xf32>,
    %swap3A_266 = vector.shape_cast %swap3A_265 : vector<16xf32> to vector<16xf32>
    %swap3A_267 = vector.shape_cast %broadcast_in_dim3A_263 : vector<16xf32> to vector<16xf32>
    tpu.vector_store %arg27[%swap3A_264], %swap3A_267 {strides = array<i32>} : memref<640xf32, #tpu.memory_space<vmem>>, vector<16xf32>,
    %broadcast_in_dim3A_268 = arith.constant 0.000000e+00 : f32
    %broadcast_in_dim3A_269 = vector.broadcast %broadcast_in_dim3A_268 : f32 to vector<16xf32>
    %swap3A_270 = arith.constant 544 : index
    %swap3A_271 = tpu.vector_load %arg27[%swap3A_270] {strides = array<i32>} : memref<640xf32, #tpu.memory_space<vmem>>, vector<16xf32>,
    %swap3A_272 = vector.shape_cast %swap3A_271 : vector<16xf32> to vector<16xf32>
    %swap3A_273 = vector.shape_cast %broadcast_in_dim3A_269 : vector<16xf32> to vector<16xf32>
    tpu.vector_store %arg27[%swap3A_270], %swap3A_273 {strides = array<i32>} : memref<640xf32, #tpu.memory_space<vmem>>, vector<16xf32>,
    %broadcast_in_dim3A_274 = arith.constant 0.000000e+00 : f32
    %broadcast_in_dim3A_275 = vector.broadcast %broadcast_in_dim3A_274 : f32 to vector<16xf32>
    %swap3A_276 = arith.constant 560 : index
    %swap3A_277 = tpu.vector_load %arg27[%swap3A_276] {strides = array<i32>} : memref<640xf32, #tpu.memory_space<vmem>>, vector<16xf32>,
    %swap3A_278 = vector.shape_cast %swap3A_277 : vector<16xf32> to vector<16xf32>
    %swap3A_279 = vector.shape_cast %broadcast_in_dim3A_275 : vector<16xf32> to vector<16xf32>
    tpu.vector_store %arg27[%swap3A_276], %swap3A_279 {strides = array<i32>} : memref<640xf32, #tpu.memory_space<vmem>>, vector<16xf32>,
    %broadcast_in_dim3A_280 = arith.constant 0.000000e+00 : f32
    %broadcast_in_dim3A_281 = vector.broadcast %broadcast_in_dim3A_280 : f32 to vector<16xf32>
    %swap3A_282 = arith.constant 576 : index
    %swap3A_283 = tpu.vector_load %arg27[%swap3A_282] {strides = array<i32>} : memref<640xf32, #tpu.memory_space<vmem>>, vector<16xf32>,
    %swap3A_284 = vector.shape_cast %swap3A_283 : vector<16xf32> to vector<16xf32>
    %swap3A_285 = vector.shape_cast %broadcast_in_dim3A_281 : vector<16xf32> to vector<16xf32>
    tpu.vector_store %arg27[%swap3A_282], %swap3A_285 {strides = array<i32>} : memref<640xf32, #tpu.memory_space<vmem>>, vector<16xf32>,
    %broadcast_in_dim3A_286 = arith.constant 0.000000e+00 : f32
    %broadcast_in_dim3A_287 = vector.broadcast %broadcast_in_dim3A_286 : f32 to vector<16xf32>
    %swap3A_288 = arith.constant 592 : index
    %swap3A_289 = tpu.vector_load %arg27[%swap3A_288] {strides = array<i32>} : memref<640xf32, #tpu.memory_space<vmem>>, vector<16xf32>,
    %swap3A_290 = vector.shape_cast %swap3A_289 : vector<16xf32> to vector<16xf32>
    %swap3A_291 = vector.shape_cast %broadcast_in_dim3A_287 : vector<16xf32> to vector<16xf32>
    tpu.vector_store %arg27[%swap3A_288], %swap3A_291 {strides = array<i32>} : memref<640xf32, #tpu.memory_space<vmem>>, vector<16xf32>,
    %broadcast_in_dim3A_292 = arith.constant 0.000000e+00 : f32
    %broadcast_in_dim3A_293 = vector.broadcast %broadcast_in_dim3A_292 : f32 to vector<16xf32>
    %swap3A_294 = arith.constant 608 : index
    %swap3A_295 = tpu.vector_load %arg27[%swap3A_294] {strides = array<i32>} : memref<640xf32, #tpu.memory_space<vmem>>, vector<16xf32>,
    %swap3A_296 = vector.shape_cast %swap3A_295 : vector<16xf32> to vector<16xf32>
    %swap3A_297 = vector.shape_cast %broadcast_in_dim3A_293 : vector<16xf32> to vector<16xf32>
    tpu.vector_store %arg27[%swap3A_294], %swap3A_297 {strides = array<i32>} : memref<640xf32, #tpu.memory_space<vmem>>, vector<16xf32>,
    %broadcast_in_dim3A_298 = arith.constant 0.000000e+00 : f32
    %broadcast_in_dim3A_299 = vector.broadcast %broadcast_in_dim3A_298 : f32 to vector<16xf32>
    %swap3A_300 = arith.constant 624 : index
    %swap3A_301 = tpu.vector_load %arg27[%swap3A_300] {strides = array<i32>} : memref<640xf32, #tpu.memory_space<vmem>>, vector<16xf32>,
    %swap3A_302 = vector.shape_cast %swap3A_301 : vector<16xf32> to vector<16xf32>
    %swap3A_303 = vector.shape_cast %broadcast_in_dim3A_299 : vector<16xf32> to vector<16xf32>
    tpu.vector_store %arg27[%swap3A_300], %swap3A_303 {strides = array<i32>} : memref<640xf32, #tpu.memory_space<vmem>>, vector<16xf32>,
    "tpu.region"() ({
      %run_scoped3A = tpu.sem_alloc : memref<!tpu.dma_semaphore, #tpu.memory_space<semaphore_mem>>
      %dma_start3A_449 = tpu.memref_slice %arg28[%mul3A_2] : memref<10240xf32, #tpu.memory_space<vmem_shared>> -> memref<640xf32, #tpu.memory_space<vmem_shared>>
      %dma_start3A_450 = tpu.memref_slice %arg28[%mul3A_2] : memref<10240xf32, #tpu.memory_space<vmem_shared>> -> memref<640xf32, #tpu.memory_space<vmem_shared>>
      tpu.enqueue_dma source(%arg27 : memref<640xf32, #tpu.memory_space<vmem>>) target(%dma_start3A_450 : memref<640xf32, #tpu.memory_space<vmem_shared>>) target_semaphore(%run_scoped3A : memref<!tpu.dma_semaphore, #tpu.memory_space<semaphore_mem>>)
      %dma_wait3A_451 = tpu.memref_slice %arg28[%mul3A_2] : memref<10240xf32, #tpu.memory_space<vmem_shared>> -> memref<640xf32, #tpu.memory_space<vmem_shared>>
      %dma_wait3A_452 = tpu.memref_slice %arg28[%mul3A_2] : memref<10240xf32, #tpu.memory_space<vmem_shared>> -> memref<640xf32, #tpu.memory_space<vmem_shared>>
      tpu.wait_dma2 semaphore(%run_scoped3A : memref<!tpu.dma_semaphore, #tpu.memory_space<semaphore_mem>>) src(%arg27 : memref<640xf32, #tpu.memory_space<vmem>>) dst(%dma_wait3A_452 : memref<640xf32, #tpu.memory_space<vmem_shared>>)
      tpu.yield
    }) : () -> ()
    %barrier3A = arith.constant 0 : index
    tpu.barrier barrier_id(%barrier3A)
    %mul3A_304 = arith.constant 10240 : i32
    %mul3A_305 = arith.muli %add3A, %mul3A_304 : i32
    %add3A_306 = arith.constant 0 : i32
    %add3A_307 = arith.addi %mul3A_305, %add3A_306 : i32
    %dma_start3A = tpu.memref_slice %arg3[%add3A_307] : memref<327680xi32, #tpu.memory_space<hbm>> -> memref<128xi32, #tpu.memory_space<hbm>>
    %dma_start3A_308 = tpu.memref_slice %arg3[%add3A_307] : memref<327680xi32, #tpu.memory_space<hbm>> -> memref<128xi32, #tpu.memory_space<hbm>>
    tpu.enqueue_dma source(%dma_start3A_308 : memref<128xi32, #tpu.memory_space<hbm>>) target(%arg7 : memref<128xi32, #tpu.memory_space<vmem>>) target_semaphore(%arg18 : memref<!tpu.dma_semaphore, #tpu.memory_space<semaphore_mem>>)
    %dma_start3A_309 = tpu.memref_slice %arg4[%add3A_307] : memref<327680xi32, #tpu.memory_space<hbm>> -> memref<128xi32, #tpu.memory_space<hbm>>
    %dma_start3A_310 = tpu.memref_slice %arg4[%add3A_307] : memref<327680xi32, #tpu.memory_space<hbm>> -> memref<128xi32, #tpu.memory_space<hbm>>
    tpu.enqueue_dma source(%dma_start3A_310 : memref<128xi32, #tpu.memory_space<hbm>>) target(%arg11 : memref<128xi32, #tpu.memory_space<vmem>>) target_semaphore(%arg18 : memref<!tpu.dma_semaphore, #tpu.memory_space<semaphore_mem>>)
    %mul3A_311 = arith.constant 10240 : i32
    %mul3A_312 = arith.muli %add3A, %mul3A_311 : i32
    %add3A_313 = arith.constant 128 : i32
    %add3A_314 = arith.addi %mul3A_312, %add3A_313 : i32
    %dma_start3A_315 = tpu.memref_slice %arg3[%add3A_314] : memref<327680xi32, #tpu.memory_space<hbm>> -> memref<128xi32, #tpu.memory_space<hbm>>
    %dma_start3A_316 = tpu.memref_slice %arg3[%add3A_314] : memref<327680xi32, #tpu.memory_space<hbm>> -> memref<128xi32, #tpu.memory_space<hbm>>
    tpu.enqueue_dma source(%dma_start3A_316 : memref<128xi32, #tpu.memory_space<hbm>>) target(%arg8 : memref<128xi32, #tpu.memory_space<vmem>>) target_semaphore(%arg19 : memref<!tpu.dma_semaphore, #tpu.memory_space<semaphore_mem>>)
    %dma_start3A_317 = tpu.memref_slice %arg4[%add3A_314] : memref<327680xi32, #tpu.memory_space<hbm>> -> memref<128xi32, #tpu.memory_space<hbm>>
    %dma_start3A_318 = tpu.memref_slice %arg4[%add3A_314] : memref<327680xi32, #tpu.memory_space<hbm>> -> memref<128xi32, #tpu.memory_space<hbm>>
    tpu.enqueue_dma source(%dma_start3A_318 : memref<128xi32, #tpu.memory_space<hbm>>) target(%arg12 : memref<128xi32, #tpu.memory_space<vmem>>) target_semaphore(%arg19 : memref<!tpu.dma_semaphore, #tpu.memory_space<semaphore_mem>>)
    %mul3A_319 = arith.constant 10240 : i32
    %mul3A_320 = arith.muli %add3A, %mul3A_319 : i32
    %add3A_321 = arith.constant 256 : i32
    %add3A_322 = arith.addi %mul3A_320, %add3A_321 : i32
    %dma_start3A_323 = tpu.memref_slice %arg3[%add3A_322] : memref<327680xi32, #tpu.memory_space<hbm>> -> memref<128xi32, #tpu.memory_space<hbm>>
    %dma_start3A_324 = tpu.memref_slice %arg3[%add3A_322] : memref<327680xi32, #tpu.memory_space<hbm>> -> memref<128xi32, #tpu.memory_space<hbm>>
    tpu.enqueue_dma source(%dma_start3A_324 : memref<128xi32, #tpu.memory_space<hbm>>) target(%arg9 : memref<128xi32, #tpu.memory_space<vmem>>) target_semaphore(%arg20 : memref<!tpu.dma_semaphore, #tpu.memory_space<semaphore_mem>>)
    %dma_start3A_325 = tpu.memref_slice %arg4[%add3A_322] : memref<327680xi32, #tpu.memory_space<hbm>> -> memref<128xi32, #tpu.memory_space<hbm>>
    %dma_start3A_326 = tpu.memref_slice %arg4[%add3A_322] : memref<327680xi32, #tpu.memory_space<hbm>> -> memref<128xi32, #tpu.memory_space<hbm>>
    tpu.enqueue_dma source(%dma_start3A_326 : memref<128xi32, #tpu.memory_space<hbm>>) target(%arg13 : memref<128xi32, #tpu.memory_space<vmem>>) target_semaphore(%arg20 : memref<!tpu.dma_semaphore, #tpu.memory_space<semaphore_mem>>)
    %mul3A_327 = arith.constant 10240 : i32
    %mul3A_328 = arith.muli %add3A, %mul3A_327 : i32
    %add3A_329 = arith.constant 384 : i32
    %add3A_330 = arith.addi %mul3A_328, %add3A_329 : i32
    %dma_start3A_331 = tpu.memref_slice %arg3[%add3A_330] : memref<327680xi32, #tpu.memory_space<hbm>> -> memref<128xi32, #tpu.memory_space<hbm>>
    %dma_start3A_332 = tpu.memref_slice %arg3[%add3A_330] : memref<327680xi32, #tpu.memory_space<hbm>> -> memref<128xi32, #tpu.memory_space<hbm>>
    tpu.enqueue_dma source(%dma_start3A_332 : memref<128xi32, #tpu.memory_space<hbm>>) target(%arg10 : memref<128xi32, #tpu.memory_space<vmem>>) target_semaphore(%arg21 : memref<!tpu.dma_semaphore, #tpu.memory_space<semaphore_mem>>)
    %dma_start3A_333 = tpu.memref_slice %arg4[%add3A_330] : memref<327680xi32, #tpu.memory_space<hbm>> -> memref<128xi32, #tpu.memory_space<hbm>>
    %dma_start3A_334 = tpu.memref_slice %arg4[%add3A_330] : memref<327680xi32, #tpu.memory_space<hbm>> -> memref<128xi32, #tpu.memory_space<hbm>>
    tpu.enqueue_dma source(%dma_start3A_334 : memref<128xi32, #tpu.memory_space<hbm>>) target(%arg14 : memref<128xi32, #tpu.memory_space<vmem>>) target_semaphore(%arg21 : memref<!tpu.dma_semaphore, #tpu.memory_space<semaphore_mem>>)
    %mul3A_335 = arith.constant 10240 : i32
    %mul3A_336 = arith.muli %add3A, %mul3A_335 : i32
    %add3A_337 = arith.constant 0 : i32
    %add3A_338 = arith.addi %mul3A_336, %add3A_337 : i32
    %dma_wait3A = tpu.memref_slice %arg3[%add3A_338] : memref<327680xi32, #tpu.memory_space<hbm>> -> memref<128xi32, #tpu.memory_space<hbm>>
    %dma_wait3A_339 = tpu.memref_slice %arg3[%add3A_338] : memref<327680xi32, #tpu.memory_space<hbm>> -> memref<128xi32, #tpu.memory_space<hbm>>
    tpu.wait_dma2 semaphore(%arg18 : memref<!tpu.dma_semaphore, #tpu.memory_space<semaphore_mem>>) src(%dma_wait3A_339 : memref<128xi32, #tpu.memory_space<hbm>>) dst(%arg7 : memref<128xi32, #tpu.memory_space<vmem>>)
    %dma_wait3A_340 = tpu.memref_slice %arg4[%add3A_338] : memref<327680xi32, #tpu.memory_space<hbm>> -> memref<128xi32, #tpu.memory_space<hbm>>
    %dma_wait3A_341 = tpu.memref_slice %arg4[%add3A_338] : memref<327680xi32, #tpu.memory_space<hbm>> -> memref<128xi32, #tpu.memory_space<hbm>>
    tpu.wait_dma2 semaphore(%arg18 : memref<!tpu.dma_semaphore, #tpu.memory_space<semaphore_mem>>) src(%dma_wait3A_341 : memref<128xi32, #tpu.memory_space<hbm>>) dst(%arg11 : memref<128xi32, #tpu.memory_space<vmem>>)
    %dma_start3A_342 = arith.constant 0 : i32
    %dma_start3A_343 = arith.constant 0 : i32
    %dma_start3A_344 = tpu.memref_slice %arg2[%dma_start3A_342, %dma_start3A_343] : memref<10240x128xf32, #tpu.memory_space<hbm>> -> memref<10240x128xf32, #tpu.memory_space<hbm>>
    tpu.enqueue_indirect_dma source(%dma_start3A_344 : memref<10240x128xf32, #tpu.memory_space<hbm>>) target(%arg15 : memref<128x128xf32, #tpu.memory_space<vmem>>) offsets(%arg7 : memref<128xi32, #tpu.memory_space<vmem>>) semaphore(%arg22 : memref<!tpu.dma_semaphore, #tpu.memory_space<semaphore_mem>>)
    %mul3A_345 = arith.constant 10240 : i32
    %mul3A_346 = arith.muli %add3A, %mul3A_345 : i32
    %add3A_347 = arith.constant 128 : i32
    %add3A_348 = arith.addi %mul3A_346, %add3A_347 : i32
    %dma_wait3A_349 = tpu.memref_slice %arg3[%add3A_348] : memref<327680xi32, #tpu.memory_space<hbm>> -> memref<128xi32, #tpu.memory_space<hbm>>
    %dma_wait3A_350 = tpu.memref_slice %arg3[%add3A_348] : memref<327680xi32, #tpu.memory_space<hbm>> -> memref<128xi32, #tpu.memory_space<hbm>>
    tpu.wait_dma2 semaphore(%arg19 : memref<!tpu.dma_semaphore, #tpu.memory_space<semaphore_mem>>) src(%dma_wait3A_350 : memref<128xi32, #tpu.memory_space<hbm>>) dst(%arg8 : memref<128xi32, #tpu.memory_space<vmem>>)
    %dma_wait3A_351 = tpu.memref_slice %arg4[%add3A_348] : memref<327680xi32, #tpu.memory_space<hbm>> -> memref<128xi32, #tpu.memory_space<hbm>>
    %dma_wait3A_352 = tpu.memref_slice %arg4[%add3A_348] : memref<327680xi32, #tpu.memory_space<hbm>> -> memref<128xi32, #tpu.memory_space<hbm>>
    tpu.wait_dma2 semaphore(%arg19 : memref<!tpu.dma_semaphore, #tpu.memory_space<semaphore_mem>>) src(%dma_wait3A_352 : memref<128xi32, #tpu.memory_space<hbm>>) dst(%arg12 : memref<128xi32, #tpu.memory_space<vmem>>)
    %dma_start3A_353 = arith.constant 0 : i32
    %dma_start3A_354 = arith.constant 0 : i32
    %dma_start3A_355 = tpu.memref_slice %arg2[%dma_start3A_353, %dma_start3A_354] : memref<10240x128xf32, #tpu.memory_space<hbm>> -> memref<10240x128xf32, #tpu.memory_space<hbm>>
    tpu.enqueue_indirect_dma source(%dma_start3A_355 : memref<10240x128xf32, #tpu.memory_space<hbm>>) target(%arg16 : memref<128x128xf32, #tpu.memory_space<vmem>>) offsets(%arg8 : memref<128xi32, #tpu.memory_space<vmem>>) semaphore(%arg23 : memref<!tpu.dma_semaphore, #tpu.memory_space<semaphore_mem>>)
    %dma_wait3A_356 = arith.constant 0 : i32
    %dma_wait3A_357 = arith.constant 0 : i32
    %dma_wait3A_358 = tpu.memref_slice %arg2[%dma_wait3A_356, %dma_wait3A_357] : memref<10240x128xf32, #tpu.memory_space<hbm>> -> memref<10240x128xf32, #tpu.memory_space<hbm>>
    tpu.wait_indirect_dma semaphore(%arg22 : memref<!tpu.dma_semaphore, #tpu.memory_space<semaphore_mem>>) src(%dma_wait3A_358 : memref<10240x128xf32, #tpu.memory_space<hbm>>) dst(%arg15 : memref<128x128xf32, #tpu.memory_space<vmem>>)
    %dma_start3A_359 = arith.constant 0 : i32
    %dma_start3A_360 = arith.constant 0 : i32
    %dma_start3A_361 = tpu.memref_slice %arg17[%dma_start3A_359, %dma_start3A_360] : memref<10240x128xf32, #tpu.memory_space<vmem_shared>> -> memref<10240x128xf32, #tpu.memory_space<vmem_shared>>
    tpu.enqueue_indirect_dma source(%arg15 : memref<128x128xf32, #tpu.memory_space<vmem>>) target(%dma_start3A_361 : memref<10240x128xf32, #tpu.memory_space<vmem_shared>>) offsets(%arg11 : memref<128xi32, #tpu.memory_space<vmem>>) semaphore(%arg24 : memref<!tpu.dma_semaphore, #tpu.memory_space<semaphore_mem>>) {add = true}
    "tpu.region"() ({
      %run_scoped3A = tpu.sem_alloc : memref<!tpu.dma_semaphore, #tpu.memory_space<semaphore_mem>>
      %dma_start3A_449 = arith.constant 0 : i32
      %dma_start3A_450 = tpu.memref_slice %arg28[%dma_start3A_449] : memref<10240xf32, #tpu.memory_space<vmem_shared>> -> memref<10240xf32, #tpu.memory_space<vmem_shared>>
      tpu.enqueue_indirect_dma source(%arg26 : memref<128xf32, #tpu.memory_space<vmem>>) target(%dma_start3A_450 : memref<10240xf32, #tpu.memory_space<vmem_shared>>) offsets(%arg11 : memref<128xi32, #tpu.memory_space<vmem>>) semaphore(%run_scoped3A : memref<!tpu.dma_semaphore, #tpu.memory_space<semaphore_mem>>) {add = true}
      %dma_wait3A_451 = arith.constant 0 : i32
      %dma_wait3A_452 = tpu.memref_slice %arg28[%dma_wait3A_451] : memref<10240xf32, #tpu.memory_space<vmem_shared>> -> memref<10240xf32, #tpu.memory_space<vmem_shared>>
      tpu.wait_indirect_dma semaphore(%run_scoped3A : memref<!tpu.dma_semaphore, #tpu.memory_space<semaphore_mem>>) src(%arg26 : memref<128xf32, #tpu.memory_space<vmem>>) dst(%dma_wait3A_452 : memref<10240xf32, #tpu.memory_space<vmem_shared>>)
      tpu.yield
    }) : () -> ()
    %scan3A_362 = arith.constant 0 : i32
    %scan3A_363 = arith.constant 0 : i32
    %scan3A_364 = arith.constant 19 : i32
    %scan3A_365 = arith.addi %scan3A_363, %scan3A_364 : i32
    %scan3A_366 = arith.constant 1 : i32
    scf.for %scan3A_449 = %scan3A_363 to %scan3A_365 step %scan3A_366  : i32 {
      %mul3A_450 = arith.constant 4 : i32
      %mul3A_451 = arith.muli %mul3A_450, %scan3A_449 : i32
      %add3A_452 = arith.constant 2 : i32
      %add3A_453 = arith.addi %add3A_452, %mul3A_451 : i32
      %add3A_454 = arith.constant 0 : i32
      %add3A_455 = arith.addi %add3A_453, %add3A_454 : i32
      %dma_wait3A_456 = arith.constant 0 : i32
      %dma_wait3A_457 = arith.constant 0 : i32
      %dma_wait3A_458 = tpu.memref_slice %arg17[%dma_wait3A_456, %dma_wait3A_457] : memref<10240x128xf32, #tpu.memory_space<vmem_shared>> -> memref<10240x128xf32, #tpu.memory_space<vmem_shared>>
      tpu.wait_indirect_dma semaphore(%arg24 : memref<!tpu.dma_semaphore, #tpu.memory_space<semaphore_mem>>) src(%arg15 : memref<128x128xf32, #tpu.memory_space<vmem>>) dst(%dma_wait3A_458 : memref<10240x128xf32, #tpu.memory_space<vmem_shared>>)
      %mul3A_459 = arith.constant 10240 : i32
      %mul3A_460 = arith.muli %add3A, %mul3A_459 : i32
      %mul3A_461 = arith.constant 128 : i32
      %mul3A_462 = arith.muli %add3A_455, %mul3A_461 : i32
      %add3A_463 = arith.addi %mul3A_460, %mul3A_462 : i32
      %dma_wait3A_464 = tpu.memref_slice %arg3[%add3A_463] : memref<327680xi32, #tpu.memory_space<hbm>> -> memref<128xi32, #tpu.memory_space<hbm>>
      %dma_wait3A_465 = tpu.memref_slice %arg3[%add3A_463] : memref<327680xi32, #tpu.memory_space<hbm>> -> memref<128xi32, #tpu.memory_space<hbm>>
      tpu.wait_dma2 semaphore(%arg20 : memref<!tpu.dma_semaphore, #tpu.memory_space<semaphore_mem>>) src(%dma_wait3A_465 : memref<128xi32, #tpu.memory_space<hbm>>) dst(%arg9 : memref<128xi32, #tpu.memory_space<vmem>>)
      %dma_wait3A_466 = tpu.memref_slice %arg4[%add3A_463] : memref<327680xi32, #tpu.memory_space<hbm>> -> memref<128xi32, #tpu.memory_space<hbm>>
      %dma_wait3A_467 = tpu.memref_slice %arg4[%add3A_463] : memref<327680xi32, #tpu.memory_space<hbm>> -> memref<128xi32, #tpu.memory_space<hbm>>
      tpu.wait_dma2 semaphore(%arg20 : memref<!tpu.dma_semaphore, #tpu.memory_space<semaphore_mem>>) src(%dma_wait3A_467 : memref<128xi32, #tpu.memory_space<hbm>>) dst(%arg13 : memref<128xi32, #tpu.memory_space<vmem>>)
      %dma_start3A_468 = arith.constant 0 : i32
      %dma_start3A_469 = arith.constant 0 : i32
      %dma_start3A_470 = tpu.memref_slice %arg2[%dma_start3A_468, %dma_start3A_469] : memref<10240x128xf32, #tpu.memory_space<hbm>> -> memref<10240x128xf32, #tpu.memory_space<hbm>>
      tpu.enqueue_indirect_dma source(%dma_start3A_470 : memref<10240x128xf32, #tpu.memory_space<hbm>>) target(%arg15 : memref<128x128xf32, #tpu.memory_space<vmem>>) offsets(%arg9 : memref<128xi32, #tpu.memory_space<vmem>>) semaphore(%arg22 : memref<!tpu.dma_semaphore, #tpu.memory_space<semaphore_mem>>)
      %add3A_471 = arith.constant 2 : i32
      %add3A_472 = arith.addi %add3A_455, %add3A_471 : i32
      %mul3A_473 = arith.constant 10240 : i32
      %mul3A_474 = arith.muli %add3A, %mul3A_473 : i32
      %mul3A_475 = arith.constant 128 : i32
      %mul3A_476 = arith.muli %add3A_472, %mul3A_475 : i32
      %add3A_477 = arith.addi %mul3A_474, %mul3A_476 : i32
      %dma_start3A_478 = tpu.memref_slice %arg3[%add3A_477] : memref<327680xi32, #tpu.memory_space<hbm>> -> memref<128xi32, #tpu.memory_space<hbm>>
      %dma_start3A_479 = tpu.memref_slice %arg3[%add3A_477] : memref<327680xi32, #tpu.memory_space<hbm>> -> memref<128xi32, #tpu.memory_space<hbm>>
      tpu.enqueue_dma source(%dma_start3A_479 : memref<128xi32, #tpu.memory_space<hbm>>) target(%arg7 : memref<128xi32, #tpu.memory_space<vmem>>) target_semaphore(%arg18 : memref<!tpu.dma_semaphore, #tpu.memory_space<semaphore_mem>>)
      %dma_start3A_480 = tpu.memref_slice %arg4[%add3A_477] : memref<327680xi32, #tpu.memory_space<hbm>> -> memref<128xi32, #tpu.memory_space<hbm>>
      %dma_start3A_481 = tpu.memref_slice %arg4[%add3A_477] : memref<327680xi32, #tpu.memory_space<hbm>> -> memref<128xi32, #tpu.memory_space<hbm>>
      tpu.enqueue_dma source(%dma_start3A_481 : memref<128xi32, #tpu.memory_space<hbm>>) target(%arg11 : memref<128xi32, #tpu.memory_space<vmem>>) target_semaphore(%arg18 : memref<!tpu.dma_semaphore, #tpu.memory_space<semaphore_mem>>)
      %dma_wait3A_482 = arith.constant 0 : i32
      %dma_wait3A_483 = arith.constant 0 : i32
      %dma_wait3A_484 = tpu.memref_slice %arg2[%dma_wait3A_482, %dma_wait3A_483] : memref<10240x128xf32, #tpu.memory_space<hbm>> -> memref<10240x128xf32, #tpu.memory_space<hbm>>
      tpu.wait_indirect_dma semaphore(%arg23 : memref<!tpu.dma_semaphore, #tpu.memory_space<semaphore_mem>>) src(%dma_wait3A_484 : memref<10240x128xf32, #tpu.memory_space<hbm>>) dst(%arg16 : memref<128x128xf32, #tpu.memory_space<vmem>>)
      %dma_start3A_485 = arith.constant 0 : i32
      %dma_start3A_486 = arith.constant 0 : i32
      %dma_start3A_487 = tpu.memref_slice %arg17[%dma_start3A_485, %dma_start3A_486] : memref<10240x128xf32, #tpu.memory_space<vmem_shared>> -> memref<10240x128xf32, #tpu.memory_space<vmem_shared>>
      tpu.enqueue_indirect_dma source(%arg16 : memref<128x128xf32, #tpu.memory_space<vmem>>) target(%dma_start3A_487 : memref<10240x128xf32, #tpu.memory_space<vmem_shared>>) offsets(%arg12 : memref<128xi32, #tpu.memory_space<vmem>>) semaphore(%arg25 : memref<!tpu.dma_semaphore, #tpu.memory_space<semaphore_mem>>) {add = true}
      "tpu.region"() ({
        %run_scoped3A = tpu.sem_alloc : memref<!tpu.dma_semaphore, #tpu.memory_space<semaphore_mem>>
        %dma_start3A_602 = arith.constant 0 : i32
        %dma_start3A_603 = tpu.memref_slice %arg28[%dma_start3A_602] : memref<10240xf32, #tpu.memory_space<vmem_shared>> -> memref<10240xf32, #tpu.memory_space<vmem_shared>>
        tpu.enqueue_indirect_dma source(%arg26 : memref<128xf32, #tpu.memory_space<vmem>>) target(%dma_start3A_603 : memref<10240xf32, #tpu.memory_space<vmem_shared>>) offsets(%arg12 : memref<128xi32, #tpu.memory_space<vmem>>) semaphore(%run_scoped3A : memref<!tpu.dma_semaphore, #tpu.memory_space<semaphore_mem>>) {add = true}
        %dma_wait3A_604 = arith.constant 0 : i32
        %dma_wait3A_605 = tpu.memref_slice %arg28[%dma_wait3A_604] : memref<10240xf32, #tpu.memory_space<vmem_shared>> -> memref<10240xf32, #tpu.memory_space<vmem_shared>>
        tpu.wait_indirect_dma semaphore(%run_scoped3A : memref<!tpu.dma_semaphore, #tpu.memory_space<semaphore_mem>>) src(%arg26 : memref<128xf32, #tpu.memory_space<vmem>>) dst(%dma_wait3A_605 : memref<10240xf32, #tpu.memory_space<vmem_shared>>)
        tpu.yield
      }) : () -> ()
      %mul3A_488 = arith.constant 4 : i32
      %mul3A_489 = arith.muli %mul3A_488, %scan3A_449 : i32
      %add3A_490 = arith.constant 2 : i32
      %add3A_491 = arith.addi %add3A_490, %mul3A_489 : i32
      %add3A_492 = arith.constant 1 : i32
      %add3A_493 = arith.addi %add3A_491, %add3A_492 : i32
      %dma_wait3A_494 = arith.constant 0 : i32
      %dma_wait3A_495 = arith.constant 0 : i32
      %dma_wait3A_496 = tpu.memref_slice %arg17[%dma_wait3A_494, %dma_wait3A_495] : memref<10240x128xf32, #tpu.memory_space<vmem_shared>> -> memref<10240x128xf32, #tpu.memory_space<vmem_shared>>
      tpu.wait_indirect_dma semaphore(%arg25 : memref<!tpu.dma_semaphore, #tpu.memory_space<semaphore_mem>>) src(%arg16 : memref<128x128xf32, #tpu.memory_space<vmem>>) dst(%dma_wait3A_496 : memref<10240x128xf32, #tpu.memory_space<vmem_shared>>)
      %mul3A_497 = arith.constant 10240 : i32
      %mul3A_498 = arith.muli %add3A, %mul3A_497 : i32
      %mul3A_499 = arith.constant 128 : i32
      %mul3A_500 = arith.muli %add3A_493, %mul3A_499 : i32
      %add3A_501 = arith.addi %mul3A_498, %mul3A_500 : i32
      %dma_wait3A_502 = tpu.memref_slice %arg3[%add3A_501] : memref<327680xi32, #tpu.memory_space<hbm>> -> memref<128xi32, #tpu.memory_space<hbm>>
      %dma_wait3A_503 = tpu.memref_slice %arg3[%add3A_501] : memref<327680xi32, #tpu.memory_space<hbm>> -> memref<128xi32, #tpu.memory_space<hbm>>
      tpu.wait_dma2 semaphore(%arg21 : memref<!tpu.dma_semaphore, #tpu.memory_space<semaphore_mem>>) src(%dma_wait3A_503 : memref<128xi32, #tpu.memory_space<hbm>>) dst(%arg10 : memref<128xi32, #tpu.memory_space<vmem>>)
      %dma_wait3A_504 = tpu.memref_slice %arg4[%add3A_501] : memref<327680xi32, #tpu.memory_space<hbm>> -> memref<128xi32, #tpu.memory_space<hbm>>
      %dma_wait3A_505 = tpu.memref_slice %arg4[%add3A_501] : memref<327680xi32, #tpu.memory_space<hbm>> -> memref<128xi32, #tpu.memory_space<hbm>>
      tpu.wait_dma2 semaphore(%arg21 : memref<!tpu.dma_semaphore, #tpu.memory_space<semaphore_mem>>) src(%dma_wait3A_505 : memref<128xi32, #tpu.memory_space<hbm>>) dst(%arg14 : memref<128xi32, #tpu.memory_space<vmem>>)
      %dma_start3A_506 = arith.constant 0 : i32
      %dma_start3A_507 = arith.constant 0 : i32
      %dma_start3A_508 = tpu.memref_slice %arg2[%dma_start3A_506, %dma_start3A_507] : memref<10240x128xf32, #tpu.memory_space<hbm>> -> memref<10240x128xf32, #tpu.memory_space<hbm>>
      tpu.enqueue_indirect_dma source(%dma_start3A_508 : memref<10240x128xf32, #tpu.memory_space<hbm>>) target(%arg16 : memref<128x128xf32, #tpu.memory_space<vmem>>) offsets(%arg10 : memref<128xi32, #tpu.memory_space<vmem>>) semaphore(%arg23 : memref<!tpu.dma_semaphore, #tpu.memory_space<semaphore_mem>>)
      %add3A_509 = arith.constant 2 : i32
      %add3A_510 = arith.addi %add3A_493, %add3A_509 : i32
      %mul3A_511 = arith.constant 10240 : i32
      %mul3A_512 = arith.muli %add3A, %mul3A_511 : i32
      %mul3A_513 = arith.constant 128 : i32
      %mul3A_514 = arith.muli %add3A_510, %mul3A_513 : i32
      %add3A_515 = arith.addi %mul3A_512, %mul3A_514 : i32
      %dma_start3A_516 = tpu.memref_slice %arg3[%add3A_515] : memref<327680xi32, #tpu.memory_space<hbm>> -> memref<128xi32, #tpu.memory_space<hbm>>
      %dma_start3A_517 = tpu.memref_slice %arg3[%add3A_515] : memref<327680xi32, #tpu.memory_space<hbm>> -> memref<128xi32, #tpu.memory_space<hbm>>
      tpu.enqueue_dma source(%dma_start3A_517 : memref<128xi32, #tpu.memory_space<hbm>>) target(%arg8 : memref<128xi32, #tpu.memory_space<vmem>>) target_semaphore(%arg19 : memref<!tpu.dma_semaphore, #tpu.memory_space<semaphore_mem>>)
      %dma_start3A_518 = tpu.memref_slice %arg4[%add3A_515] : memref<327680xi32, #tpu.memory_space<hbm>> -> memref<128xi32, #tpu.memory_space<hbm>>
      %dma_start3A_519 = tpu.memref_slice %arg4[%add3A_515] : memref<327680xi32, #tpu.memory_space<hbm>> -> memref<128xi32, #tpu.memory_space<hbm>>
      tpu.enqueue_dma source(%dma_start3A_519 : memref<128xi32, #tpu.memory_space<hbm>>) target(%arg12 : memref<128xi32, #tpu.memory_space<vmem>>) target_semaphore(%arg19 : memref<!tpu.dma_semaphore, #tpu.memory_space<semaphore_mem>>)
      %dma_wait3A_520 = arith.constant 0 : i32
      %dma_wait3A_521 = arith.constant 0 : i32
      %dma_wait3A_522 = tpu.memref_slice %arg2[%dma_wait3A_520, %dma_wait3A_521] : memref<10240x128xf32, #tpu.memory_space<hbm>> -> memref<10240x128xf32, #tpu.memory_space<hbm>>
      tpu.wait_indirect_dma semaphore(%arg22 : memref<!tpu.dma_semaphore, #tpu.memory_space<semaphore_mem>>) src(%dma_wait3A_522 : memref<10240x128xf32, #tpu.memory_space<hbm>>) dst(%arg15 : memref<128x128xf32, #tpu.memory_space<vmem>>)
      %dma_start3A_523 = arith.constant 0 : i32
      %dma_start3A_524 = arith.constant 0 : i32
      %dma_start3A_525 = tpu.memref_slice %arg17[%dma_start3A_523, %dma_start3A_524] : memref<10240x128xf32, #tpu.memory_space<vmem_shared>> -> memref<10240x128xf32, #tpu.memory_space<vmem_shared>>
      tpu.enqueue_indirect_dma source(%arg15 : memref<128x128xf32, #tpu.memory_space<vmem>>) target(%dma_start3A_525 : memref<10240x128xf32, #tpu.memory_space<vmem_shared>>) offsets(%arg13 : memref<128xi32, #tpu.memory_space<vmem>>) semaphore(%arg24 : memref<!tpu.dma_semaphore, #tpu.memory_space<semaphore_mem>>) {add = true}
      "tpu.region"() ({
        %run_scoped3A = tpu.sem_alloc : memref<!tpu.dma_semaphore, #tpu.memory_space<semaphore_mem>>
        %dma_start3A_602 = arith.constant 0 : i32
        %dma_start3A_603 = tpu.memref_slice %arg28[%dma_start3A_602] : memref<10240xf32, #tpu.memory_space<vmem_shared>> -> memref<10240xf32, #tpu.memory_space<vmem_shared>>
        tpu.enqueue_indirect_dma source(%arg26 : memref<128xf32, #tpu.memory_space<vmem>>) target(%dma_start3A_603 : memref<10240xf32, #tpu.memory_space<vmem_shared>>) offsets(%arg13 : memref<128xi32, #tpu.memory_space<vmem>>) semaphore(%run_scoped3A : memref<!tpu.dma_semaphore, #tpu.memory_space<semaphore_mem>>) {add = true}
        %dma_wait3A_604 = arith.constant 0 : i32
        %dma_wait3A_605 = tpu.memref_slice %arg28[%dma_wait3A_604] : memref<10240xf32, #tpu.memory_space<vmem_shared>> -> memref<10240xf32, #tpu.memory_space<vmem_shared>>
        tpu.wait_indirect_dma semaphore(%run_scoped3A : memref<!tpu.dma_semaphore, #tpu.memory_space<semaphore_mem>>) src(%arg26 : memref<128xf32, #tpu.memory_space<vmem>>) dst(%dma_wait3A_605 : memref<10240xf32, #tpu.memory_space<vmem_shared>>)
        tpu.yield
      }) : () -> ()
      %mul3A_526 = arith.constant 4 : i32
      %mul3A_527 = arith.muli %mul3A_526, %scan3A_449 : i32
      %add3A_528 = arith.constant 2 : i32
      %add3A_529 = arith.addi %add3A_528, %mul3A_527 : i32
      %add3A_530 = arith.constant 2 : i32
      %add3A_531 = arith.addi %add3A_529, %add3A_530 : i32
      %dma_wait3A_532 = arith.constant 0 : i32
      %dma_wait3A_533 = arith.constant 0 : i32
      %dma_wait3A_534 = tpu.memref_slice %arg17[%dma_wait3A_532, %dma_wait3A_533] : memref<10240x128xf32, #tpu.memory_space<vmem_shared>> -> memref<10240x128xf32, #tpu.memory_space<vmem_shared>>
      tpu.wait_indirect_dma semaphore(%arg24 : memref<!tpu.dma_semaphore, #tpu.memory_space<semaphore_mem>>) src(%arg15 : memref<128x128xf32, #tpu.memory_space<vmem>>) dst(%dma_wait3A_534 : memref<10240x128xf32, #tpu.memory_space<vmem_shared>>)
      %mul3A_535 = arith.constant 10240 : i32
      %mul3A_536 = arith.muli %add3A, %mul3A_535 : i32
      %mul3A_537 = arith.constant 128 : i32
      %mul3A_538 = arith.muli %add3A_531, %mul3A_537 : i32
      %add3A_539 = arith.addi %mul3A_536, %mul3A_538 : i32
      %dma_wait3A_540 = tpu.memref_slice %arg3[%add3A_539] : memref<327680xi32, #tpu.memory_space<hbm>> -> memref<128xi32, #tpu.memory_space<hbm>>
      %dma_wait3A_541 = tpu.memref_slice %arg3[%add3A_539] : memref<327680xi32, #tpu.memory_space<hbm>> -> memref<128xi32, #tpu.memory_space<hbm>>
      tpu.wait_dma2 semaphore(%arg18 : memref<!tpu.dma_semaphore, #tpu.memory_space<semaphore_mem>>) src(%dma_wait3A_541 : memref<128xi32, #tpu.memory_space<hbm>>) dst(%arg7 : memref<128xi32, #tpu.memory_space<vmem>>)
      %dma_wait3A_542 = tpu.memref_slice %arg4[%add3A_539] : memref<327680xi32, #tpu.memory_space<hbm>> -> memref<128xi32, #tpu.memory_space<hbm>>
      %dma_wait3A_543 = tpu.memref_slice %arg4[%add3A_539] : memref<327680xi32, #tpu.memory_space<hbm>> -> memref<128xi32, #tpu.memory_space<hbm>>
      tpu.wait_dma2 semaphore(%arg18 : memref<!tpu.dma_semaphore, #tpu.memory_space<semaphore_mem>>) src(%dma_wait3A_543 : memref<128xi32, #tpu.memory_space<hbm>>) dst(%arg11 : memref<128xi32, #tpu.memory_space<vmem>>)
      %dma_start3A_544 = arith.constant 0 : i32
      %dma_start3A_545 = arith.constant 0 : i32
      %dma_start3A_546 = tpu.memref_slice %arg2[%dma_start3A_544, %dma_start3A_545] : memref<10240x128xf32, #tpu.memory_space<hbm>> -> memref<10240x128xf32, #tpu.memory_space<hbm>>
      tpu.enqueue_indirect_dma source(%dma_start3A_546 : memref<10240x128xf32, #tpu.memory_space<hbm>>) target(%arg15 : memref<128x128xf32, #tpu.memory_space<vmem>>) offsets(%arg7 : memref<128xi32, #tpu.memory_space<vmem>>) semaphore(%arg22 : memref<!tpu.dma_semaphore, #tpu.memory_space<semaphore_mem>>)
      %add3A_547 = arith.constant 2 : i32
      %add3A_548 = arith.addi %add3A_531, %add3A_547 : i32
      %mul3A_549 = arith.constant 10240 : i32
      %mul3A_550 = arith.muli %add3A, %mul3A_549 : i32
      %mul3A_551 = arith.constant 128 : i32
      %mul3A_552 = arith.muli %add3A_548, %mul3A_551 : i32
      %add3A_553 = arith.addi %mul3A_550, %mul3A_552 : i32
      %dma_start3A_554 = tpu.memref_slice %arg3[%add3A_553] : memref<327680xi32, #tpu.memory_space<hbm>> -> memref<128xi32, #tpu.memory_space<hbm>>
      %dma_start3A_555 = tpu.memref_slice %arg3[%add3A_553] : memref<327680xi32, #tpu.memory_space<hbm>> -> memref<128xi32, #tpu.memory_space<hbm>>
      tpu.enqueue_dma source(%dma_start3A_555 : memref<128xi32, #tpu.memory_space<hbm>>) target(%arg9 : memref<128xi32, #tpu.memory_space<vmem>>) target_semaphore(%arg20 : memref<!tpu.dma_semaphore, #tpu.memory_space<semaphore_mem>>)
      %dma_start3A_556 = tpu.memref_slice %arg4[%add3A_553] : memref<327680xi32, #tpu.memory_space<hbm>> -> memref<128xi32, #tpu.memory_space<hbm>>
      %dma_start3A_557 = tpu.memref_slice %arg4[%add3A_553] : memref<327680xi32, #tpu.memory_space<hbm>> -> memref<128xi32, #tpu.memory_space<hbm>>
      tpu.enqueue_dma source(%dma_start3A_557 : memref<128xi32, #tpu.memory_space<hbm>>) target(%arg13 : memref<128xi32, #tpu.memory_space<vmem>>) target_semaphore(%arg20 : memref<!tpu.dma_semaphore, #tpu.memory_space<semaphore_mem>>)
      %dma_wait3A_558 = arith.constant 0 : i32
      %dma_wait3A_559 = arith.constant 0 : i32
      %dma_wait3A_560 = tpu.memref_slice %arg2[%dma_wait3A_558, %dma_wait3A_559] : memref<10240x128xf32, #tpu.memory_space<hbm>> -> memref<10240x128xf32, #tpu.memory_space<hbm>>
      tpu.wait_indirect_dma semaphore(%arg23 : memref<!tpu.dma_semaphore, #tpu.memory_space<semaphore_mem>>) src(%dma_wait3A_560 : memref<10240x128xf32, #tpu.memory_space<hbm>>) dst(%arg16 : memref<128x128xf32, #tpu.memory_space<vmem>>)
      %dma_start3A_561 = arith.constant 0 : i32
      %dma_start3A_562 = arith.constant 0 : i32
      %dma_start3A_563 = tpu.memref_slice %arg17[%dma_start3A_561, %dma_start3A_562] : memref<10240x128xf32, #tpu.memory_space<vmem_shared>> -> memref<10240x128xf32, #tpu.memory_space<vmem_shared>>
      tpu.enqueue_indirect_dma source(%arg16 : memref<128x128xf32, #tpu.memory_space<vmem>>) target(%dma_start3A_563 : memref<10240x128xf32, #tpu.memory_space<vmem_shared>>) offsets(%arg14 : memref<128xi32, #tpu.memory_space<vmem>>) semaphore(%arg25 : memref<!tpu.dma_semaphore, #tpu.memory_space<semaphore_mem>>) {add = true}
      "tpu.region"() ({
        %run_scoped3A = tpu.sem_alloc : memref<!tpu.dma_semaphore, #tpu.memory_space<semaphore_mem>>
        %dma_start3A_602 = arith.constant 0 : i32
        %dma_start3A_603 = tpu.memref_slice %arg28[%dma_start3A_602] : memref<10240xf32, #tpu.memory_space<vmem_shared>> -> memref<10240xf32, #tpu.memory_space<vmem_shared>>
        tpu.enqueue_indirect_dma source(%arg26 : memref<128xf32, #tpu.memory_space<vmem>>) target(%dma_start3A_603 : memref<10240xf32, #tpu.memory_space<vmem_shared>>) offsets(%arg14 : memref<128xi32, #tpu.memory_space<vmem>>) semaphore(%run_scoped3A : memref<!tpu.dma_semaphore, #tpu.memory_space<semaphore_mem>>) {add = true}
        %dma_wait3A_604 = arith.constant 0 : i32
        %dma_wait3A_605 = tpu.memref_slice %arg28[%dma_wait3A_604] : memref<10240xf32, #tpu.memory_space<vmem_shared>> -> memref<10240xf32, #tpu.memory_space<vmem_shared>>
        tpu.wait_indirect_dma semaphore(%run_scoped3A : memref<!tpu.dma_semaphore, #tpu.memory_space<semaphore_mem>>) src(%arg26 : memref<128xf32, #tpu.memory_space<vmem>>) dst(%dma_wait3A_605 : memref<10240xf32, #tpu.memory_space<vmem_shared>>)
        tpu.yield
      }) : () -> ()
      %mul3A_564 = arith.constant 4 : i32
      %mul3A_565 = arith.muli %mul3A_564, %scan3A_449 : i32
      %add3A_566 = arith.constant 2 : i32
      %add3A_567 = arith.addi %add3A_566, %mul3A_565 : i32
      %add3A_568 = arith.constant 3 : i32
      %add3A_569 = arith.addi %add3A_567, %add3A_568 : i32
      %dma_wait3A_570 = arith.constant 0 : i32
      %dma_wait3A_571 = arith.constant 0 : i32
      %dma_wait3A_572 = tpu.memref_slice %arg17[%dma_wait3A_570, %dma_wait3A_571] : memref<10240x128xf32, #tpu.memory_space<vmem_shared>> -> memref<10240x128xf32, #tpu.memory_space<vmem_shared>>
      tpu.wait_indirect_dma semaphore(%arg25 : memref<!tpu.dma_semaphore, #tpu.memory_space<semaphore_mem>>) src(%arg16 : memref<128x128xf32, #tpu.memory_space<vmem>>) dst(%dma_wait3A_572 : memref<10240x128xf32, #tpu.memory_space<vmem_shared>>)
      %mul3A_573 = arith.constant 10240 : i32
      %mul3A_574 = arith.muli %add3A, %mul3A_573 : i32
      %mul3A_575 = arith.constant 128 : i32
      %mul3A_576 = arith.muli %add3A_569, %mul3A_575 : i32
      %add3A_577 = arith.addi %mul3A_574, %mul3A_576 : i32
      %dma_wait3A_578 = tpu.memref_slice %arg3[%add3A_577] : memref<327680xi32, #tpu.memory_space<hbm>> -> memref<128xi32, #tpu.memory_space<hbm>>
      %dma_wait3A_579 = tpu.memref_slice %arg3[%add3A_577] : memref<327680xi32, #tpu.memory_space<hbm>> -> memref<128xi32, #tpu.memory_space<hbm>>
      tpu.wait_dma2 semaphore(%arg19 : memref<!tpu.dma_semaphore, #tpu.memory_space<semaphore_mem>>) src(%dma_wait3A_579 : memref<128xi32, #tpu.memory_space<hbm>>) dst(%arg8 : memref<128xi32, #tpu.memory_space<vmem>>)
      %dma_wait3A_580 = tpu.memref_slice %arg4[%add3A_577] : memref<327680xi32, #tpu.memory_space<hbm>> -> memref<128xi32, #tpu.memory_space<hbm>>
      %dma_wait3A_581 = tpu.memref_slice %arg4[%add3A_577] : memref<327680xi32, #tpu.memory_space<hbm>> -> memref<128xi32, #tpu.memory_space<hbm>>
      tpu.wait_dma2 semaphore(%arg19 : memref<!tpu.dma_semaphore, #tpu.memory_space<semaphore_mem>>) src(%dma_wait3A_581 : memref<128xi32, #tpu.memory_space<hbm>>) dst(%arg12 : memref<128xi32, #tpu.memory_space<vmem>>)
      %dma_start3A_582 = arith.constant 0 : i32
      %dma_start3A_583 = arith.constant 0 : i32
      %dma_start3A_584 = tpu.memref_slice %arg2[%dma_start3A_582, %dma_start3A_583] : memref<10240x128xf32, #tpu.memory_space<hbm>> -> memref<10240x128xf32, #tpu.memory_space<hbm>>
      tpu.enqueue_indirect_dma source(%dma_start3A_584 : memref<10240x128xf32, #tpu.memory_space<hbm>>) target(%arg16 : memref<128x128xf32, #tpu.memory_space<vmem>>) offsets(%arg8 : memref<128xi32, #tpu.memory_space<vmem>>) semaphore(%arg23 : memref<!tpu.dma_semaphore, #tpu.memory_space<semaphore_mem>>)
      %add3A_585 = arith.constant 2 : i32
      %add3A_586 = arith.addi %add3A_569, %add3A_585 : i32
      %mul3A_587 = arith.constant 10240 : i32
      %mul3A_588 = arith.muli %add3A, %mul3A_587 : i32
      %mul3A_589 = arith.constant 128 : i32
      %mul3A_590 = arith.muli %add3A_586, %mul3A_589 : i32
      %add3A_591 = arith.addi %mul3A_588, %mul3A_590 : i32
      %dma_start3A_592 = tpu.memref_slice %arg3[%add3A_591] : memref<327680xi32, #tpu.memory_space<hbm>> -> memref<128xi32, #tpu.memory_space<hbm>>
      %dma_start3A_593 = tpu.memref_slice %arg3[%add3A_591] : memref<327680xi32, #tpu.memory_space<hbm>> -> memref<128xi32, #tpu.memory_space<hbm>>
      tpu.enqueue_dma source(%dma_start3A_593 : memref<128xi32, #tpu.memory_space<hbm>>) target(%arg10 : memref<128xi32, #tpu.memory_space<vmem>>) target_semaphore(%arg21 : memref<!tpu.dma_semaphore, #tpu.memory_space<semaphore_mem>>)
      %dma_start3A_594 = tpu.memref_slice %arg4[%add3A_591] : memref<327680xi32, #tpu.memory_space<hbm>> -> memref<128xi32, #tpu.memory_space<hbm>>
      %dma_start3A_595 = tpu.memref_slice %arg4[%add3A_591] : memref<327680xi32, #tpu.memory_space<hbm>> -> memref<128xi32, #tpu.memory_space<hbm>>
      tpu.enqueue_dma source(%dma_start3A_595 : memref<128xi32, #tpu.memory_space<hbm>>) target(%arg14 : memref<128xi32, #tpu.memory_space<vmem>>) target_semaphore(%arg21 : memref<!tpu.dma_semaphore, #tpu.memory_space<semaphore_mem>>)
      %dma_wait3A_596 = arith.constant 0 : i32
      %dma_wait3A_597 = arith.constant 0 : i32
      %dma_wait3A_598 = tpu.memref_slice %arg2[%dma_wait3A_596, %dma_wait3A_597] : memref<10240x128xf32, #tpu.memory_space<hbm>> -> memref<10240x128xf32, #tpu.memory_space<hbm>>
      tpu.wait_indirect_dma semaphore(%arg22 : memref<!tpu.dma_semaphore, #tpu.memory_space<semaphore_mem>>) src(%dma_wait3A_598 : memref<10240x128xf32, #tpu.memory_space<hbm>>) dst(%arg15 : memref<128x128xf32, #tpu.memory_space<vmem>>)
      %dma_start3A_599 = arith.constant 0 : i32
      %dma_start3A_600 = arith.constant 0 : i32
      %dma_start3A_601 = tpu.memref_slice %arg17[%dma_start3A_599, %dma_start3A_600] : memref<10240x128xf32, #tpu.memory_space<vmem_shared>> -> memref<10240x128xf32, #tpu.memory_space<vmem_shared>>
      tpu.enqueue_indirect_dma source(%arg15 : memref<128x128xf32, #tpu.memory_space<vmem>>) target(%dma_start3A_601 : memref<10240x128xf32, #tpu.memory_space<vmem_shared>>) offsets(%arg11 : memref<128xi32, #tpu.memory_space<vmem>>) semaphore(%arg24 : memref<!tpu.dma_semaphore, #tpu.memory_space<semaphore_mem>>) {add = true}
      "tpu.region"() ({
        %run_scoped3A = tpu.sem_alloc : memref<!tpu.dma_semaphore, #tpu.memory_space<semaphore_mem>>
        %dma_start3A_602 = arith.constant 0 : i32
        %dma_start3A_603 = tpu.memref_slice %arg28[%dma_start3A_602] : memref<10240xf32, #tpu.memory_space<vmem_shared>> -> memref<10240xf32, #tpu.memory_space<vmem_shared>>
        tpu.enqueue_indirect_dma source(%arg26 : memref<128xf32, #tpu.memory_space<vmem>>) target(%dma_start3A_603 : memref<10240xf32, #tpu.memory_space<vmem_shared>>) offsets(%arg11 : memref<128xi32, #tpu.memory_space<vmem>>) semaphore(%run_scoped3A : memref<!tpu.dma_semaphore, #tpu.memory_space<semaphore_mem>>) {add = true}
        %dma_wait3A_604 = arith.constant 0 : i32
        %dma_wait3A_605 = tpu.memref_slice %arg28[%dma_wait3A_604] : memref<10240xf32, #tpu.memory_space<vmem_shared>> -> memref<10240xf32, #tpu.memory_space<vmem_shared>>
        tpu.wait_indirect_dma semaphore(%run_scoped3A : memref<!tpu.dma_semaphore, #tpu.memory_space<semaphore_mem>>) src(%arg26 : memref<128xf32, #tpu.memory_space<vmem>>) dst(%dma_wait3A_605 : memref<10240xf32, #tpu.memory_space<vmem_shared>>)
        tpu.yield
      }) : () -> ()
    }
    %scan3A_367 = arith.constant 19 : i32
    %dma_wait3A_368 = arith.constant 0 : i32
    %dma_wait3A_369 = arith.constant 0 : i32
    %dma_wait3A_370 = tpu.memref_slice %arg17[%dma_wait3A_368, %dma_wait3A_369] : memref<10240x128xf32, #tpu.memory_space<vmem_shared>> -> memref<10240x128xf32, #tpu.memory_space<vmem_shared>>
    tpu.wait_indirect_dma semaphore(%arg24 : memref<!tpu.dma_semaphore, #tpu.memory_space<semaphore_mem>>) src(%arg15 : memref<128x128xf32, #tpu.memory_space<vmem>>) dst(%dma_wait3A_370 : memref<10240x128xf32, #tpu.memory_space<vmem_shared>>)
    %mul3A_371 = arith.constant 10240 : i32
    %mul3A_372 = arith.muli %add3A, %mul3A_371 : i32
    %add3A_373 = arith.constant 9984 : i32
    %add3A_374 = arith.addi %mul3A_372, %add3A_373 : i32
    %dma_wait3A_375 = tpu.memref_slice %arg3[%add3A_374] : memref<327680xi32, #tpu.memory_space<hbm>> -> memref<128xi32, #tpu.memory_space<hbm>>
    %dma_wait3A_376 = tpu.memref_slice %arg3[%add3A_374] : memref<327680xi32, #tpu.memory_space<hbm>> -> memref<128xi32, #tpu.memory_space<hbm>>
    tpu.wait_dma2 semaphore(%arg20 : memref<!tpu.dma_semaphore, #tpu.memory_space<semaphore_mem>>) src(%dma_wait3A_376 : memref<128xi32, #tpu.memory_space<hbm>>) dst(%arg9 : memref<128xi32, #tpu.memory_space<vmem>>)
    %dma_wait3A_377 = tpu.memref_slice %arg4[%add3A_374] : memref<327680xi32, #tpu.memory_space<hbm>> -> memref<128xi32, #tpu.memory_space<hbm>>
    %dma_wait3A_378 = tpu.memref_slice %arg4[%add3A_374] : memref<327680xi32, #tpu.memory_space<hbm>> -> memref<128xi32, #tpu.memory_space<hbm>>
    tpu.wait_dma2 semaphore(%arg20 : memref<!tpu.dma_semaphore, #tpu.memory_space<semaphore_mem>>) src(%dma_wait3A_378 : memref<128xi32, #tpu.memory_space<hbm>>) dst(%arg13 : memref<128xi32, #tpu.memory_space<vmem>>)
    %dma_start3A_379 = arith.constant 0 : i32
    %dma_start3A_380 = arith.constant 0 : i32
    %dma_start3A_381 = tpu.memref_slice %arg2[%dma_start3A_379, %dma_start3A_380] : memref<10240x128xf32, #tpu.memory_space<hbm>> -> memref<10240x128xf32, #tpu.memory_space<hbm>>
    tpu.enqueue_indirect_dma source(%dma_start3A_381 : memref<10240x128xf32, #tpu.memory_space<hbm>>) target(%arg15 : memref<128x128xf32, #tpu.memory_space<vmem>>) offsets(%arg9 : memref<128xi32, #tpu.memory_space<vmem>>) semaphore(%arg22 : memref<!tpu.dma_semaphore, #tpu.memory_space<semaphore_mem>>)
    %dma_wait3A_382 = arith.constant 0 : i32
    %dma_wait3A_383 = arith.constant 0 : i32
    %dma_wait3A_384 = tpu.memref_slice %arg2[%dma_wait3A_382, %dma_wait3A_383] : memref<10240x128xf32, #tpu.memory_space<hbm>> -> memref<10240x128xf32, #tpu.memory_space<hbm>>
    tpu.wait_indirect_dma semaphore(%arg23 : memref<!tpu.dma_semaphore, #tpu.memory_space<semaphore_mem>>) src(%dma_wait3A_384 : memref<10240x128xf32, #tpu.memory_space<hbm>>) dst(%arg16 : memref<128x128xf32, #tpu.memory_space<vmem>>)
    %dma_start3A_385 = arith.constant 0 : i32
    %dma_start3A_386 = arith.constant 0 : i32
    %dma_start3A_387 = tpu.memref_slice %arg17[%dma_start3A_385, %dma_start3A_386] : memref<10240x128xf32, #tpu.memory_space<vmem_shared>> -> memref<10240x128xf32, #tpu.memory_space<vmem_shared>>
    tpu.enqueue_indirect_dma source(%arg16 : memref<128x128xf32, #tpu.memory_space<vmem>>) target(%dma_start3A_387 : memref<10240x128xf32, #tpu.memory_space<vmem_shared>>) offsets(%arg12 : memref<128xi32, #tpu.memory_space<vmem>>) semaphore(%arg25 : memref<!tpu.dma_semaphore, #tpu.memory_space<semaphore_mem>>) {add = true}
    "tpu.region"() ({
      %run_scoped3A = tpu.sem_alloc : memref<!tpu.dma_semaphore, #tpu.memory_space<semaphore_mem>>
      %dma_start3A_449 = arith.constant 0 : i32
      %dma_start3A_450 = tpu.memref_slice %arg28[%dma_start3A_449] : memref<10240xf32, #tpu.memory_space<vmem_shared>> -> memref<10240xf32, #tpu.memory_space<vmem_shared>>
      tpu.enqueue_indirect_dma source(%arg26 : memref<128xf32, #tpu.memory_space<vmem>>) target(%dma_start3A_450 : memref<10240xf32, #tpu.memory_space<vmem_shared>>) offsets(%arg12 : memref<128xi32, #tpu.memory_space<vmem>>) semaphore(%run_scoped3A : memref<!tpu.dma_semaphore, #tpu.memory_space<semaphore_mem>>) {add = true}
      %dma_wait3A_451 = arith.constant 0 : i32
      %dma_wait3A_452 = tpu.memref_slice %arg28[%dma_wait3A_451] : memref<10240xf32, #tpu.memory_space<vmem_shared>> -> memref<10240xf32, #tpu.memory_space<vmem_shared>>
      tpu.wait_indirect_dma semaphore(%run_scoped3A : memref<!tpu.dma_semaphore, #tpu.memory_space<semaphore_mem>>) src(%arg26 : memref<128xf32, #tpu.memory_space<vmem>>) dst(%dma_wait3A_452 : memref<10240xf32, #tpu.memory_space<vmem_shared>>)
      tpu.yield
    }) : () -> ()
    %dma_wait3A_388 = arith.constant 0 : i32
    %dma_wait3A_389 = arith.constant 0 : i32
    %dma_wait3A_390 = tpu.memref_slice %arg17[%dma_wait3A_388, %dma_wait3A_389] : memref<10240x128xf32, #tpu.memory_space<vmem_shared>> -> memref<10240x128xf32, #tpu.memory_space<vmem_shared>>
    tpu.wait_indirect_dma semaphore(%arg25 : memref<!tpu.dma_semaphore, #tpu.memory_space<semaphore_mem>>) src(%arg16 : memref<128x128xf32, #tpu.memory_space<vmem>>) dst(%dma_wait3A_390 : memref<10240x128xf32, #tpu.memory_space<vmem_shared>>)
    %mul3A_391 = arith.constant 10240 : i32
    %mul3A_392 = arith.muli %add3A, %mul3A_391 : i32
    %add3A_393 = arith.constant 10112 : i32
    %add3A_394 = arith.addi %mul3A_392, %add3A_393 : i32
    %dma_wait3A_395 = tpu.memref_slice %arg3[%add3A_394] : memref<327680xi32, #tpu.memory_space<hbm>> -> memref<128xi32, #tpu.memory_space<hbm>>
    %dma_wait3A_396 = tpu.memref_slice %arg3[%add3A_394] : memref<327680xi32, #tpu.memory_space<hbm>> -> memref<128xi32, #tpu.memory_space<hbm>>
    tpu.wait_dma2 semaphore(%arg21 : memref<!tpu.dma_semaphore, #tpu.memory_space<semaphore_mem>>) src(%dma_wait3A_396 : memref<128xi32, #tpu.memory_space<hbm>>) dst(%arg10 : memref<128xi32, #tpu.memory_space<vmem>>)
    %dma_wait3A_397 = tpu.memref_slice %arg4[%add3A_394] : memref<327680xi32, #tpu.memory_space<hbm>> -> memref<128xi32, #tpu.memory_space<hbm>>
    %dma_wait3A_398 = tpu.memref_slice %arg4[%add3A_394] : memref<327680xi32, #tpu.memory_space<hbm>> -> memref<128xi32, #tpu.memory_space<hbm>>
    tpu.wait_dma2 semaphore(%arg21 : memref<!tpu.dma_semaphore, #tpu.memory_space<semaphore_mem>>) src(%dma_wait3A_398 : memref<128xi32, #tpu.memory_space<hbm>>) dst(%arg14 : memref<128xi32, #tpu.memory_space<vmem>>)
    %dma_start3A_399 = arith.constant 0 : i32
    %dma_start3A_400 = arith.constant 0 : i32
    %dma_start3A_401 = tpu.memref_slice %arg2[%dma_start3A_399, %dma_start3A_400] : memref<10240x128xf32, #tpu.memory_space<hbm>> -> memref<10240x128xf32, #tpu.memory_space<hbm>>
    tpu.enqueue_indirect_dma source(%dma_start3A_401 : memref<10240x128xf32, #tpu.memory_space<hbm>>) target(%arg16 : memref<128x128xf32, #tpu.memory_space<vmem>>) offsets(%arg10 : memref<128xi32, #tpu.memory_space<vmem>>) semaphore(%arg23 : memref<!tpu.dma_semaphore, #tpu.memory_space<semaphore_mem>>)
    %dma_wait3A_402 = arith.constant 0 : i32
    %dma_wait3A_403 = arith.constant 0 : i32
    %dma_wait3A_404 = tpu.memref_slice %arg2[%dma_wait3A_402, %dma_wait3A_403] : memref<10240x128xf32, #tpu.memory_space<hbm>> -> memref<10240x128xf32, #tpu.memory_space<hbm>>
    tpu.wait_indirect_dma semaphore(%arg22 : memref<!tpu.dma_semaphore, #tpu.memory_space<semaphore_mem>>) src(%dma_wait3A_404 : memref<10240x128xf32, #tpu.memory_space<hbm>>) dst(%arg15 : memref<128x128xf32, #tpu.memory_space<vmem>>)
    %dma_start3A_405 = arith.constant 0 : i32
    %dma_start3A_406 = arith.constant 0 : i32
    %dma_start3A_407 = tpu.memref_slice %arg17[%dma_start3A_405, %dma_start3A_406] : memref<10240x128xf32, #tpu.memory_space<vmem_shared>> -> memref<10240x128xf32, #tpu.memory_space<vmem_shared>>
    tpu.enqueue_indirect_dma source(%arg15 : memref<128x128xf32, #tpu.memory_space<vmem>>) target(%dma_start3A_407 : memref<10240x128xf32, #tpu.memory_space<vmem_shared>>) offsets(%arg13 : memref<128xi32, #tpu.memory_space<vmem>>) semaphore(%arg24 : memref<!tpu.dma_semaphore, #tpu.memory_space<semaphore_mem>>) {add = true}
    "tpu.region"() ({
      %run_scoped3A = tpu.sem_alloc : memref<!tpu.dma_semaphore, #tpu.memory_space<semaphore_mem>>
      %dma_start3A_449 = arith.constant 0 : i32
      %dma_start3A_450 = tpu.memref_slice %arg28[%dma_start3A_449] : memref<10240xf32, #tpu.memory_space<vmem_shared>> -> memref<10240xf32, #tpu.memory_space<vmem_shared>>
      tpu.enqueue_indirect_dma source(%arg26 : memref<128xf32, #tpu.memory_space<vmem>>) target(%dma_start3A_450 : memref<10240xf32, #tpu.memory_space<vmem_shared>>) offsets(%arg13 : memref<128xi32, #tpu.memory_space<vmem>>) semaphore(%run_scoped3A : memref<!tpu.dma_semaphore, #tpu.memory_space<semaphore_mem>>) {add = true}
      %dma_wait3A_451 = arith.constant 0 : i32
      %dma_wait3A_452 = tpu.memref_slice %arg28[%dma_wait3A_451] : memref<10240xf32, #tpu.memory_space<vmem_shared>> -> memref<10240xf32, #tpu.memory_space<vmem_shared>>
      tpu.wait_indirect_dma semaphore(%run_scoped3A : memref<!tpu.dma_semaphore, #tpu.memory_space<semaphore_mem>>) src(%arg26 : memref<128xf32, #tpu.memory_space<vmem>>) dst(%dma_wait3A_452 : memref<10240xf32, #tpu.memory_space<vmem_shared>>)
      tpu.yield
    }) : () -> ()
    %dma_wait3A_408 = arith.constant 0 : i32
    %dma_wait3A_409 = arith.constant 0 : i32
    %dma_wait3A_410 = tpu.memref_slice %arg2[%dma_wait3A_408, %dma_wait3A_409] : memref<10240x128xf32, #tpu.memory_space<hbm>> -> memref<10240x128xf32, #tpu.memory_space<hbm>>
    tpu.wait_indirect_dma semaphore(%arg23 : memref<!tpu.dma_semaphore, #tpu.memory_space<semaphore_mem>>) src(%dma_wait3A_410 : memref<10240x128xf32, #tpu.memory_space<hbm>>) dst(%arg16 : memref<128x128xf32, #tpu.memory_space<vmem>>)
    %dma_start3A_411 = arith.constant 0 : i32
    %dma_start3A_412 = arith.constant 0 : i32
    %dma_start3A_413 = tpu.memref_slice %arg17[%dma_start3A_411, %dma_start3A_412] : memref<10240x128xf32, #tpu.memory_space<vmem_shared>> -> memref<10240x128xf32, #tpu.memory_space<vmem_shared>>
    tpu.enqueue_indirect_dma source(%arg16 : memref<128x128xf32, #tpu.memory_space<vmem>>) target(%dma_start3A_413 : memref<10240x128xf32, #tpu.memory_space<vmem_shared>>) offsets(%arg14 : memref<128xi32, #tpu.memory_space<vmem>>) semaphore(%arg25 : memref<!tpu.dma_semaphore, #tpu.memory_space<semaphore_mem>>) {add = true}
    "tpu.region"() ({
      %run_scoped3A = tpu.sem_alloc : memref<!tpu.dma_semaphore, #tpu.memory_space<semaphore_mem>>
      %dma_start3A_449 = arith.constant 0 : i32
      %dma_start3A_450 = tpu.memref_slice %arg28[%dma_start3A_449] : memref<10240xf32, #tpu.memory_space<vmem_shared>> -> memref<10240xf32, #tpu.memory_space<vmem_shared>>
      tpu.enqueue_indirect_dma source(%arg26 : memref<128xf32, #tpu.memory_space<vmem>>) target(%dma_start3A_450 : memref<10240xf32, #tpu.memory_space<vmem_shared>>) offsets(%arg14 : memref<128xi32, #tpu.memory_space<vmem>>) semaphore(%run_scoped3A : memref<!tpu.dma_semaphore, #tpu.memory_space<semaphore_mem>>) {add = true}
      %dma_wait3A_451 = arith.constant 0 : i32
      %dma_wait3A_452 = tpu.memref_slice %arg28[%dma_wait3A_451] : memref<10240xf32, #tpu.memory_space<vmem_shared>> -> memref<10240xf32, #tpu.memory_space<vmem_shared>>
      tpu.wait_indirect_dma semaphore(%run_scoped3A : memref<!tpu.dma_semaphore, #tpu.memory_space<semaphore_mem>>) src(%arg26 : memref<128xf32, #tpu.memory_space<vmem>>) dst(%dma_wait3A_452 : memref<10240xf32, #tpu.memory_space<vmem_shared>>)
      tpu.yield
    }) : () -> ()
    %dma_wait3A_414 = arith.constant 0 : i32
    %dma_wait3A_415 = arith.constant 0 : i32
    %dma_wait3A_416 = tpu.memref_slice %arg17[%dma_wait3A_414, %dma_wait3A_415] : memref<10240x128xf32, #tpu.memory_space<vmem_shared>> -> memref<10240x128xf32, #tpu.memory_space<vmem_shared>>
    tpu.wait_indirect_dma semaphore(%arg24 : memref<!tpu.dma_semaphore, #tpu.memory_space<semaphore_mem>>) src(%arg15 : memref<128x128xf32, #tpu.memory_space<vmem>>) dst(%dma_wait3A_416 : memref<10240x128xf32, #tpu.memory_space<vmem_shared>>)
    %dma_wait3A_417 = arith.constant 0 : i32
    %dma_wait3A_418 = arith.constant 0 : i32
    %dma_wait3A_419 = tpu.memref_slice %arg17[%dma_wait3A_417, %dma_wait3A_418] : memref<10240x128xf32, #tpu.memory_space<vmem_shared>> -> memref<10240x128xf32, #tpu.memory_space<vmem_shared>>
    tpu.wait_indirect_dma semaphore(%arg25 : memref<!tpu.dma_semaphore, #tpu.memory_space<semaphore_mem>>) src(%arg16 : memref<128x128xf32, #tpu.memory_space<vmem>>) dst(%dma_wait3A_419 : memref<10240x128xf32, #tpu.memory_space<vmem_shared>>)
    %barrier3A_420 = arith.constant 0 : index
    tpu.barrier barrier_id(%barrier3A_420)
    %add3A_421 = arith.constant 0 : i32
    %add3A_422 = arith.addi %mul3A_2, %add3A_421 : i32
    "tpu.region"() ({
      %run_scoped3A = tpu.sem_alloc : memref<!tpu.dma_semaphore, #tpu.memory_space<semaphore_mem>>
      %dma_start3A_449 = arith.constant 0 : i32
      %dma_start3A_450 = tpu.memref_slice %arg17[%add3A_422, %dma_start3A_449] : memref<10240x128xf32, #tpu.memory_space<vmem_shared>> -> memref<128x128xf32, #tpu.memory_space<vmem_shared>>
      %dma_start3A_451 = arith.constant 0 : i32
      %dma_start3A_452 = tpu.memref_slice %arg17[%add3A_422, %dma_start3A_451] : memref<10240x128xf32, #tpu.memory_space<vmem_shared>> -> memref<128x128xf32, #tpu.memory_space<vmem_shared>>
      tpu.enqueue_dma source(%dma_start3A_452 : memref<128x128xf32, #tpu.memory_space<vmem_shared>>) target(%arg15 : memref<128x128xf32, #tpu.memory_space<vmem>>) target_semaphore(%run_scoped3A : memref<!tpu.dma_semaphore, #tpu.memory_space<semaphore_mem>>)
      %dma_wait3A_453 = arith.constant 0 : i32
      %dma_wait3A_454 = tpu.memref_slice %arg17[%add3A_422, %dma_wait3A_453] : memref<10240x128xf32, #tpu.memory_space<vmem_shared>> -> memref<128x128xf32, #tpu.memory_space<vmem_shared>>
      %dma_wait3A_455 = arith.constant 0 : i32
      %dma_wait3A_456 = tpu.memref_slice %arg17[%add3A_422, %dma_wait3A_455] : memref<10240x128xf32, #tpu.memory_space<vmem_shared>> -> memref<128x128xf32, #tpu.memory_space<vmem_shared>>
      tpu.wait_dma2 semaphore(%run_scoped3A : memref<!tpu.dma_semaphore, #tpu.memory_space<semaphore_mem>>) src(%dma_wait3A_456 : memref<128x128xf32, #tpu.memory_space<vmem_shared>>) dst(%arg15 : memref<128x128xf32, #tpu.memory_space<vmem>>)
      tpu.yield
    }) : () -> ()
    %mul3A_423 = arith.constant 10240 : i32
    %mul3A_424 = arith.muli %arg0, %mul3A_423 : i32
    %add3A_425 = arith.addi %mul3A_424, %add3A_422 : i32
    "tpu.region"() ({
      %run_scoped3A = tpu.sem_alloc : memref<!tpu.dma_semaphore, #tpu.memory_space<semaphore_mem>>
      %dma_start3A_449 = arith.constant 0 : i32
      %dma_start3A_450 = tpu.memref_slice %arg5[%add3A_425, %dma_start3A_449] : memref<20480x128xf32, #tpu.memory_space<hbm>> -> memref<128x128xf32, #tpu.memory_space<hbm>>
      %dma_start3A_451 = arith.constant 0 : i32
      %dma_start3A_452 = tpu.memref_slice %arg5[%add3A_425, %dma_start3A_451] : memref<20480x128xf32, #tpu.memory_space<hbm>> -> memref<128x128xf32, #tpu.memory_space<hbm>>
      tpu.enqueue_dma source(%arg15 : memref<128x128xf32, #tpu.memory_space<vmem>>) target(%dma_start3A_452 : memref<128x128xf32, #tpu.memory_space<hbm>>) target_semaphore(%run_scoped3A : memref<!tpu.dma_semaphore, #tpu.memory_space<semaphore_mem>>)
      %dma_wait3A_453 = arith.constant 0 : i32
      %dma_wait3A_454 = tpu.memref_slice %arg5[%add3A_425, %dma_wait3A_453] : memref<20480x128xf32, #tpu.memory_space<hbm>> -> memref<128x128xf32, #tpu.memory_space<hbm>>
      %dma_wait3A_455 = arith.constant 0 : i32
      %dma_wait3A_456 = tpu.memref_slice %arg5[%add3A_425, %dma_wait3A_455] : memref<20480x128xf32, #tpu.memory_space<hbm>> -> memref<128x128xf32, #tpu.memory_space<hbm>>
      tpu.wait_dma2 semaphore(%run_scoped3A : memref<!tpu.dma_semaphore, #tpu.memory_space<semaphore_mem>>) src(%arg15 : memref<128x128xf32, #tpu.memory_space<vmem>>) dst(%dma_wait3A_456 : memref<128x128xf32, #tpu.memory_space<hbm>>)
      tpu.yield
    }) : () -> ()
    %add3A_426 = arith.constant 128 : i32
    %add3A_427 = arith.addi %mul3A_2, %add3A_426 : i32
    "tpu.region"() ({
      %run_scoped3A = tpu.sem_alloc : memref<!tpu.dma_semaphore, #tpu.memory_space<semaphore_mem>>
      %dma_start3A_449 = arith.constant 0 : i32
      %dma_start3A_450 = tpu.memref_slice %arg17[%add3A_427, %dma_start3A_449] : memref<10240x128xf32, #tpu.memory_space<vmem_shared>> -> memref<128x128xf32, #tpu.memory_space<vmem_shared>>
      %dma_start3A_451 = arith.constant 0 : i32
      %dma_start3A_452 = tpu.memref_slice %arg17[%add3A_427, %dma_start3A_451] : memref<10240x128xf32, #tpu.memory_space<vmem_shared>> -> memref<128x128xf32, #tpu.memory_space<vmem_shared>>
      tpu.enqueue_dma source(%dma_start3A_452 : memref<128x128xf32, #tpu.memory_space<vmem_shared>>) target(%arg15 : memref<128x128xf32, #tpu.memory_space<vmem>>) target_semaphore(%run_scoped3A : memref<!tpu.dma_semaphore, #tpu.memory_space<semaphore_mem>>)
      %dma_wait3A_453 = arith.constant 0 : i32
      %dma_wait3A_454 = tpu.memref_slice %arg17[%add3A_427, %dma_wait3A_453] : memref<10240x128xf32, #tpu.memory_space<vmem_shared>> -> memref<128x128xf32, #tpu.memory_space<vmem_shared>>
      %dma_wait3A_455 = arith.constant 0 : i32
      %dma_wait3A_456 = tpu.memref_slice %arg17[%add3A_427, %dma_wait3A_455] : memref<10240x128xf32, #tpu.memory_space<vmem_shared>> -> memref<128x128xf32, #tpu.memory_space<vmem_shared>>
      tpu.wait_dma2 semaphore(%run_scoped3A : memref<!tpu.dma_semaphore, #tpu.memory_space<semaphore_mem>>) src(%dma_wait3A_456 : memref<128x128xf32, #tpu.memory_space<vmem_shared>>) dst(%arg15 : memref<128x128xf32, #tpu.memory_space<vmem>>)
      tpu.yield
    }) : () -> ()
    %mul3A_428 = arith.constant 10240 : i32
    %mul3A_429 = arith.muli %arg0, %mul3A_428 : i32
    %add3A_430 = arith.addi %mul3A_429, %add3A_427 : i32
    "tpu.region"() ({
      %run_scoped3A = tpu.sem_alloc : memref<!tpu.dma_semaphore, #tpu.memory_space<semaphore_mem>>
      %dma_start3A_449 = arith.constant 0 : i32
      %dma_start3A_450 = tpu.memref_slice %arg5[%add3A_430, %dma_start3A_449] : memref<20480x128xf32, #tpu.memory_space<hbm>> -> memref<128x128xf32, #tpu.memory_space<hbm>>
      %dma_start3A_451 = arith.constant 0 : i32
      %dma_start3A_452 = tpu.memref_slice %arg5[%add3A_430, %dma_start3A_451] : memref<20480x128xf32, #tpu.memory_space<hbm>> -> memref<128x128xf32, #tpu.memory_space<hbm>>
      tpu.enqueue_dma source(%arg15 : memref<128x128xf32, #tpu.memory_space<vmem>>) target(%dma_start3A_452 : memref<128x128xf32, #tpu.memory_space<hbm>>) target_semaphore(%run_scoped3A : memref<!tpu.dma_semaphore, #tpu.memory_space<semaphore_mem>>)
      %dma_wait3A_453 = arith.constant 0 : i32
      %dma_wait3A_454 = tpu.memref_slice %arg5[%add3A_430, %dma_wait3A_453] : memref<20480x128xf32, #tpu.memory_space<hbm>> -> memref<128x128xf32, #tpu.memory_space<hbm>>
      %dma_wait3A_455 = arith.constant 0 : i32
      %dma_wait3A_456 = tpu.memref_slice %arg5[%add3A_430, %dma_wait3A_455] : memref<20480x128xf32, #tpu.memory_space<hbm>> -> memref<128x128xf32, #tpu.memory_space<hbm>>
      tpu.wait_dma2 semaphore(%run_scoped3A : memref<!tpu.dma_semaphore, #tpu.memory_space<semaphore_mem>>) src(%arg15 : memref<128x128xf32, #tpu.memory_space<vmem>>) dst(%dma_wait3A_456 : memref<128x128xf32, #tpu.memory_space<hbm>>)
      tpu.yield
    }) : () -> ()
    %add3A_431 = arith.constant 256 : i32
    %add3A_432 = arith.addi %mul3A_2, %add3A_431 : i32
    "tpu.region"() ({
      %run_scoped3A = tpu.sem_alloc : memref<!tpu.dma_semaphore, #tpu.memory_space<semaphore_mem>>
      %dma_start3A_449 = arith.constant 0 : i32
      %dma_start3A_450 = tpu.memref_slice %arg17[%add3A_432, %dma_start3A_449] : memref<10240x128xf32, #tpu.memory_space<vmem_shared>> -> memref<128x128xf32, #tpu.memory_space<vmem_shared>>
      %dma_start3A_451 = arith.constant 0 : i32
      %dma_start3A_452 = tpu.memref_slice %arg17[%add3A_432, %dma_start3A_451] : memref<10240x128xf32, #tpu.memory_space<vmem_shared>> -> memref<128x128xf32, #tpu.memory_space<vmem_shared>>
      tpu.enqueue_dma source(%dma_start3A_452 : memref<128x128xf32, #tpu.memory_space<vmem_shared>>) target(%arg15 : memref<128x128xf32, #tpu.memory_space<vmem>>) target_semaphore(%run_scoped3A : memref<!tpu.dma_semaphore, #tpu.memory_space<semaphore_mem>>)
      %dma_wait3A_453 = arith.constant 0 : i32
      %dma_wait3A_454 = tpu.memref_slice %arg17[%add3A_432, %dma_wait3A_453] : memref<10240x128xf32, #tpu.memory_space<vmem_shared>> -> memref<128x128xf32, #tpu.memory_space<vmem_shared>>
      %dma_wait3A_455 = arith.constant 0 : i32
      %dma_wait3A_456 = tpu.memref_slice %arg17[%add3A_432, %dma_wait3A_455] : memref<10240x128xf32, #tpu.memory_space<vmem_shared>> -> memref<128x128xf32, #tpu.memory_space<vmem_shared>>
      tpu.wait_dma2 semaphore(%run_scoped3A : memref<!tpu.dma_semaphore, #tpu.memory_space<semaphore_mem>>) src(%dma_wait3A_456 : memref<128x128xf32, #tpu.memory_space<vmem_shared>>) dst(%arg15 : memref<128x128xf32, #tpu.memory_space<vmem>>)
      tpu.yield
    }) : () -> ()
    %mul3A_433 = arith.constant 10240 : i32
    %mul3A_434 = arith.muli %arg0, %mul3A_433 : i32
    %add3A_435 = arith.addi %mul3A_434, %add3A_432 : i32
    "tpu.region"() ({
      %run_scoped3A = tpu.sem_alloc : memref<!tpu.dma_semaphore, #tpu.memory_space<semaphore_mem>>
      %dma_start3A_449 = arith.constant 0 : i32
      %dma_start3A_450 = tpu.memref_slice %arg5[%add3A_435, %dma_start3A_449] : memref<20480x128xf32, #tpu.memory_space<hbm>> -> memref<128x128xf32, #tpu.memory_space<hbm>>
      %dma_start3A_451 = arith.constant 0 : i32
      %dma_start3A_452 = tpu.memref_slice %arg5[%add3A_435, %dma_start3A_451] : memref<20480x128xf32, #tpu.memory_space<hbm>> -> memref<128x128xf32, #tpu.memory_space<hbm>>
      tpu.enqueue_dma source(%arg15 : memref<128x128xf32, #tpu.memory_space<vmem>>) target(%dma_start3A_452 : memref<128x128xf32, #tpu.memory_space<hbm>>) target_semaphore(%run_scoped3A : memref<!tpu.dma_semaphore, #tpu.memory_space<semaphore_mem>>)
      %dma_wait3A_453 = arith.constant 0 : i32
      %dma_wait3A_454 = tpu.memref_slice %arg5[%add3A_435, %dma_wait3A_453] : memref<20480x128xf32, #tpu.memory_space<hbm>> -> memref<128x128xf32, #tpu.memory_space<hbm>>
      %dma_wait3A_455 = arith.constant 0 : i32
      %dma_wait3A_456 = tpu.memref_slice %arg5[%add3A_435, %dma_wait3A_455] : memref<20480x128xf32, #tpu.memory_space<hbm>> -> memref<128x128xf32, #tpu.memory_space<hbm>>
      tpu.wait_dma2 semaphore(%run_scoped3A : memref<!tpu.dma_semaphore, #tpu.memory_space<semaphore_mem>>) src(%arg15 : memref<128x128xf32, #tpu.memory_space<vmem>>) dst(%dma_wait3A_456 : memref<128x128xf32, #tpu.memory_space<hbm>>)
      tpu.yield
    }) : () -> ()
    %add3A_436 = arith.constant 384 : i32
    %add3A_437 = arith.addi %mul3A_2, %add3A_436 : i32
    "tpu.region"() ({
      %run_scoped3A = tpu.sem_alloc : memref<!tpu.dma_semaphore, #tpu.memory_space<semaphore_mem>>
      %dma_start3A_449 = arith.constant 0 : i32
      %dma_start3A_450 = tpu.memref_slice %arg17[%add3A_437, %dma_start3A_449] : memref<10240x128xf32, #tpu.memory_space<vmem_shared>> -> memref<128x128xf32, #tpu.memory_space<vmem_shared>>
      %dma_start3A_451 = arith.constant 0 : i32
      %dma_start3A_452 = tpu.memref_slice %arg17[%add3A_437, %dma_start3A_451] : memref<10240x128xf32, #tpu.memory_space<vmem_shared>> -> memref<128x128xf32, #tpu.memory_space<vmem_shared>>
      tpu.enqueue_dma source(%dma_start3A_452 : memref<128x128xf32, #tpu.memory_space<vmem_shared>>) target(%arg15 : memref<128x128xf32, #tpu.memory_space<vmem>>) target_semaphore(%run_scoped3A : memref<!tpu.dma_semaphore, #tpu.memory_space<semaphore_mem>>)
      %dma_wait3A_453 = arith.constant 0 : i32
      %dma_wait3A_454 = tpu.memref_slice %arg17[%add3A_437, %dma_wait3A_453] : memref<10240x128xf32, #tpu.memory_space<vmem_shared>> -> memref<128x128xf32, #tpu.memory_space<vmem_shared>>
      %dma_wait3A_455 = arith.constant 0 : i32
      %dma_wait3A_456 = tpu.memref_slice %arg17[%add3A_437, %dma_wait3A_455] : memref<10240x128xf32, #tpu.memory_space<vmem_shared>> -> memref<128x128xf32, #tpu.memory_space<vmem_shared>>
      tpu.wait_dma2 semaphore(%run_scoped3A : memref<!tpu.dma_semaphore, #tpu.memory_space<semaphore_mem>>) src(%dma_wait3A_456 : memref<128x128xf32, #tpu.memory_space<vmem_shared>>) dst(%arg15 : memref<128x128xf32, #tpu.memory_space<vmem>>)
      tpu.yield
    }) : () -> ()
    %mul3A_438 = arith.constant 10240 : i32
    %mul3A_439 = arith.muli %arg0, %mul3A_438 : i32
    %add3A_440 = arith.addi %mul3A_439, %add3A_437 : i32
    "tpu.region"() ({
      %run_scoped3A = tpu.sem_alloc : memref<!tpu.dma_semaphore, #tpu.memory_space<semaphore_mem>>
      %dma_start3A_449 = arith.constant 0 : i32
      %dma_start3A_450 = tpu.memref_slice %arg5[%add3A_440, %dma_start3A_449] : memref<20480x128xf32, #tpu.memory_space<hbm>> -> memref<128x128xf32, #tpu.memory_space<hbm>>
      %dma_start3A_451 = arith.constant 0 : i32
      %dma_start3A_452 = tpu.memref_slice %arg5[%add3A_440, %dma_start3A_451] : memref<20480x128xf32, #tpu.memory_space<hbm>> -> memref<128x128xf32, #tpu.memory_space<hbm>>
      tpu.enqueue_dma source(%arg15 : memref<128x128xf32, #tpu.memory_space<vmem>>) target(%dma_start3A_452 : memref<128x128xf32, #tpu.memory_space<hbm>>) target_semaphore(%run_scoped3A : memref<!tpu.dma_semaphore, #tpu.memory_space<semaphore_mem>>)
      %dma_wait3A_453 = arith.constant 0 : i32
      %dma_wait3A_454 = tpu.memref_slice %arg5[%add3A_440, %dma_wait3A_453] : memref<20480x128xf32, #tpu.memory_space<hbm>> -> memref<128x128xf32, #tpu.memory_space<hbm>>
      %dma_wait3A_455 = arith.constant 0 : i32
      %dma_wait3A_456 = tpu.memref_slice %arg5[%add3A_440, %dma_wait3A_455] : memref<20480x128xf32, #tpu.memory_space<hbm>> -> memref<128x128xf32, #tpu.memory_space<hbm>>
      tpu.wait_dma2 semaphore(%run_scoped3A : memref<!tpu.dma_semaphore, #tpu.memory_space<semaphore_mem>>) src(%arg15 : memref<128x128xf32, #tpu.memory_space<vmem>>) dst(%dma_wait3A_456 : memref<128x128xf32, #tpu.memory_space<hbm>>)
      tpu.yield
    }) : () -> ()
    %add3A_441 = arith.constant 512 : i32
    %add3A_442 = arith.addi %mul3A_2, %add3A_441 : i32
    "tpu.region"() ({
      %run_scoped3A = tpu.sem_alloc : memref<!tpu.dma_semaphore, #tpu.memory_space<semaphore_mem>>
      %dma_start3A_449 = arith.constant 0 : i32
      %dma_start3A_450 = tpu.memref_slice %arg17[%add3A_442, %dma_start3A_449] : memref<10240x128xf32, #tpu.memory_space<vmem_shared>> -> memref<128x128xf32, #tpu.memory_space<vmem_shared>>
      %dma_start3A_451 = arith.constant 0 : i32
      %dma_start3A_452 = tpu.memref_slice %arg17[%add3A_442, %dma_start3A_451] : memref<10240x128xf32, #tpu.memory_space<vmem_shared>> -> memref<128x128xf32, #tpu.memory_space<vmem_shared>>
      tpu.enqueue_dma source(%dma_start3A_452 : memref<128x128xf32, #tpu.memory_space<vmem_shared>>) target(%arg15 : memref<128x128xf32, #tpu.memory_space<vmem>>) target_semaphore(%run_scoped3A : memref<!tpu.dma_semaphore, #tpu.memory_space<semaphore_mem>>)
      %dma_wait3A_453 = arith.constant 0 : i32
      %dma_wait3A_454 = tpu.memref_slice %arg17[%add3A_442, %dma_wait3A_453] : memref<10240x128xf32, #tpu.memory_space<vmem_shared>> -> memref<128x128xf32, #tpu.memory_space<vmem_shared>>
      %dma_wait3A_455 = arith.constant 0 : i32
      %dma_wait3A_456 = tpu.memref_slice %arg17[%add3A_442, %dma_wait3A_455] : memref<10240x128xf32, #tpu.memory_space<vmem_shared>> -> memref<128x128xf32, #tpu.memory_space<vmem_shared>>
      tpu.wait_dma2 semaphore(%run_scoped3A : memref<!tpu.dma_semaphore, #tpu.memory_space<semaphore_mem>>) src(%dma_wait3A_456 : memref<128x128xf32, #tpu.memory_space<vmem_shared>>) dst(%arg15 : memref<128x128xf32, #tpu.memory_space<vmem>>)
      tpu.yield
    }) : () -> ()
    %mul3A_443 = arith.constant 10240 : i32
    %mul3A_444 = arith.muli %arg0, %mul3A_443 : i32
    %add3A_445 = arith.addi %mul3A_444, %add3A_442 : i32
    "tpu.region"() ({
      %run_scoped3A = tpu.sem_alloc : memref<!tpu.dma_semaphore, #tpu.memory_space<semaphore_mem>>
      %dma_start3A_449 = arith.constant 0 : i32
      %dma_start3A_450 = tpu.memref_slice %arg5[%add3A_445, %dma_start3A_449] : memref<20480x128xf32, #tpu.memory_space<hbm>> -> memref<128x128xf32, #tpu.memory_space<hbm>>
      %dma_start3A_451 = arith.constant 0 : i32
      %dma_start3A_452 = tpu.memref_slice %arg5[%add3A_445, %dma_start3A_451] : memref<20480x128xf32, #tpu.memory_space<hbm>> -> memref<128x128xf32, #tpu.memory_space<hbm>>
      tpu.enqueue_dma source(%arg15 : memref<128x128xf32, #tpu.memory_space<vmem>>) target(%dma_start3A_452 : memref<128x128xf32, #tpu.memory_space<hbm>>) target_semaphore(%run_scoped3A : memref<!tpu.dma_semaphore, #tpu.memory_space<semaphore_mem>>)
      %dma_wait3A_453 = arith.constant 0 : i32
      %dma_wait3A_454 = tpu.memref_slice %arg5[%add3A_445, %dma_wait3A_453] : memref<20480x128xf32, #tpu.memory_space<hbm>> -> memref<128x128xf32, #tpu.memory_space<hbm>>
      %dma_wait3A_455 = arith.constant 0 : i32
      %dma_wait3A_456 = tpu.memref_slice %arg5[%add3A_445, %dma_wait3A_455] : memref<20480x128xf32, #tpu.memory_space<hbm>> -> memref<128x128xf32, #tpu.memory_space<hbm>>
      tpu.wait_dma2 semaphore(%run_scoped3A : memref<!tpu.dma_semaphore, #tpu.memory_space<semaphore_mem>>) src(%arg15 : memref<128x128xf32, #tpu.memory_space<vmem>>) dst(%dma_wait3A_456 : memref<128x128xf32, #tpu.memory_space<hbm>>)
      tpu.yield
    }) : () -> ()
    "tpu.region"() ({
      %run_scoped3A = tpu.sem_alloc : memref<!tpu.dma_semaphore, #tpu.memory_space<semaphore_mem>>
      %dma_start3A_449 = tpu.memref_slice %arg28[%mul3A_2] : memref<10240xf32, #tpu.memory_space<vmem_shared>> -> memref<640xf32, #tpu.memory_space<vmem_shared>>
      %dma_start3A_450 = tpu.memref_slice %arg28[%mul3A_2] : memref<10240xf32, #tpu.memory_space<vmem_shared>> -> memref<640xf32, #tpu.memory_space<vmem_shared>>
      tpu.enqueue_dma source(%dma_start3A_450 : memref<640xf32, #tpu.memory_space<vmem_shared>>) target(%arg27 : memref<640xf32, #tpu.memory_space<vmem>>) target_semaphore(%run_scoped3A : memref<!tpu.dma_semaphore, #tpu.memory_space<semaphore_mem>>)
      %dma_wait3A_451 = tpu.memref_slice %arg28[%mul3A_2] : memref<10240xf32, #tpu.memory_space<vmem_shared>> -> memref<640xf32, #tpu.memory_space<vmem_shared>>
      %dma_wait3A_452 = tpu.memref_slice %arg28[%mul3A_2] : memref<10240xf32, #tpu.memory_space<vmem_shared>> -> memref<640xf32, #tpu.memory_space<vmem_shared>>
      tpu.wait_dma2 semaphore(%run_scoped3A : memref<!tpu.dma_semaphore, #tpu.memory_space<semaphore_mem>>) src(%dma_wait3A_452 : memref<640xf32, #tpu.memory_space<vmem_shared>>) dst(%arg27 : memref<640xf32, #tpu.memory_space<vmem>>)
      tpu.yield
    }) : () -> ()
    %mul3A_446 = arith.constant 10240 : i32
    %mul3A_447 = arith.muli %arg0, %mul3A_446 : i32
    %add3A_448 = arith.addi %mul3A_447, %mul3A_2 : i32
    "tpu.region"() ({
      %run_scoped3A = tpu.sem_alloc : memref<!tpu.dma_semaphore, #tpu.memory_space<semaphore_mem>>
      %dma_start3A_449 = tpu.memref_slice %arg6[%add3A_448] : memref<20480xf32, #tpu.memory_space<hbm>> -> memref<640xf32, #tpu.memory_space<hbm>>
      %dma_start3A_450 = tpu.memref_slice %arg6[%add3A_448] : memref<20480xf32, #tpu.memory_space<hbm>> -> memref<640xf32, #tpu.memory_space<hbm>>
      tpu.enqueue_dma source(%arg27 : memref<640xf32, #tpu.memory_space<vmem>>) target(%dma_start3A_450 : memref<640xf32, #tpu.memory_space<hbm>>) target_semaphore(%run_scoped3A : memref<!tpu.dma_semaphore, #tpu.memory_space<semaphore_mem>>)
      %dma_wait3A_451 = tpu.memref_slice %arg6[%add3A_448] : memref<20480xf32, #tpu.memory_space<hbm>> -> memref<640xf32, #tpu.memory_space<hbm>>
      %dma_wait3A_452 = tpu.memref_slice %arg6[%add3A_448] : memref<20480xf32, #tpu.memory_space<hbm>> -> memref<640xf32, #tpu.memory_space<hbm>>
      tpu.wait_dma2 semaphore(%run_scoped3A : memref<!tpu.dma_semaphore, #tpu.memory_space<semaphore_mem>>) src(%arg27 : memref<640xf32, #tpu.memory_space<vmem>>) dst(%dma_wait3A_452 : memref<640xf32, #tpu.memory_space<hbm>>)
      tpu.yield
    }) : () -> ()
    return
  }
}

#map = affine_map<(d0, d1) -> (0, 0)>
#map1 = affine_map<(d0, d1) -> (0)>
module attributes {stable_mosaic.version = 14 : i64} {
  func.func @body(%arg0: i32, %arg1: i32, %arg2: memref<10240x128xf32, #tpu.memory_space<hbm>>, %arg3: memref<327680xi32, #tpu.memory_space<hbm>>, %arg4: memref<327680xi32, #tpu.memory_space<hbm>>, %arg5: memref<20480x128xf32, #tpu.memory_space<hbm>>, %arg6: memref<128xi32, #tpu.memory_space<vmem>>, %arg7: memref<128xi32, #tpu.memory_space<vmem>>, %arg8: memref<128xi32, #tpu.memory_space<vmem>>, %arg9: memref<128xi32, #tpu.memory_space<vmem>>, %arg10: memref<128xi32, #tpu.memory_space<vmem>>, %arg11: memref<128xi32, #tpu.memory_space<vmem>>, %arg12: memref<128xi32, #tpu.memory_space<vmem>>, %arg13: memref<128xi32, #tpu.memory_space<vmem>>, %arg14: memref<128x128xf32, #tpu.memory_space<vmem>>, %arg15: memref<128x128xf32, #tpu.memory_space<vmem>>, %arg16: memref<10240x128xf32, #tpu.memory_space<vmem_shared>>, %arg17: memref<!tpu.dma_semaphore, #tpu.memory_space<semaphore_mem>>, %arg18: memref<!tpu.dma_semaphore, #tpu.memory_space<semaphore_mem>>, %arg19: memref<!tpu.dma_semaphore, #tpu.memory_space<semaphore_mem>>, %arg20: memref<!tpu.dma_semaphore, #tpu.memory_space<semaphore_mem>>, %arg21: memref<!tpu.dma_semaphore, #tpu.memory_space<semaphore_mem>>, %arg22: memref<!tpu.dma_semaphore, #tpu.memory_space<semaphore_mem>>, %arg23: memref<!tpu.dma_semaphore, #tpu.memory_space<semaphore_mem>>, %arg24: memref<!tpu.dma_semaphore, #tpu.memory_space<semaphore_mem>>) attributes {dimension_semantics = [#tpu.dimension_semantics<core_parallel>, #tpu.dimension_semantics<subcore_parallel>], iteration_bounds = array<i64: 2, 16>, scalar_prefetch = 0 : i64, scratch_operands = 19 : i64, tpu.core_type = #tpu.core_type<sc_vector_subcore>, window_params = [{transform_indices = #map}, {transform_indices = #map1}, {transform_indices = #map1}, {transform_indices = #map}]} {
    %mul3A = arith.constant 2 : i32
    %mul3A_0 = arith.muli %arg1, %mul3A : i32
    %add3A = arith.addi %mul3A_0, %arg0 : i32
    %mul3A_1 = arith.constant 640 : i32
    %mul3A_2 = arith.muli %arg1, %mul3A_1 : i32
    %scan3A = arith.constant 0 : i32
    %scan3A_3 = arith.constant 0 : i32
    %scan3A_4 = arith.constant 128 : i32
    %scan3A_5 = arith.addi %scan3A_3, %scan3A_4 : i32
    %scan3A_6 = arith.constant 1 : i32
    scf.for %scan3A_160 = %scan3A_3 to %scan3A_5 step %scan3A_6  : i32 {
      %broadcast_in_dim3A = arith.constant 0.000000e+00 : f32
      %broadcast_in_dim3A_161 = vector.broadcast %broadcast_in_dim3A : f32 to vector<16xf32>
      %swap3A = arith.index_cast %scan3A_160 : i32 to index
      %swap3A_162 = arith.constant 0 : index
      %swap3A_163 = tpu.vector_load %arg14[%swap3A, %swap3A_162] {strides = array<i32>} : memref<128x128xf32, #tpu.memory_space<vmem>>, vector<1x16xf32>,
      %swap3A_164 = vector.shape_cast %swap3A_163 : vector<1x16xf32> to vector<16xf32>
      %swap3A_165 = vector.shape_cast %broadcast_in_dim3A_161 : vector<16xf32> to vector<1x16xf32>
      tpu.vector_store %arg14[%swap3A, %swap3A_162], %swap3A_165 {strides = array<i32>} : memref<128x128xf32, #tpu.memory_space<vmem>>, vector<1x16xf32>,
      %broadcast_in_dim3A_166 = arith.constant 0.000000e+00 : f32
      %broadcast_in_dim3A_167 = vector.broadcast %broadcast_in_dim3A_166 : f32 to vector<16xf32>
      %swap3A_168 = arith.index_cast %scan3A_160 : i32 to index
      %swap3A_169 = arith.constant 16 : index
      %swap3A_170 = tpu.vector_load %arg14[%swap3A_168, %swap3A_169] {strides = array<i32>} : memref<128x128xf32, #tpu.memory_space<vmem>>, vector<1x16xf32>,
      %swap3A_171 = vector.shape_cast %swap3A_170 : vector<1x16xf32> to vector<16xf32>
      %swap3A_172 = vector.shape_cast %broadcast_in_dim3A_167 : vector<16xf32> to vector<1x16xf32>
      tpu.vector_store %arg14[%swap3A_168, %swap3A_169], %swap3A_172 {strides = array<i32>} : memref<128x128xf32, #tpu.memory_space<vmem>>, vector<1x16xf32>,
      %broadcast_in_dim3A_173 = arith.constant 0.000000e+00 : f32
      %broadcast_in_dim3A_174 = vector.broadcast %broadcast_in_dim3A_173 : f32 to vector<16xf32>
      %swap3A_175 = arith.index_cast %scan3A_160 : i32 to index
      %swap3A_176 = arith.constant 32 : index
      %swap3A_177 = tpu.vector_load %arg14[%swap3A_175, %swap3A_176] {strides = array<i32>} : memref<128x128xf32, #tpu.memory_space<vmem>>, vector<1x16xf32>,
      %swap3A_178 = vector.shape_cast %swap3A_177 : vector<1x16xf32> to vector<16xf32>
      %swap3A_179 = vector.shape_cast %broadcast_in_dim3A_174 : vector<16xf32> to vector<1x16xf32>
      tpu.vector_store %arg14[%swap3A_175, %swap3A_176], %swap3A_179 {strides = array<i32>} : memref<128x128xf32, #tpu.memory_space<vmem>>, vector<1x16xf32>,
      %broadcast_in_dim3A_180 = arith.constant 0.000000e+00 : f32
      %broadcast_in_dim3A_181 = vector.broadcast %broadcast_in_dim3A_180 : f32 to vector<16xf32>
      %swap3A_182 = arith.index_cast %scan3A_160 : i32 to index
      %swap3A_183 = arith.constant 48 : index
      %swap3A_184 = tpu.vector_load %arg14[%swap3A_182, %swap3A_183] {strides = array<i32>} : memref<128x128xf32, #tpu.memory_space<vmem>>, vector<1x16xf32>,
      %swap3A_185 = vector.shape_cast %swap3A_184 : vector<1x16xf32> to vector<16xf32>
      %swap3A_186 = vector.shape_cast %broadcast_in_dim3A_181 : vector<16xf32> to vector<1x16xf32>
      tpu.vector_store %arg14[%swap3A_182, %swap3A_183], %swap3A_186 {strides = array<i32>} : memref<128x128xf32, #tpu.memory_space<vmem>>, vector<1x16xf32>,
      %broadcast_in_dim3A_187 = arith.constant 0.000000e+00 : f32
      %broadcast_in_dim3A_188 = vector.broadcast %broadcast_in_dim3A_187 : f32 to vector<16xf32>
      %swap3A_189 = arith.index_cast %scan3A_160 : i32 to index
      %swap3A_190 = arith.constant 64 : index
      %swap3A_191 = tpu.vector_load %arg14[%swap3A_189, %swap3A_190] {strides = array<i32>} : memref<128x128xf32, #tpu.memory_space<vmem>>, vector<1x16xf32>,
      %swap3A_192 = vector.shape_cast %swap3A_191 : vector<1x16xf32> to vector<16xf32>
      %swap3A_193 = vector.shape_cast %broadcast_in_dim3A_188 : vector<16xf32> to vector<1x16xf32>
      tpu.vector_store %arg14[%swap3A_189, %swap3A_190], %swap3A_193 {strides = array<i32>} : memref<128x128xf32, #tpu.memory_space<vmem>>, vector<1x16xf32>,
      %broadcast_in_dim3A_194 = arith.constant 0.000000e+00 : f32
      %broadcast_in_dim3A_195 = vector.broadcast %broadcast_in_dim3A_194 : f32 to vector<16xf32>
      %swap3A_196 = arith.index_cast %scan3A_160 : i32 to index
      %swap3A_197 = arith.constant 80 : index
      %swap3A_198 = tpu.vector_load %arg14[%swap3A_196, %swap3A_197] {strides = array<i32>} : memref<128x128xf32, #tpu.memory_space<vmem>>, vector<1x16xf32>,
      %swap3A_199 = vector.shape_cast %swap3A_198 : vector<1x16xf32> to vector<16xf32>
      %swap3A_200 = vector.shape_cast %broadcast_in_dim3A_195 : vector<16xf32> to vector<1x16xf32>
      tpu.vector_store %arg14[%swap3A_196, %swap3A_197], %swap3A_200 {strides = array<i32>} : memref<128x128xf32, #tpu.memory_space<vmem>>, vector<1x16xf32>,
      %broadcast_in_dim3A_201 = arith.constant 0.000000e+00 : f32
      %broadcast_in_dim3A_202 = vector.broadcast %broadcast_in_dim3A_201 : f32 to vector<16xf32>
      %swap3A_203 = arith.index_cast %scan3A_160 : i32 to index
      %swap3A_204 = arith.constant 96 : index
      %swap3A_205 = tpu.vector_load %arg14[%swap3A_203, %swap3A_204] {strides = array<i32>} : memref<128x128xf32, #tpu.memory_space<vmem>>, vector<1x16xf32>,
      %swap3A_206 = vector.shape_cast %swap3A_205 : vector<1x16xf32> to vector<16xf32>
      %swap3A_207 = vector.shape_cast %broadcast_in_dim3A_202 : vector<16xf32> to vector<1x16xf32>
      tpu.vector_store %arg14[%swap3A_203, %swap3A_204], %swap3A_207 {strides = array<i32>} : memref<128x128xf32, #tpu.memory_space<vmem>>, vector<1x16xf32>,
      %broadcast_in_dim3A_208 = arith.constant 0.000000e+00 : f32
      %broadcast_in_dim3A_209 = vector.broadcast %broadcast_in_dim3A_208 : f32 to vector<16xf32>
      %swap3A_210 = arith.index_cast %scan3A_160 : i32 to index
      %swap3A_211 = arith.constant 112 : index
      %swap3A_212 = tpu.vector_load %arg14[%swap3A_210, %swap3A_211] {strides = array<i32>} : memref<128x128xf32, #tpu.memory_space<vmem>>, vector<1x16xf32>,
      %swap3A_213 = vector.shape_cast %swap3A_212 : vector<1x16xf32> to vector<16xf32>
      %swap3A_214 = vector.shape_cast %broadcast_in_dim3A_209 : vector<16xf32> to vector<1x16xf32>
      tpu.vector_store %arg14[%swap3A_210, %swap3A_211], %swap3A_214 {strides = array<i32>} : memref<128x128xf32, #tpu.memory_space<vmem>>, vector<1x16xf32>,
    }
    %scan3A_7 = arith.constant 128 : i32
    %add3A_8 = arith.constant 0 : i32
    %add3A_9 = arith.addi %mul3A_2, %add3A_8 : i32
    "tpu.region"() ({
      %run_scoped3A = tpu.sem_alloc : memref<!tpu.dma_semaphore, #tpu.memory_space<semaphore_mem>>
      %dma_start3A_160 = arith.constant 0 : i32
      %dma_start3A_161 = tpu.memref_slice %arg16[%add3A_9, %dma_start3A_160] : memref<10240x128xf32, #tpu.memory_space<vmem_shared>> -> memref<128x128xf32, #tpu.memory_space<vmem_shared>>
      %dma_start3A_162 = arith.constant 0 : i32
      %dma_start3A_163 = tpu.memref_slice %arg16[%add3A_9, %dma_start3A_162] : memref<10240x128xf32, #tpu.memory_space<vmem_shared>> -> memref<128x128xf32, #tpu.memory_space<vmem_shared>>
      tpu.enqueue_dma source(%arg14 : memref<128x128xf32, #tpu.memory_space<vmem>>) target(%dma_start3A_163 : memref<128x128xf32, #tpu.memory_space<vmem_shared>>) target_semaphore(%run_scoped3A : memref<!tpu.dma_semaphore, #tpu.memory_space<semaphore_mem>>)
      %dma_wait3A_164 = arith.constant 0 : i32
      %dma_wait3A_165 = tpu.memref_slice %arg16[%add3A_9, %dma_wait3A_164] : memref<10240x128xf32, #tpu.memory_space<vmem_shared>> -> memref<128x128xf32, #tpu.memory_space<vmem_shared>>
      %dma_wait3A_166 = arith.constant 0 : i32
      %dma_wait3A_167 = tpu.memref_slice %arg16[%add3A_9, %dma_wait3A_166] : memref<10240x128xf32, #tpu.memory_space<vmem_shared>> -> memref<128x128xf32, #tpu.memory_space<vmem_shared>>
      tpu.wait_dma2 semaphore(%run_scoped3A : memref<!tpu.dma_semaphore, #tpu.memory_space<semaphore_mem>>) src(%arg14 : memref<128x128xf32, #tpu.memory_space<vmem>>) dst(%dma_wait3A_167 : memref<128x128xf32, #tpu.memory_space<vmem_shared>>)
      tpu.yield
    }) : () -> ()
    %add3A_10 = arith.constant 128 : i32
    %add3A_11 = arith.addi %mul3A_2, %add3A_10 : i32
    "tpu.region"() ({
      %run_scoped3A = tpu.sem_alloc : memref<!tpu.dma_semaphore, #tpu.memory_space<semaphore_mem>>
      %dma_start3A_160 = arith.constant 0 : i32
      %dma_start3A_161 = tpu.memref_slice %arg16[%add3A_11, %dma_start3A_160] : memref<10240x128xf32, #tpu.memory_space<vmem_shared>> -> memref<128x128xf32, #tpu.memory_space<vmem_shared>>
      %dma_start3A_162 = arith.constant 0 : i32
      %dma_start3A_163 = tpu.memref_slice %arg16[%add3A_11, %dma_start3A_162] : memref<10240x128xf32, #tpu.memory_space<vmem_shared>> -> memref<128x128xf32, #tpu.memory_space<vmem_shared>>
      tpu.enqueue_dma source(%arg14 : memref<128x128xf32, #tpu.memory_space<vmem>>) target(%dma_start3A_163 : memref<128x128xf32, #tpu.memory_space<vmem_shared>>) target_semaphore(%run_scoped3A : memref<!tpu.dma_semaphore, #tpu.memory_space<semaphore_mem>>)
      %dma_wait3A_164 = arith.constant 0 : i32
      %dma_wait3A_165 = tpu.memref_slice %arg16[%add3A_11, %dma_wait3A_164] : memref<10240x128xf32, #tpu.memory_space<vmem_shared>> -> memref<128x128xf32, #tpu.memory_space<vmem_shared>>
      %dma_wait3A_166 = arith.constant 0 : i32
      %dma_wait3A_167 = tpu.memref_slice %arg16[%add3A_11, %dma_wait3A_166] : memref<10240x128xf32, #tpu.memory_space<vmem_shared>> -> memref<128x128xf32, #tpu.memory_space<vmem_shared>>
      tpu.wait_dma2 semaphore(%run_scoped3A : memref<!tpu.dma_semaphore, #tpu.memory_space<semaphore_mem>>) src(%arg14 : memref<128x128xf32, #tpu.memory_space<vmem>>) dst(%dma_wait3A_167 : memref<128x128xf32, #tpu.memory_space<vmem_shared>>)
      tpu.yield
    }) : () -> ()
    %add3A_12 = arith.constant 256 : i32
    %add3A_13 = arith.addi %mul3A_2, %add3A_12 : i32
    "tpu.region"() ({
      %run_scoped3A = tpu.sem_alloc : memref<!tpu.dma_semaphore, #tpu.memory_space<semaphore_mem>>
      %dma_start3A_160 = arith.constant 0 : i32
      %dma_start3A_161 = tpu.memref_slice %arg16[%add3A_13, %dma_start3A_160] : memref<10240x128xf32, #tpu.memory_space<vmem_shared>> -> memref<128x128xf32, #tpu.memory_space<vmem_shared>>
      %dma_start3A_162 = arith.constant 0 : i32
      %dma_start3A_163 = tpu.memref_slice %arg16[%add3A_13, %dma_start3A_162] : memref<10240x128xf32, #tpu.memory_space<vmem_shared>> -> memref<128x128xf32, #tpu.memory_space<vmem_shared>>
      tpu.enqueue_dma source(%arg14 : memref<128x128xf32, #tpu.memory_space<vmem>>) target(%dma_start3A_163 : memref<128x128xf32, #tpu.memory_space<vmem_shared>>) target_semaphore(%run_scoped3A : memref<!tpu.dma_semaphore, #tpu.memory_space<semaphore_mem>>)
      %dma_wait3A_164 = arith.constant 0 : i32
      %dma_wait3A_165 = tpu.memref_slice %arg16[%add3A_13, %dma_wait3A_164] : memref<10240x128xf32, #tpu.memory_space<vmem_shared>> -> memref<128x128xf32, #tpu.memory_space<vmem_shared>>
      %dma_wait3A_166 = arith.constant 0 : i32
      %dma_wait3A_167 = tpu.memref_slice %arg16[%add3A_13, %dma_wait3A_166] : memref<10240x128xf32, #tpu.memory_space<vmem_shared>> -> memref<128x128xf32, #tpu.memory_space<vmem_shared>>
      tpu.wait_dma2 semaphore(%run_scoped3A : memref<!tpu.dma_semaphore, #tpu.memory_space<semaphore_mem>>) src(%arg14 : memref<128x128xf32, #tpu.memory_space<vmem>>) dst(%dma_wait3A_167 : memref<128x128xf32, #tpu.memory_space<vmem_shared>>)
      tpu.yield
    }) : () -> ()
    %add3A_14 = arith.constant 384 : i32
    %add3A_15 = arith.addi %mul3A_2, %add3A_14 : i32
    "tpu.region"() ({
      %run_scoped3A = tpu.sem_alloc : memref<!tpu.dma_semaphore, #tpu.memory_space<semaphore_mem>>
      %dma_start3A_160 = arith.constant 0 : i32
      %dma_start3A_161 = tpu.memref_slice %arg16[%add3A_15, %dma_start3A_160] : memref<10240x128xf32, #tpu.memory_space<vmem_shared>> -> memref<128x128xf32, #tpu.memory_space<vmem_shared>>
      %dma_start3A_162 = arith.constant 0 : i32
      %dma_start3A_163 = tpu.memref_slice %arg16[%add3A_15, %dma_start3A_162] : memref<10240x128xf32, #tpu.memory_space<vmem_shared>> -> memref<128x128xf32, #tpu.memory_space<vmem_shared>>
      tpu.enqueue_dma source(%arg14 : memref<128x128xf32, #tpu.memory_space<vmem>>) target(%dma_start3A_163 : memref<128x128xf32, #tpu.memory_space<vmem_shared>>) target_semaphore(%run_scoped3A : memref<!tpu.dma_semaphore, #tpu.memory_space<semaphore_mem>>)
      %dma_wait3A_164 = arith.constant 0 : i32
      %dma_wait3A_165 = tpu.memref_slice %arg16[%add3A_15, %dma_wait3A_164] : memref<10240x128xf32, #tpu.memory_space<vmem_shared>> -> memref<128x128xf32, #tpu.memory_space<vmem_shared>>
      %dma_wait3A_166 = arith.constant 0 : i32
      %dma_wait3A_167 = tpu.memref_slice %arg16[%add3A_15, %dma_wait3A_166] : memref<10240x128xf32, #tpu.memory_space<vmem_shared>> -> memref<128x128xf32, #tpu.memory_space<vmem_shared>>
      tpu.wait_dma2 semaphore(%run_scoped3A : memref<!tpu.dma_semaphore, #tpu.memory_space<semaphore_mem>>) src(%arg14 : memref<128x128xf32, #tpu.memory_space<vmem>>) dst(%dma_wait3A_167 : memref<128x128xf32, #tpu.memory_space<vmem_shared>>)
      tpu.yield
    }) : () -> ()
    %add3A_16 = arith.constant 512 : i32
    %add3A_17 = arith.addi %mul3A_2, %add3A_16 : i32
    "tpu.region"() ({
      %run_scoped3A = tpu.sem_alloc : memref<!tpu.dma_semaphore, #tpu.memory_space<semaphore_mem>>
      %dma_start3A_160 = arith.constant 0 : i32
      %dma_start3A_161 = tpu.memref_slice %arg16[%add3A_17, %dma_start3A_160] : memref<10240x128xf32, #tpu.memory_space<vmem_shared>> -> memref<128x128xf32, #tpu.memory_space<vmem_shared>>
      %dma_start3A_162 = arith.constant 0 : i32
      %dma_start3A_163 = tpu.memref_slice %arg16[%add3A_17, %dma_start3A_162] : memref<10240x128xf32, #tpu.memory_space<vmem_shared>> -> memref<128x128xf32, #tpu.memory_space<vmem_shared>>
      tpu.enqueue_dma source(%arg14 : memref<128x128xf32, #tpu.memory_space<vmem>>) target(%dma_start3A_163 : memref<128x128xf32, #tpu.memory_space<vmem_shared>>) target_semaphore(%run_scoped3A : memref<!tpu.dma_semaphore, #tpu.memory_space<semaphore_mem>>)
      %dma_wait3A_164 = arith.constant 0 : i32
      %dma_wait3A_165 = tpu.memref_slice %arg16[%add3A_17, %dma_wait3A_164] : memref<10240x128xf32, #tpu.memory_space<vmem_shared>> -> memref<128x128xf32, #tpu.memory_space<vmem_shared>>
      %dma_wait3A_166 = arith.constant 0 : i32
      %dma_wait3A_167 = tpu.memref_slice %arg16[%add3A_17, %dma_wait3A_166] : memref<10240x128xf32, #tpu.memory_space<vmem_shared>> -> memref<128x128xf32, #tpu.memory_space<vmem_shared>>
      tpu.wait_dma2 semaphore(%run_scoped3A : memref<!tpu.dma_semaphore, #tpu.memory_space<semaphore_mem>>) src(%arg14 : memref<128x128xf32, #tpu.memory_space<vmem>>) dst(%dma_wait3A_167 : memref<128x128xf32, #tpu.memory_space<vmem_shared>>)
      tpu.yield
    }) : () -> ()
    %barrier3A = arith.constant 0 : index
    tpu.barrier barrier_id(%barrier3A)
    %mul3A_18 = arith.constant 10240 : i32
    %mul3A_19 = arith.muli %add3A, %mul3A_18 : i32
    %add3A_20 = arith.constant 0 : i32
    %add3A_21 = arith.addi %mul3A_19, %add3A_20 : i32
    %dma_start3A = tpu.memref_slice %arg3[%add3A_21] : memref<327680xi32, #tpu.memory_space<hbm>> -> memref<128xi32, #tpu.memory_space<hbm>>
    %dma_start3A_22 = tpu.memref_slice %arg3[%add3A_21] : memref<327680xi32, #tpu.memory_space<hbm>> -> memref<128xi32, #tpu.memory_space<hbm>>
    tpu.enqueue_dma source(%dma_start3A_22 : memref<128xi32, #tpu.memory_space<hbm>>) target(%arg6 : memref<128xi32, #tpu.memory_space<vmem>>) target_semaphore(%arg17 : memref<!tpu.dma_semaphore, #tpu.memory_space<semaphore_mem>>)
    %dma_start3A_23 = tpu.memref_slice %arg4[%add3A_21] : memref<327680xi32, #tpu.memory_space<hbm>> -> memref<128xi32, #tpu.memory_space<hbm>>
    %dma_start3A_24 = tpu.memref_slice %arg4[%add3A_21] : memref<327680xi32, #tpu.memory_space<hbm>> -> memref<128xi32, #tpu.memory_space<hbm>>
    tpu.enqueue_dma source(%dma_start3A_24 : memref<128xi32, #tpu.memory_space<hbm>>) target(%arg10 : memref<128xi32, #tpu.memory_space<vmem>>) target_semaphore(%arg17 : memref<!tpu.dma_semaphore, #tpu.memory_space<semaphore_mem>>)
    %mul3A_25 = arith.constant 10240 : i32
    %mul3A_26 = arith.muli %add3A, %mul3A_25 : i32
    %add3A_27 = arith.constant 128 : i32
    %add3A_28 = arith.addi %mul3A_26, %add3A_27 : i32
    %dma_start3A_29 = tpu.memref_slice %arg3[%add3A_28] : memref<327680xi32, #tpu.memory_space<hbm>> -> memref<128xi32, #tpu.memory_space<hbm>>
    %dma_start3A_30 = tpu.memref_slice %arg3[%add3A_28] : memref<327680xi32, #tpu.memory_space<hbm>> -> memref<128xi32, #tpu.memory_space<hbm>>
    tpu.enqueue_dma source(%dma_start3A_30 : memref<128xi32, #tpu.memory_space<hbm>>) target(%arg7 : memref<128xi32, #tpu.memory_space<vmem>>) target_semaphore(%arg18 : memref<!tpu.dma_semaphore, #tpu.memory_space<semaphore_mem>>)
    %dma_start3A_31 = tpu.memref_slice %arg4[%add3A_28] : memref<327680xi32, #tpu.memory_space<hbm>> -> memref<128xi32, #tpu.memory_space<hbm>>
    %dma_start3A_32 = tpu.memref_slice %arg4[%add3A_28] : memref<327680xi32, #tpu.memory_space<hbm>> -> memref<128xi32, #tpu.memory_space<hbm>>
    tpu.enqueue_dma source(%dma_start3A_32 : memref<128xi32, #tpu.memory_space<hbm>>) target(%arg11 : memref<128xi32, #tpu.memory_space<vmem>>) target_semaphore(%arg18 : memref<!tpu.dma_semaphore, #tpu.memory_space<semaphore_mem>>)
    %mul3A_33 = arith.constant 10240 : i32
    %mul3A_34 = arith.muli %add3A, %mul3A_33 : i32
    %add3A_35 = arith.constant 256 : i32
    %add3A_36 = arith.addi %mul3A_34, %add3A_35 : i32
    %dma_start3A_37 = tpu.memref_slice %arg3[%add3A_36] : memref<327680xi32, #tpu.memory_space<hbm>> -> memref<128xi32, #tpu.memory_space<hbm>>
    %dma_start3A_38 = tpu.memref_slice %arg3[%add3A_36] : memref<327680xi32, #tpu.memory_space<hbm>> -> memref<128xi32, #tpu.memory_space<hbm>>
    tpu.enqueue_dma source(%dma_start3A_38 : memref<128xi32, #tpu.memory_space<hbm>>) target(%arg8 : memref<128xi32, #tpu.memory_space<vmem>>) target_semaphore(%arg19 : memref<!tpu.dma_semaphore, #tpu.memory_space<semaphore_mem>>)
    %dma_start3A_39 = tpu.memref_slice %arg4[%add3A_36] : memref<327680xi32, #tpu.memory_space<hbm>> -> memref<128xi32, #tpu.memory_space<hbm>>
    %dma_start3A_40 = tpu.memref_slice %arg4[%add3A_36] : memref<327680xi32, #tpu.memory_space<hbm>> -> memref<128xi32, #tpu.memory_space<hbm>>
    tpu.enqueue_dma source(%dma_start3A_40 : memref<128xi32, #tpu.memory_space<hbm>>) target(%arg12 : memref<128xi32, #tpu.memory_space<vmem>>) target_semaphore(%arg19 : memref<!tpu.dma_semaphore, #tpu.memory_space<semaphore_mem>>)
    %mul3A_41 = arith.constant 10240 : i32
    %mul3A_42 = arith.muli %add3A, %mul3A_41 : i32
    %add3A_43 = arith.constant 384 : i32
    %add3A_44 = arith.addi %mul3A_42, %add3A_43 : i32
    %dma_start3A_45 = tpu.memref_slice %arg3[%add3A_44] : memref<327680xi32, #tpu.memory_space<hbm>> -> memref<128xi32, #tpu.memory_space<hbm>>
    %dma_start3A_46 = tpu.memref_slice %arg3[%add3A_44] : memref<327680xi32, #tpu.memory_space<hbm>> -> memref<128xi32, #tpu.memory_space<hbm>>
    tpu.enqueue_dma source(%dma_start3A_46 : memref<128xi32, #tpu.memory_space<hbm>>) target(%arg9 : memref<128xi32, #tpu.memory_space<vmem>>) target_semaphore(%arg20 : memref<!tpu.dma_semaphore, #tpu.memory_space<semaphore_mem>>)
    %dma_start3A_47 = tpu.memref_slice %arg4[%add3A_44] : memref<327680xi32, #tpu.memory_space<hbm>> -> memref<128xi32, #tpu.memory_space<hbm>>
    %dma_start3A_48 = tpu.memref_slice %arg4[%add3A_44] : memref<327680xi32, #tpu.memory_space<hbm>> -> memref<128xi32, #tpu.memory_space<hbm>>
    tpu.enqueue_dma source(%dma_start3A_48 : memref<128xi32, #tpu.memory_space<hbm>>) target(%arg13 : memref<128xi32, #tpu.memory_space<vmem>>) target_semaphore(%arg20 : memref<!tpu.dma_semaphore, #tpu.memory_space<semaphore_mem>>)
    %mul3A_49 = arith.constant 10240 : i32
    %mul3A_50 = arith.muli %add3A, %mul3A_49 : i32
    %add3A_51 = arith.constant 0 : i32
    %add3A_52 = arith.addi %mul3A_50, %add3A_51 : i32
    %dma_wait3A = tpu.memref_slice %arg3[%add3A_52] : memref<327680xi32, #tpu.memory_space<hbm>> -> memref<128xi32, #tpu.memory_space<hbm>>
    %dma_wait3A_53 = tpu.memref_slice %arg3[%add3A_52] : memref<327680xi32, #tpu.memory_space<hbm>> -> memref<128xi32, #tpu.memory_space<hbm>>
    tpu.wait_dma2 semaphore(%arg17 : memref<!tpu.dma_semaphore, #tpu.memory_space<semaphore_mem>>) src(%dma_wait3A_53 : memref<128xi32, #tpu.memory_space<hbm>>) dst(%arg6 : memref<128xi32, #tpu.memory_space<vmem>>)
    %dma_wait3A_54 = tpu.memref_slice %arg4[%add3A_52] : memref<327680xi32, #tpu.memory_space<hbm>> -> memref<128xi32, #tpu.memory_space<hbm>>
    %dma_wait3A_55 = tpu.memref_slice %arg4[%add3A_52] : memref<327680xi32, #tpu.memory_space<hbm>> -> memref<128xi32, #tpu.memory_space<hbm>>
    tpu.wait_dma2 semaphore(%arg17 : memref<!tpu.dma_semaphore, #tpu.memory_space<semaphore_mem>>) src(%dma_wait3A_55 : memref<128xi32, #tpu.memory_space<hbm>>) dst(%arg10 : memref<128xi32, #tpu.memory_space<vmem>>)
    %dma_start3A_56 = arith.constant 0 : i32
    %dma_start3A_57 = arith.constant 0 : i32
    %dma_start3A_58 = tpu.memref_slice %arg2[%dma_start3A_56, %dma_start3A_57] : memref<10240x128xf32, #tpu.memory_space<hbm>> -> memref<10240x128xf32, #tpu.memory_space<hbm>>
    tpu.enqueue_indirect_dma source(%dma_start3A_58 : memref<10240x128xf32, #tpu.memory_space<hbm>>) target(%arg14 : memref<128x128xf32, #tpu.memory_space<vmem>>) offsets(%arg6 : memref<128xi32, #tpu.memory_space<vmem>>) semaphore(%arg21 : memref<!tpu.dma_semaphore, #tpu.memory_space<semaphore_mem>>)
    %mul3A_59 = arith.constant 10240 : i32
    %mul3A_60 = arith.muli %add3A, %mul3A_59 : i32
    %add3A_61 = arith.constant 128 : i32
    %add3A_62 = arith.addi %mul3A_60, %add3A_61 : i32
    %dma_wait3A_63 = tpu.memref_slice %arg3[%add3A_62] : memref<327680xi32, #tpu.memory_space<hbm>> -> memref<128xi32, #tpu.memory_space<hbm>>
    %dma_wait3A_64 = tpu.memref_slice %arg3[%add3A_62] : memref<327680xi32, #tpu.memory_space<hbm>> -> memref<128xi32, #tpu.memory_space<hbm>>
    tpu.wait_dma2 semaphore(%arg18 : memref<!tpu.dma_semaphore, #tpu.memory_space<semaphore_mem>>) src(%dma_wait3A_64 : memref<128xi32, #tpu.memory_space<hbm>>) dst(%arg7 : memref<128xi32, #tpu.memory_space<vmem>>)
    %dma_wait3A_65 = tpu.memref_slice %arg4[%add3A_62] : memref<327680xi32, #tpu.memory_space<hbm>> -> memref<128xi32, #tpu.memory_space<hbm>>
    %dma_wait3A_66 = tpu.memref_slice %arg4[%add3A_62] : memref<327680xi32, #tpu.memory_space<hbm>> -> memref<128xi32, #tpu.memory_space<hbm>>
    tpu.wait_dma2 semaphore(%arg18 : memref<!tpu.dma_semaphore, #tpu.memory_space<semaphore_mem>>) src(%dma_wait3A_66 : memref<128xi32, #tpu.memory_space<hbm>>) dst(%arg11 : memref<128xi32, #tpu.memory_space<vmem>>)
    %dma_start3A_67 = arith.constant 0 : i32
    %dma_start3A_68 = arith.constant 0 : i32
    %dma_start3A_69 = tpu.memref_slice %arg2[%dma_start3A_67, %dma_start3A_68] : memref<10240x128xf32, #tpu.memory_space<hbm>> -> memref<10240x128xf32, #tpu.memory_space<hbm>>
    tpu.enqueue_indirect_dma source(%dma_start3A_69 : memref<10240x128xf32, #tpu.memory_space<hbm>>) target(%arg15 : memref<128x128xf32, #tpu.memory_space<vmem>>) offsets(%arg7 : memref<128xi32, #tpu.memory_space<vmem>>) semaphore(%arg22 : memref<!tpu.dma_semaphore, #tpu.memory_space<semaphore_mem>>)
    %dma_wait3A_70 = arith.constant 0 : i32
    %dma_wait3A_71 = arith.constant 0 : i32
    %dma_wait3A_72 = tpu.memref_slice %arg2[%dma_wait3A_70, %dma_wait3A_71] : memref<10240x128xf32, #tpu.memory_space<hbm>> -> memref<10240x128xf32, #tpu.memory_space<hbm>>
    tpu.wait_indirect_dma semaphore(%arg21 : memref<!tpu.dma_semaphore, #tpu.memory_space<semaphore_mem>>) src(%dma_wait3A_72 : memref<10240x128xf32, #tpu.memory_space<hbm>>) dst(%arg14 : memref<128x128xf32, #tpu.memory_space<vmem>>)
    %dma_start3A_73 = arith.constant 0 : i32
    %dma_start3A_74 = arith.constant 0 : i32
    %dma_start3A_75 = tpu.memref_slice %arg16[%dma_start3A_73, %dma_start3A_74] : memref<10240x128xf32, #tpu.memory_space<vmem_shared>> -> memref<10240x128xf32, #tpu.memory_space<vmem_shared>>
    tpu.enqueue_indirect_dma source(%arg14 : memref<128x128xf32, #tpu.memory_space<vmem>>) target(%dma_start3A_75 : memref<10240x128xf32, #tpu.memory_space<vmem_shared>>) offsets(%arg10 : memref<128xi32, #tpu.memory_space<vmem>>) semaphore(%arg23 : memref<!tpu.dma_semaphore, #tpu.memory_space<semaphore_mem>>) {add = true}
    %scan3A_76 = arith.constant 0 : i32
    %scan3A_77 = arith.constant 0 : i32
    %scan3A_78 = arith.constant 19 : i32
    %scan3A_79 = arith.addi %scan3A_77, %scan3A_78 : i32
    %scan3A_80 = arith.constant 1 : i32
    scf.for %scan3A_160 = %scan3A_77 to %scan3A_79 step %scan3A_80  : i32 {
      %mul3A_161 = arith.constant 4 : i32
      %mul3A_162 = arith.muli %mul3A_161, %scan3A_160 : i32
      %add3A_163 = arith.constant 2 : i32
      %add3A_164 = arith.addi %add3A_163, %mul3A_162 : i32
      %add3A_165 = arith.constant 0 : i32
      %add3A_166 = arith.addi %add3A_164, %add3A_165 : i32
      %dma_wait3A_167 = arith.constant 0 : i32
      %dma_wait3A_168 = arith.constant 0 : i32
      %dma_wait3A_169 = tpu.memref_slice %arg16[%dma_wait3A_167, %dma_wait3A_168] : memref<10240x128xf32, #tpu.memory_space<vmem_shared>> -> memref<10240x128xf32, #tpu.memory_space<vmem_shared>>
      tpu.wait_indirect_dma semaphore(%arg23 : memref<!tpu.dma_semaphore, #tpu.memory_space<semaphore_mem>>) src(%arg14 : memref<128x128xf32, #tpu.memory_space<vmem>>) dst(%dma_wait3A_169 : memref<10240x128xf32, #tpu.memory_space<vmem_shared>>)
      %mul3A_170 = arith.constant 10240 : i32
      %mul3A_171 = arith.muli %add3A, %mul3A_170 : i32
      %mul3A_172 = arith.constant 128 : i32
      %mul3A_173 = arith.muli %add3A_166, %mul3A_172 : i32
      %add3A_174 = arith.addi %mul3A_171, %mul3A_173 : i32
      %dma_wait3A_175 = tpu.memref_slice %arg3[%add3A_174] : memref<327680xi32, #tpu.memory_space<hbm>> -> memref<128xi32, #tpu.memory_space<hbm>>
      %dma_wait3A_176 = tpu.memref_slice %arg3[%add3A_174] : memref<327680xi32, #tpu.memory_space<hbm>> -> memref<128xi32, #tpu.memory_space<hbm>>
      tpu.wait_dma2 semaphore(%arg19 : memref<!tpu.dma_semaphore, #tpu.memory_space<semaphore_mem>>) src(%dma_wait3A_176 : memref<128xi32, #tpu.memory_space<hbm>>) dst(%arg8 : memref<128xi32, #tpu.memory_space<vmem>>)
      %dma_wait3A_177 = tpu.memref_slice %arg4[%add3A_174] : memref<327680xi32, #tpu.memory_space<hbm>> -> memref<128xi32, #tpu.memory_space<hbm>>
      %dma_wait3A_178 = tpu.memref_slice %arg4[%add3A_174] : memref<327680xi32, #tpu.memory_space<hbm>> -> memref<128xi32, #tpu.memory_space<hbm>>
      tpu.wait_dma2 semaphore(%arg19 : memref<!tpu.dma_semaphore, #tpu.memory_space<semaphore_mem>>) src(%dma_wait3A_178 : memref<128xi32, #tpu.memory_space<hbm>>) dst(%arg12 : memref<128xi32, #tpu.memory_space<vmem>>)
      %dma_start3A_179 = arith.constant 0 : i32
      %dma_start3A_180 = arith.constant 0 : i32
      %dma_start3A_181 = tpu.memref_slice %arg2[%dma_start3A_179, %dma_start3A_180] : memref<10240x128xf32, #tpu.memory_space<hbm>> -> memref<10240x128xf32, #tpu.memory_space<hbm>>
      tpu.enqueue_indirect_dma source(%dma_start3A_181 : memref<10240x128xf32, #tpu.memory_space<hbm>>) target(%arg14 : memref<128x128xf32, #tpu.memory_space<vmem>>) offsets(%arg8 : memref<128xi32, #tpu.memory_space<vmem>>) semaphore(%arg21 : memref<!tpu.dma_semaphore, #tpu.memory_space<semaphore_mem>>)
      %add3A_182 = arith.constant 2 : i32
      %add3A_183 = arith.addi %add3A_166, %add3A_182 : i32
      %mul3A_184 = arith.constant 10240 : i32
      %mul3A_185 = arith.muli %add3A, %mul3A_184 : i32
      %mul3A_186 = arith.constant 128 : i32
      %mul3A_187 = arith.muli %add3A_183, %mul3A_186 : i32
      %add3A_188 = arith.addi %mul3A_185, %mul3A_187 : i32
      %dma_start3A_189 = tpu.memref_slice %arg3[%add3A_188] : memref<327680xi32, #tpu.memory_space<hbm>> -> memref<128xi32, #tpu.memory_space<hbm>>
      %dma_start3A_190 = tpu.memref_slice %arg3[%add3A_188] : memref<327680xi32, #tpu.memory_space<hbm>> -> memref<128xi32, #tpu.memory_space<hbm>>
      tpu.enqueue_dma source(%dma_start3A_190 : memref<128xi32, #tpu.memory_space<hbm>>) target(%arg6 : memref<128xi32, #tpu.memory_space<vmem>>) target_semaphore(%arg17 : memref<!tpu.dma_semaphore, #tpu.memory_space<semaphore_mem>>)
      %dma_start3A_191 = tpu.memref_slice %arg4[%add3A_188] : memref<327680xi32, #tpu.memory_space<hbm>> -> memref<128xi32, #tpu.memory_space<hbm>>
      %dma_start3A_192 = tpu.memref_slice %arg4[%add3A_188] : memref<327680xi32, #tpu.memory_space<hbm>> -> memref<128xi32, #tpu.memory_space<hbm>>
      tpu.enqueue_dma source(%dma_start3A_192 : memref<128xi32, #tpu.memory_space<hbm>>) target(%arg10 : memref<128xi32, #tpu.memory_space<vmem>>) target_semaphore(%arg17 : memref<!tpu.dma_semaphore, #tpu.memory_space<semaphore_mem>>)
      %dma_wait3A_193 = arith.constant 0 : i32
      %dma_wait3A_194 = arith.constant 0 : i32
      %dma_wait3A_195 = tpu.memref_slice %arg2[%dma_wait3A_193, %dma_wait3A_194] : memref<10240x128xf32, #tpu.memory_space<hbm>> -> memref<10240x128xf32, #tpu.memory_space<hbm>>
      tpu.wait_indirect_dma semaphore(%arg22 : memref<!tpu.dma_semaphore, #tpu.memory_space<semaphore_mem>>) src(%dma_wait3A_195 : memref<10240x128xf32, #tpu.memory_space<hbm>>) dst(%arg15 : memref<128x128xf32, #tpu.memory_space<vmem>>)
      %dma_start3A_196 = arith.constant 0 : i32
      %dma_start3A_197 = arith.constant 0 : i32
      %dma_start3A_198 = tpu.memref_slice %arg16[%dma_start3A_196, %dma_start3A_197] : memref<10240x128xf32, #tpu.memory_space<vmem_shared>> -> memref<10240x128xf32, #tpu.memory_space<vmem_shared>>
      tpu.enqueue_indirect_dma source(%arg15 : memref<128x128xf32, #tpu.memory_space<vmem>>) target(%dma_start3A_198 : memref<10240x128xf32, #tpu.memory_space<vmem_shared>>) offsets(%arg11 : memref<128xi32, #tpu.memory_space<vmem>>) semaphore(%arg24 : memref<!tpu.dma_semaphore, #tpu.memory_space<semaphore_mem>>) {add = true}
      %mul3A_199 = arith.constant 4 : i32
      %mul3A_200 = arith.muli %mul3A_199, %scan3A_160 : i32
      %add3A_201 = arith.constant 2 : i32
      %add3A_202 = arith.addi %add3A_201, %mul3A_200 : i32
      %add3A_203 = arith.constant 1 : i32
      %add3A_204 = arith.addi %add3A_202, %add3A_203 : i32
      %dma_wait3A_205 = arith.constant 0 : i32
      %dma_wait3A_206 = arith.constant 0 : i32
      %dma_wait3A_207 = tpu.memref_slice %arg16[%dma_wait3A_205, %dma_wait3A_206] : memref<10240x128xf32, #tpu.memory_space<vmem_shared>> -> memref<10240x128xf32, #tpu.memory_space<vmem_shared>>
      tpu.wait_indirect_dma semaphore(%arg24 : memref<!tpu.dma_semaphore, #tpu.memory_space<semaphore_mem>>) src(%arg15 : memref<128x128xf32, #tpu.memory_space<vmem>>) dst(%dma_wait3A_207 : memref<10240x128xf32, #tpu.memory_space<vmem_shared>>)
      %mul3A_208 = arith.constant 10240 : i32
      %mul3A_209 = arith.muli %add3A, %mul3A_208 : i32
      %mul3A_210 = arith.constant 128 : i32
      %mul3A_211 = arith.muli %add3A_204, %mul3A_210 : i32
      %add3A_212 = arith.addi %mul3A_209, %mul3A_211 : i32
      %dma_wait3A_213 = tpu.memref_slice %arg3[%add3A_212] : memref<327680xi32, #tpu.memory_space<hbm>> -> memref<128xi32, #tpu.memory_space<hbm>>
      %dma_wait3A_214 = tpu.memref_slice %arg3[%add3A_212] : memref<327680xi32, #tpu.memory_space<hbm>> -> memref<128xi32, #tpu.memory_space<hbm>>
      tpu.wait_dma2 semaphore(%arg20 : memref<!tpu.dma_semaphore, #tpu.memory_space<semaphore_mem>>) src(%dma_wait3A_214 : memref<128xi32, #tpu.memory_space<hbm>>) dst(%arg9 : memref<128xi32, #tpu.memory_space<vmem>>)
      %dma_wait3A_215 = tpu.memref_slice %arg4[%add3A_212] : memref<327680xi32, #tpu.memory_space<hbm>> -> memref<128xi32, #tpu.memory_space<hbm>>
      %dma_wait3A_216 = tpu.memref_slice %arg4[%add3A_212] : memref<327680xi32, #tpu.memory_space<hbm>> -> memref<128xi32, #tpu.memory_space<hbm>>
      tpu.wait_dma2 semaphore(%arg20 : memref<!tpu.dma_semaphore, #tpu.memory_space<semaphore_mem>>) src(%dma_wait3A_216 : memref<128xi32, #tpu.memory_space<hbm>>) dst(%arg13 : memref<128xi32, #tpu.memory_space<vmem>>)
      %dma_start3A_217 = arith.constant 0 : i32
      %dma_start3A_218 = arith.constant 0 : i32
      %dma_start3A_219 = tpu.memref_slice %arg2[%dma_start3A_217, %dma_start3A_218] : memref<10240x128xf32, #tpu.memory_space<hbm>> -> memref<10240x128xf32, #tpu.memory_space<hbm>>
      tpu.enqueue_indirect_dma source(%dma_start3A_219 : memref<10240x128xf32, #tpu.memory_space<hbm>>) target(%arg15 : memref<128x128xf32, #tpu.memory_space<vmem>>) offsets(%arg9 : memref<128xi32, #tpu.memory_space<vmem>>) semaphore(%arg22 : memref<!tpu.dma_semaphore, #tpu.memory_space<semaphore_mem>>)
      %add3A_220 = arith.constant 2 : i32
      %add3A_221 = arith.addi %add3A_204, %add3A_220 : i32
      %mul3A_222 = arith.constant 10240 : i32
      %mul3A_223 = arith.muli %add3A, %mul3A_222 : i32
      %mul3A_224 = arith.constant 128 : i32
      %mul3A_225 = arith.muli %add3A_221, %mul3A_224 : i32
      %add3A_226 = arith.addi %mul3A_223, %mul3A_225 : i32
      %dma_start3A_227 = tpu.memref_slice %arg3[%add3A_226] : memref<327680xi32, #tpu.memory_space<hbm>> -> memref<128xi32, #tpu.memory_space<hbm>>
      %dma_start3A_228 = tpu.memref_slice %arg3[%add3A_226] : memref<327680xi32, #tpu.memory_space<hbm>> -> memref<128xi32, #tpu.memory_space<hbm>>
      tpu.enqueue_dma source(%dma_start3A_228 : memref<128xi32, #tpu.memory_space<hbm>>) target(%arg7 : memref<128xi32, #tpu.memory_space<vmem>>) target_semaphore(%arg18 : memref<!tpu.dma_semaphore, #tpu.memory_space<semaphore_mem>>)
      %dma_start3A_229 = tpu.memref_slice %arg4[%add3A_226] : memref<327680xi32, #tpu.memory_space<hbm>> -> memref<128xi32, #tpu.memory_space<hbm>>
      %dma_start3A_230 = tpu.memref_slice %arg4[%add3A_226] : memref<327680xi32, #tpu.memory_space<hbm>> -> memref<128xi32, #tpu.memory_space<hbm>>
      tpu.enqueue_dma source(%dma_start3A_230 : memref<128xi32, #tpu.memory_space<hbm>>) target(%arg11 : memref<128xi32, #tpu.memory_space<vmem>>) target_semaphore(%arg18 : memref<!tpu.dma_semaphore, #tpu.memory_space<semaphore_mem>>)
      %dma_wait3A_231 = arith.constant 0 : i32
      %dma_wait3A_232 = arith.constant 0 : i32
      %dma_wait3A_233 = tpu.memref_slice %arg2[%dma_wait3A_231, %dma_wait3A_232] : memref<10240x128xf32, #tpu.memory_space<hbm>> -> memref<10240x128xf32, #tpu.memory_space<hbm>>
      tpu.wait_indirect_dma semaphore(%arg21 : memref<!tpu.dma_semaphore, #tpu.memory_space<semaphore_mem>>) src(%dma_wait3A_233 : memref<10240x128xf32, #tpu.memory_space<hbm>>) dst(%arg14 : memref<128x128xf32, #tpu.memory_space<vmem>>)
      %dma_start3A_234 = arith.constant 0 : i32
      %dma_start3A_235 = arith.constant 0 : i32
      %dma_start3A_236 = tpu.memref_slice %arg16[%dma_start3A_234, %dma_start3A_235] : memref<10240x128xf32, #tpu.memory_space<vmem_shared>> -> memref<10240x128xf32, #tpu.memory_space<vmem_shared>>
      tpu.enqueue_indirect_dma source(%arg14 : memref<128x128xf32, #tpu.memory_space<vmem>>) target(%dma_start3A_236 : memref<10240x128xf32, #tpu.memory_space<vmem_shared>>) offsets(%arg12 : memref<128xi32, #tpu.memory_space<vmem>>) semaphore(%arg23 : memref<!tpu.dma_semaphore, #tpu.memory_space<semaphore_mem>>) {add = true}
      %mul3A_237 = arith.constant 4 : i32
      %mul3A_238 = arith.muli %mul3A_237, %scan3A_160 : i32
      %add3A_239 = arith.constant 2 : i32
      %add3A_240 = arith.addi %add3A_239, %mul3A_238 : i32
      %add3A_241 = arith.constant 2 : i32
      %add3A_242 = arith.addi %add3A_240, %add3A_241 : i32
      %dma_wait3A_243 = arith.constant 0 : i32
      %dma_wait3A_244 = arith.constant 0 : i32
      %dma_wait3A_245 = tpu.memref_slice %arg16[%dma_wait3A_243, %dma_wait3A_244] : memref<10240x128xf32, #tpu.memory_space<vmem_shared>> -> memref<10240x128xf32, #tpu.memory_space<vmem_shared>>
      tpu.wait_indirect_dma semaphore(%arg23 : memref<!tpu.dma_semaphore, #tpu.memory_space<semaphore_mem>>) src(%arg14 : memref<128x128xf32, #tpu.memory_space<vmem>>) dst(%dma_wait3A_245 : memref<10240x128xf32, #tpu.memory_space<vmem_shared>>)
      %mul3A_246 = arith.constant 10240 : i32
      %mul3A_247 = arith.muli %add3A, %mul3A_246 : i32
      %mul3A_248 = arith.constant 128 : i32
      %mul3A_249 = arith.muli %add3A_242, %mul3A_248 : i32
      %add3A_250 = arith.addi %mul3A_247, %mul3A_249 : i32
      %dma_wait3A_251 = tpu.memref_slice %arg3[%add3A_250] : memref<327680xi32, #tpu.memory_space<hbm>> -> memref<128xi32, #tpu.memory_space<hbm>>
      %dma_wait3A_252 = tpu.memref_slice %arg3[%add3A_250] : memref<327680xi32, #tpu.memory_space<hbm>> -> memref<128xi32, #tpu.memory_space<hbm>>
      tpu.wait_dma2 semaphore(%arg17 : memref<!tpu.dma_semaphore, #tpu.memory_space<semaphore_mem>>) src(%dma_wait3A_252 : memref<128xi32, #tpu.memory_space<hbm>>) dst(%arg6 : memref<128xi32, #tpu.memory_space<vmem>>)
      %dma_wait3A_253 = tpu.memref_slice %arg4[%add3A_250] : memref<327680xi32, #tpu.memory_space<hbm>> -> memref<128xi32, #tpu.memory_space<hbm>>
      %dma_wait3A_254 = tpu.memref_slice %arg4[%add3A_250] : memref<327680xi32, #tpu.memory_space<hbm>> -> memref<128xi32, #tpu.memory_space<hbm>>
      tpu.wait_dma2 semaphore(%arg17 : memref<!tpu.dma_semaphore, #tpu.memory_space<semaphore_mem>>) src(%dma_wait3A_254 : memref<128xi32, #tpu.memory_space<hbm>>) dst(%arg10 : memref<128xi32, #tpu.memory_space<vmem>>)
      %dma_start3A_255 = arith.constant 0 : i32
      %dma_start3A_256 = arith.constant 0 : i32
      %dma_start3A_257 = tpu.memref_slice %arg2[%dma_start3A_255, %dma_start3A_256] : memref<10240x128xf32, #tpu.memory_space<hbm>> -> memref<10240x128xf32, #tpu.memory_space<hbm>>
      tpu.enqueue_indirect_dma source(%dma_start3A_257 : memref<10240x128xf32, #tpu.memory_space<hbm>>) target(%arg14 : memref<128x128xf32, #tpu.memory_space<vmem>>) offsets(%arg6 : memref<128xi32, #tpu.memory_space<vmem>>) semaphore(%arg21 : memref<!tpu.dma_semaphore, #tpu.memory_space<semaphore_mem>>)
      %add3A_258 = arith.constant 2 : i32
      %add3A_259 = arith.addi %add3A_242, %add3A_258 : i32
      %mul3A_260 = arith.constant 10240 : i32
      %mul3A_261 = arith.muli %add3A, %mul3A_260 : i32
      %mul3A_262 = arith.constant 128 : i32
      %mul3A_263 = arith.muli %add3A_259, %mul3A_262 : i32
      %add3A_264 = arith.addi %mul3A_261, %mul3A_263 : i32
      %dma_start3A_265 = tpu.memref_slice %arg3[%add3A_264] : memref<327680xi32, #tpu.memory_space<hbm>> -> memref<128xi32, #tpu.memory_space<hbm>>
      %dma_start3A_266 = tpu.memref_slice %arg3[%add3A_264] : memref<327680xi32, #tpu.memory_space<hbm>> -> memref<128xi32, #tpu.memory_space<hbm>>
      tpu.enqueue_dma source(%dma_start3A_266 : memref<128xi32, #tpu.memory_space<hbm>>) target(%arg8 : memref<128xi32, #tpu.memory_space<vmem>>) target_semaphore(%arg19 : memref<!tpu.dma_semaphore, #tpu.memory_space<semaphore_mem>>)
      %dma_start3A_267 = tpu.memref_slice %arg4[%add3A_264] : memref<327680xi32, #tpu.memory_space<hbm>> -> memref<128xi32, #tpu.memory_space<hbm>>
      %dma_start3A_268 = tpu.memref_slice %arg4[%add3A_264] : memref<327680xi32, #tpu.memory_space<hbm>> -> memref<128xi32, #tpu.memory_space<hbm>>
      tpu.enqueue_dma source(%dma_start3A_268 : memref<128xi32, #tpu.memory_space<hbm>>) target(%arg12 : memref<128xi32, #tpu.memory_space<vmem>>) target_semaphore(%arg19 : memref<!tpu.dma_semaphore, #tpu.memory_space<semaphore_mem>>)
      %dma_wait3A_269 = arith.constant 0 : i32
      %dma_wait3A_270 = arith.constant 0 : i32
      %dma_wait3A_271 = tpu.memref_slice %arg2[%dma_wait3A_269, %dma_wait3A_270] : memref<10240x128xf32, #tpu.memory_space<hbm>> -> memref<10240x128xf32, #tpu.memory_space<hbm>>
      tpu.wait_indirect_dma semaphore(%arg22 : memref<!tpu.dma_semaphore, #tpu.memory_space<semaphore_mem>>) src(%dma_wait3A_271 : memref<10240x128xf32, #tpu.memory_space<hbm>>) dst(%arg15 : memref<128x128xf32, #tpu.memory_space<vmem>>)
      %dma_start3A_272 = arith.constant 0 : i32
      %dma_start3A_273 = arith.constant 0 : i32
      %dma_start3A_274 = tpu.memref_slice %arg16[%dma_start3A_272, %dma_start3A_273] : memref<10240x128xf32, #tpu.memory_space<vmem_shared>> -> memref<10240x128xf32, #tpu.memory_space<vmem_shared>>
      tpu.enqueue_indirect_dma source(%arg15 : memref<128x128xf32, #tpu.memory_space<vmem>>) target(%dma_start3A_274 : memref<10240x128xf32, #tpu.memory_space<vmem_shared>>) offsets(%arg13 : memref<128xi32, #tpu.memory_space<vmem>>) semaphore(%arg24 : memref<!tpu.dma_semaphore, #tpu.memory_space<semaphore_mem>>) {add = true}
      %mul3A_275 = arith.constant 4 : i32
      %mul3A_276 = arith.muli %mul3A_275, %scan3A_160 : i32
      %add3A_277 = arith.constant 2 : i32
      %add3A_278 = arith.addi %add3A_277, %mul3A_276 : i32
      %add3A_279 = arith.constant 3 : i32
      %add3A_280 = arith.addi %add3A_278, %add3A_279 : i32
      %dma_wait3A_281 = arith.constant 0 : i32
      %dma_wait3A_282 = arith.constant 0 : i32
      %dma_wait3A_283 = tpu.memref_slice %arg16[%dma_wait3A_281, %dma_wait3A_282] : memref<10240x128xf32, #tpu.memory_space<vmem_shared>> -> memref<10240x128xf32, #tpu.memory_space<vmem_shared>>
      tpu.wait_indirect_dma semaphore(%arg24 : memref<!tpu.dma_semaphore, #tpu.memory_space<semaphore_mem>>) src(%arg15 : memref<128x128xf32, #tpu.memory_space<vmem>>) dst(%dma_wait3A_283 : memref<10240x128xf32, #tpu.memory_space<vmem_shared>>)
      %mul3A_284 = arith.constant 10240 : i32
      %mul3A_285 = arith.muli %add3A, %mul3A_284 : i32
      %mul3A_286 = arith.constant 128 : i32
      %mul3A_287 = arith.muli %add3A_280, %mul3A_286 : i32
      %add3A_288 = arith.addi %mul3A_285, %mul3A_287 : i32
      %dma_wait3A_289 = tpu.memref_slice %arg3[%add3A_288] : memref<327680xi32, #tpu.memory_space<hbm>> -> memref<128xi32, #tpu.memory_space<hbm>>
      %dma_wait3A_290 = tpu.memref_slice %arg3[%add3A_288] : memref<327680xi32, #tpu.memory_space<hbm>> -> memref<128xi32, #tpu.memory_space<hbm>>
      tpu.wait_dma2 semaphore(%arg18 : memref<!tpu.dma_semaphore, #tpu.memory_space<semaphore_mem>>) src(%dma_wait3A_290 : memref<128xi32, #tpu.memory_space<hbm>>) dst(%arg7 : memref<128xi32, #tpu.memory_space<vmem>>)
      %dma_wait3A_291 = tpu.memref_slice %arg4[%add3A_288] : memref<327680xi32, #tpu.memory_space<hbm>> -> memref<128xi32, #tpu.memory_space<hbm>>
      %dma_wait3A_292 = tpu.memref_slice %arg4[%add3A_288] : memref<327680xi32, #tpu.memory_space<hbm>> -> memref<128xi32, #tpu.memory_space<hbm>>
      tpu.wait_dma2 semaphore(%arg18 : memref<!tpu.dma_semaphore, #tpu.memory_space<semaphore_mem>>) src(%dma_wait3A_292 : memref<128xi32, #tpu.memory_space<hbm>>) dst(%arg11 : memref<128xi32, #tpu.memory_space<vmem>>)
      %dma_start3A_293 = arith.constant 0 : i32
      %dma_start3A_294 = arith.constant 0 : i32
      %dma_start3A_295 = tpu.memref_slice %arg2[%dma_start3A_293, %dma_start3A_294] : memref<10240x128xf32, #tpu.memory_space<hbm>> -> memref<10240x128xf32, #tpu.memory_space<hbm>>
      tpu.enqueue_indirect_dma source(%dma_start3A_295 : memref<10240x128xf32, #tpu.memory_space<hbm>>) target(%arg15 : memref<128x128xf32, #tpu.memory_space<vmem>>) offsets(%arg7 : memref<128xi32, #tpu.memory_space<vmem>>) semaphore(%arg22 : memref<!tpu.dma_semaphore, #tpu.memory_space<semaphore_mem>>)
      %add3A_296 = arith.constant 2 : i32
      %add3A_297 = arith.addi %add3A_280, %add3A_296 : i32
      %mul3A_298 = arith.constant 10240 : i32
      %mul3A_299 = arith.muli %add3A, %mul3A_298 : i32
      %mul3A_300 = arith.constant 128 : i32
      %mul3A_301 = arith.muli %add3A_297, %mul3A_300 : i32
      %add3A_302 = arith.addi %mul3A_299, %mul3A_301 : i32
      %dma_start3A_303 = tpu.memref_slice %arg3[%add3A_302] : memref<327680xi32, #tpu.memory_space<hbm>> -> memref<128xi32, #tpu.memory_space<hbm>>
      %dma_start3A_304 = tpu.memref_slice %arg3[%add3A_302] : memref<327680xi32, #tpu.memory_space<hbm>> -> memref<128xi32, #tpu.memory_space<hbm>>
      tpu.enqueue_dma source(%dma_start3A_304 : memref<128xi32, #tpu.memory_space<hbm>>) target(%arg9 : memref<128xi32, #tpu.memory_space<vmem>>) target_semaphore(%arg20 : memref<!tpu.dma_semaphore, #tpu.memory_space<semaphore_mem>>)
      %dma_start3A_305 = tpu.memref_slice %arg4[%add3A_302] : memref<327680xi32, #tpu.memory_space<hbm>> -> memref<128xi32, #tpu.memory_space<hbm>>
      %dma_start3A_306 = tpu.memref_slice %arg4[%add3A_302] : memref<327680xi32, #tpu.memory_space<hbm>> -> memref<128xi32, #tpu.memory_space<hbm>>
      tpu.enqueue_dma source(%dma_start3A_306 : memref<128xi32, #tpu.memory_space<hbm>>) target(%arg13 : memref<128xi32, #tpu.memory_space<vmem>>) target_semaphore(%arg20 : memref<!tpu.dma_semaphore, #tpu.memory_space<semaphore_mem>>)
      %dma_wait3A_307 = arith.constant 0 : i32
      %dma_wait3A_308 = arith.constant 0 : i32
      %dma_wait3A_309 = tpu.memref_slice %arg2[%dma_wait3A_307, %dma_wait3A_308] : memref<10240x128xf32, #tpu.memory_space<hbm>> -> memref<10240x128xf32, #tpu.memory_space<hbm>>
      tpu.wait_indirect_dma semaphore(%arg21 : memref<!tpu.dma_semaphore, #tpu.memory_space<semaphore_mem>>) src(%dma_wait3A_309 : memref<10240x128xf32, #tpu.memory_space<hbm>>) dst(%arg14 : memref<128x128xf32, #tpu.memory_space<vmem>>)
      %dma_start3A_310 = arith.constant 0 : i32
      %dma_start3A_311 = arith.constant 0 : i32
      %dma_start3A_312 = tpu.memref_slice %arg16[%dma_start3A_310, %dma_start3A_311] : memref<10240x128xf32, #tpu.memory_space<vmem_shared>> -> memref<10240x128xf32, #tpu.memory_space<vmem_shared>>
      tpu.enqueue_indirect_dma source(%arg14 : memref<128x128xf32, #tpu.memory_space<vmem>>) target(%dma_start3A_312 : memref<10240x128xf32, #tpu.memory_space<vmem_shared>>) offsets(%arg10 : memref<128xi32, #tpu.memory_space<vmem>>) semaphore(%arg23 : memref<!tpu.dma_semaphore, #tpu.memory_space<semaphore_mem>>) {add = true}
    }
    %scan3A_81 = arith.constant 19 : i32
    %dma_wait3A_82 = arith.constant 0 : i32
    %dma_wait3A_83 = arith.constant 0 : i32
    %dma_wait3A_84 = tpu.memref_slice %arg16[%dma_wait3A_82, %dma_wait3A_83] : memref<10240x128xf32, #tpu.memory_space<vmem_shared>> -> memref<10240x128xf32, #tpu.memory_space<vmem_shared>>
    tpu.wait_indirect_dma semaphore(%arg23 : memref<!tpu.dma_semaphore, #tpu.memory_space<semaphore_mem>>) src(%arg14 : memref<128x128xf32, #tpu.memory_space<vmem>>) dst(%dma_wait3A_84 : memref<10240x128xf32, #tpu.memory_space<vmem_shared>>)
    %mul3A_85 = arith.constant 10240 : i32
    %mul3A_86 = arith.muli %add3A, %mul3A_85 : i32
    %add3A_87 = arith.constant 9984 : i32
    %add3A_88 = arith.addi %mul3A_86, %add3A_87 : i32
    %dma_wait3A_89 = tpu.memref_slice %arg3[%add3A_88] : memref<327680xi32, #tpu.memory_space<hbm>> -> memref<128xi32, #tpu.memory_space<hbm>>
    %dma_wait3A_90 = tpu.memref_slice %arg3[%add3A_88] : memref<327680xi32, #tpu.memory_space<hbm>> -> memref<128xi32, #tpu.memory_space<hbm>>
    tpu.wait_dma2 semaphore(%arg19 : memref<!tpu.dma_semaphore, #tpu.memory_space<semaphore_mem>>) src(%dma_wait3A_90 : memref<128xi32, #tpu.memory_space<hbm>>) dst(%arg8 : memref<128xi32, #tpu.memory_space<vmem>>)
    %dma_wait3A_91 = tpu.memref_slice %arg4[%add3A_88] : memref<327680xi32, #tpu.memory_space<hbm>> -> memref<128xi32, #tpu.memory_space<hbm>>
    %dma_wait3A_92 = tpu.memref_slice %arg4[%add3A_88] : memref<327680xi32, #tpu.memory_space<hbm>> -> memref<128xi32, #tpu.memory_space<hbm>>
    tpu.wait_dma2 semaphore(%arg19 : memref<!tpu.dma_semaphore, #tpu.memory_space<semaphore_mem>>) src(%dma_wait3A_92 : memref<128xi32, #tpu.memory_space<hbm>>) dst(%arg12 : memref<128xi32, #tpu.memory_space<vmem>>)
    %dma_start3A_93 = arith.constant 0 : i32
    %dma_start3A_94 = arith.constant 0 : i32
    %dma_start3A_95 = tpu.memref_slice %arg2[%dma_start3A_93, %dma_start3A_94] : memref<10240x128xf32, #tpu.memory_space<hbm>> -> memref<10240x128xf32, #tpu.memory_space<hbm>>
    tpu.enqueue_indirect_dma source(%dma_start3A_95 : memref<10240x128xf32, #tpu.memory_space<hbm>>) target(%arg14 : memref<128x128xf32, #tpu.memory_space<vmem>>) offsets(%arg8 : memref<128xi32, #tpu.memory_space<vmem>>) semaphore(%arg21 : memref<!tpu.dma_semaphore, #tpu.memory_space<semaphore_mem>>)
    %dma_wait3A_96 = arith.constant 0 : i32
    %dma_wait3A_97 = arith.constant 0 : i32
    %dma_wait3A_98 = tpu.memref_slice %arg2[%dma_wait3A_96, %dma_wait3A_97] : memref<10240x128xf32, #tpu.memory_space<hbm>> -> memref<10240x128xf32, #tpu.memory_space<hbm>>
    tpu.wait_indirect_dma semaphore(%arg22 : memref<!tpu.dma_semaphore, #tpu.memory_space<semaphore_mem>>) src(%dma_wait3A_98 : memref<10240x128xf32, #tpu.memory_space<hbm>>) dst(%arg15 : memref<128x128xf32, #tpu.memory_space<vmem>>)
    %dma_start3A_99 = arith.constant 0 : i32
    %dma_start3A_100 = arith.constant 0 : i32
    %dma_start3A_101 = tpu.memref_slice %arg16[%dma_start3A_99, %dma_start3A_100] : memref<10240x128xf32, #tpu.memory_space<vmem_shared>> -> memref<10240x128xf32, #tpu.memory_space<vmem_shared>>
    tpu.enqueue_indirect_dma source(%arg15 : memref<128x128xf32, #tpu.memory_space<vmem>>) target(%dma_start3A_101 : memref<10240x128xf32, #tpu.memory_space<vmem_shared>>) offsets(%arg11 : memref<128xi32, #tpu.memory_space<vmem>>) semaphore(%arg24 : memref<!tpu.dma_semaphore, #tpu.memory_space<semaphore_mem>>) {add = true}
    %dma_wait3A_102 = arith.constant 0 : i32
    %dma_wait3A_103 = arith.constant 0 : i32
    %dma_wait3A_104 = tpu.memref_slice %arg16[%dma_wait3A_102, %dma_wait3A_103] : memref<10240x128xf32, #tpu.memory_space<vmem_shared>> -> memref<10240x128xf32, #tpu.memory_space<vmem_shared>>
    tpu.wait_indirect_dma semaphore(%arg24 : memref<!tpu.dma_semaphore, #tpu.memory_space<semaphore_mem>>) src(%arg15 : memref<128x128xf32, #tpu.memory_space<vmem>>) dst(%dma_wait3A_104 : memref<10240x128xf32, #tpu.memory_space<vmem_shared>>)
    %mul3A_105 = arith.constant 10240 : i32
    %mul3A_106 = arith.muli %add3A, %mul3A_105 : i32
    %add3A_107 = arith.constant 10112 : i32
    %add3A_108 = arith.addi %mul3A_106, %add3A_107 : i32
    %dma_wait3A_109 = tpu.memref_slice %arg3[%add3A_108] : memref<327680xi32, #tpu.memory_space<hbm>> -> memref<128xi32, #tpu.memory_space<hbm>>
    %dma_wait3A_110 = tpu.memref_slice %arg3[%add3A_108] : memref<327680xi32, #tpu.memory_space<hbm>> -> memref<128xi32, #tpu.memory_space<hbm>>
    tpu.wait_dma2 semaphore(%arg20 : memref<!tpu.dma_semaphore, #tpu.memory_space<semaphore_mem>>) src(%dma_wait3A_110 : memref<128xi32, #tpu.memory_space<hbm>>) dst(%arg9 : memref<128xi32, #tpu.memory_space<vmem>>)
    %dma_wait3A_111 = tpu.memref_slice %arg4[%add3A_108] : memref<327680xi32, #tpu.memory_space<hbm>> -> memref<128xi32, #tpu.memory_space<hbm>>
    %dma_wait3A_112 = tpu.memref_slice %arg4[%add3A_108] : memref<327680xi32, #tpu.memory_space<hbm>> -> memref<128xi32, #tpu.memory_space<hbm>>
    tpu.wait_dma2 semaphore(%arg20 : memref<!tpu.dma_semaphore, #tpu.memory_space<semaphore_mem>>) src(%dma_wait3A_112 : memref<128xi32, #tpu.memory_space<hbm>>) dst(%arg13 : memref<128xi32, #tpu.memory_space<vmem>>)
    %dma_start3A_113 = arith.constant 0 : i32
    %dma_start3A_114 = arith.constant 0 : i32
    %dma_start3A_115 = tpu.memref_slice %arg2[%dma_start3A_113, %dma_start3A_114] : memref<10240x128xf32, #tpu.memory_space<hbm>> -> memref<10240x128xf32, #tpu.memory_space<hbm>>
    tpu.enqueue_indirect_dma source(%dma_start3A_115 : memref<10240x128xf32, #tpu.memory_space<hbm>>) target(%arg15 : memref<128x128xf32, #tpu.memory_space<vmem>>) offsets(%arg9 : memref<128xi32, #tpu.memory_space<vmem>>) semaphore(%arg22 : memref<!tpu.dma_semaphore, #tpu.memory_space<semaphore_mem>>)
    %dma_wait3A_116 = arith.constant 0 : i32
    %dma_wait3A_117 = arith.constant 0 : i32
    %dma_wait3A_118 = tpu.memref_slice %arg2[%dma_wait3A_116, %dma_wait3A_117] : memref<10240x128xf32, #tpu.memory_space<hbm>> -> memref<10240x128xf32, #tpu.memory_space<hbm>>
    tpu.wait_indirect_dma semaphore(%arg21 : memref<!tpu.dma_semaphore, #tpu.memory_space<semaphore_mem>>) src(%dma_wait3A_118 : memref<10240x128xf32, #tpu.memory_space<hbm>>) dst(%arg14 : memref<128x128xf32, #tpu.memory_space<vmem>>)
    %dma_start3A_119 = arith.constant 0 : i32
    %dma_start3A_120 = arith.constant 0 : i32
    %dma_start3A_121 = tpu.memref_slice %arg16[%dma_start3A_119, %dma_start3A_120] : memref<10240x128xf32, #tpu.memory_space<vmem_shared>> -> memref<10240x128xf32, #tpu.memory_space<vmem_shared>>
    tpu.enqueue_indirect_dma source(%arg14 : memref<128x128xf32, #tpu.memory_space<vmem>>) target(%dma_start3A_121 : memref<10240x128xf32, #tpu.memory_space<vmem_shared>>) offsets(%arg12 : memref<128xi32, #tpu.memory_space<vmem>>) semaphore(%arg23 : memref<!tpu.dma_semaphore, #tpu.memory_space<semaphore_mem>>) {add = true}
    %dma_wait3A_122 = arith.constant 0 : i32
    %dma_wait3A_123 = arith.constant 0 : i32
    %dma_wait3A_124 = tpu.memref_slice %arg2[%dma_wait3A_122, %dma_wait3A_123] : memref<10240x128xf32, #tpu.memory_space<hbm>> -> memref<10240x128xf32, #tpu.memory_space<hbm>>
    tpu.wait_indirect_dma semaphore(%arg22 : memref<!tpu.dma_semaphore, #tpu.memory_space<semaphore_mem>>) src(%dma_wait3A_124 : memref<10240x128xf32, #tpu.memory_space<hbm>>) dst(%arg15 : memref<128x128xf32, #tpu.memory_space<vmem>>)
    %dma_start3A_125 = arith.constant 0 : i32
    %dma_start3A_126 = arith.constant 0 : i32
    %dma_start3A_127 = tpu.memref_slice %arg16[%dma_start3A_125, %dma_start3A_126] : memref<10240x128xf32, #tpu.memory_space<vmem_shared>> -> memref<10240x128xf32, #tpu.memory_space<vmem_shared>>
    tpu.enqueue_indirect_dma source(%arg15 : memref<128x128xf32, #tpu.memory_space<vmem>>) target(%dma_start3A_127 : memref<10240x128xf32, #tpu.memory_space<vmem_shared>>) offsets(%arg13 : memref<128xi32, #tpu.memory_space<vmem>>) semaphore(%arg24 : memref<!tpu.dma_semaphore, #tpu.memory_space<semaphore_mem>>) {add = true}
    %dma_wait3A_128 = arith.constant 0 : i32
    %dma_wait3A_129 = arith.constant 0 : i32
    %dma_wait3A_130 = tpu.memref_slice %arg16[%dma_wait3A_128, %dma_wait3A_129] : memref<10240x128xf32, #tpu.memory_space<vmem_shared>> -> memref<10240x128xf32, #tpu.memory_space<vmem_shared>>
    tpu.wait_indirect_dma semaphore(%arg23 : memref<!tpu.dma_semaphore, #tpu.memory_space<semaphore_mem>>) src(%arg14 : memref<128x128xf32, #tpu.memory_space<vmem>>) dst(%dma_wait3A_130 : memref<10240x128xf32, #tpu.memory_space<vmem_shared>>)
    %dma_wait3A_131 = arith.constant 0 : i32
    %dma_wait3A_132 = arith.constant 0 : i32
    %dma_wait3A_133 = tpu.memref_slice %arg16[%dma_wait3A_131, %dma_wait3A_132] : memref<10240x128xf32, #tpu.memory_space<vmem_shared>> -> memref<10240x128xf32, #tpu.memory_space<vmem_shared>>
    tpu.wait_indirect_dma semaphore(%arg24 : memref<!tpu.dma_semaphore, #tpu.memory_space<semaphore_mem>>) src(%arg15 : memref<128x128xf32, #tpu.memory_space<vmem>>) dst(%dma_wait3A_133 : memref<10240x128xf32, #tpu.memory_space<vmem_shared>>)
    %barrier3A_134 = arith.constant 0 : index
    tpu.barrier barrier_id(%barrier3A_134)
    %add3A_135 = arith.constant 0 : i32
    %add3A_136 = arith.addi %mul3A_2, %add3A_135 : i32
    "tpu.region"() ({
      %run_scoped3A = tpu.sem_alloc : memref<!tpu.dma_semaphore, #tpu.memory_space<semaphore_mem>>
      %dma_start3A_160 = arith.constant 0 : i32
      %dma_start3A_161 = tpu.memref_slice %arg16[%add3A_136, %dma_start3A_160] : memref<10240x128xf32, #tpu.memory_space<vmem_shared>> -> memref<128x128xf32, #tpu.memory_space<vmem_shared>>
      %dma_start3A_162 = arith.constant 0 : i32
      %dma_start3A_163 = tpu.memref_slice %arg16[%add3A_136, %dma_start3A_162] : memref<10240x128xf32, #tpu.memory_space<vmem_shared>> -> memref<128x128xf32, #tpu.memory_space<vmem_shared>>
      tpu.enqueue_dma source(%dma_start3A_163 : memref<128x128xf32, #tpu.memory_space<vmem_shared>>) target(%arg14 : memref<128x128xf32, #tpu.memory_space<vmem>>) target_semaphore(%run_scoped3A : memref<!tpu.dma_semaphore, #tpu.memory_space<semaphore_mem>>)
      %dma_wait3A_164 = arith.constant 0 : i32
      %dma_wait3A_165 = tpu.memref_slice %arg16[%add3A_136, %dma_wait3A_164] : memref<10240x128xf32, #tpu.memory_space<vmem_shared>> -> memref<128x128xf32, #tpu.memory_space<vmem_shared>>
      %dma_wait3A_166 = arith.constant 0 : i32
      %dma_wait3A_167 = tpu.memref_slice %arg16[%add3A_136, %dma_wait3A_166] : memref<10240x128xf32, #tpu.memory_space<vmem_shared>> -> memref<128x128xf32, #tpu.memory_space<vmem_shared>>
      tpu.wait_dma2 semaphore(%run_scoped3A : memref<!tpu.dma_semaphore, #tpu.memory_space<semaphore_mem>>) src(%dma_wait3A_167 : memref<128x128xf32, #tpu.memory_space<vmem_shared>>) dst(%arg14 : memref<128x128xf32, #tpu.memory_space<vmem>>)
      tpu.yield
    }) : () -> ()
    %mul3A_137 = arith.constant 10240 : i32
    %mul3A_138 = arith.muli %arg0, %mul3A_137 : i32
    %add3A_139 = arith.addi %mul3A_138, %add3A_136 : i32
    "tpu.region"() ({
      %run_scoped3A = tpu.sem_alloc : memref<!tpu.dma_semaphore, #tpu.memory_space<semaphore_mem>>
      %dma_start3A_160 = arith.constant 0 : i32
      %dma_start3A_161 = tpu.memref_slice %arg5[%add3A_139, %dma_start3A_160] : memref<20480x128xf32, #tpu.memory_space<hbm>> -> memref<128x128xf32, #tpu.memory_space<hbm>>
      %dma_start3A_162 = arith.constant 0 : i32
      %dma_start3A_163 = tpu.memref_slice %arg5[%add3A_139, %dma_start3A_162] : memref<20480x128xf32, #tpu.memory_space<hbm>> -> memref<128x128xf32, #tpu.memory_space<hbm>>
      tpu.enqueue_dma source(%arg14 : memref<128x128xf32, #tpu.memory_space<vmem>>) target(%dma_start3A_163 : memref<128x128xf32, #tpu.memory_space<hbm>>) target_semaphore(%run_scoped3A : memref<!tpu.dma_semaphore, #tpu.memory_space<semaphore_mem>>)
      %dma_wait3A_164 = arith.constant 0 : i32
      %dma_wait3A_165 = tpu.memref_slice %arg5[%add3A_139, %dma_wait3A_164] : memref<20480x128xf32, #tpu.memory_space<hbm>> -> memref<128x128xf32, #tpu.memory_space<hbm>>
      %dma_wait3A_166 = arith.constant 0 : i32
      %dma_wait3A_167 = tpu.memref_slice %arg5[%add3A_139, %dma_wait3A_166] : memref<20480x128xf32, #tpu.memory_space<hbm>> -> memref<128x128xf32, #tpu.memory_space<hbm>>
      tpu.wait_dma2 semaphore(%run_scoped3A : memref<!tpu.dma_semaphore, #tpu.memory_space<semaphore_mem>>) src(%arg14 : memref<128x128xf32, #tpu.memory_space<vmem>>) dst(%dma_wait3A_167 : memref<128x128xf32, #tpu.memory_space<hbm>>)
      tpu.yield
    }) : () -> ()
    %add3A_140 = arith.constant 128 : i32
    %add3A_141 = arith.addi %mul3A_2, %add3A_140 : i32
    "tpu.region"() ({
      %run_scoped3A = tpu.sem_alloc : memref<!tpu.dma_semaphore, #tpu.memory_space<semaphore_mem>>
      %dma_start3A_160 = arith.constant 0 : i32
      %dma_start3A_161 = tpu.memref_slice %arg16[%add3A_141, %dma_start3A_160] : memref<10240x128xf32, #tpu.memory_space<vmem_shared>> -> memref<128x128xf32, #tpu.memory_space<vmem_shared>>
      %dma_start3A_162 = arith.constant 0 : i32
      %dma_start3A_163 = tpu.memref_slice %arg16[%add3A_141, %dma_start3A_162] : memref<10240x128xf32, #tpu.memory_space<vmem_shared>> -> memref<128x128xf32, #tpu.memory_space<vmem_shared>>
      tpu.enqueue_dma source(%dma_start3A_163 : memref<128x128xf32, #tpu.memory_space<vmem_shared>>) target(%arg14 : memref<128x128xf32, #tpu.memory_space<vmem>>) target_semaphore(%run_scoped3A : memref<!tpu.dma_semaphore, #tpu.memory_space<semaphore_mem>>)
      %dma_wait3A_164 = arith.constant 0 : i32
      %dma_wait3A_165 = tpu.memref_slice %arg16[%add3A_141, %dma_wait3A_164] : memref<10240x128xf32, #tpu.memory_space<vmem_shared>> -> memref<128x128xf32, #tpu.memory_space<vmem_shared>>
      %dma_wait3A_166 = arith.constant 0 : i32
      %dma_wait3A_167 = tpu.memref_slice %arg16[%add3A_141, %dma_wait3A_166] : memref<10240x128xf32, #tpu.memory_space<vmem_shared>> -> memref<128x128xf32, #tpu.memory_space<vmem_shared>>
      tpu.wait_dma2 semaphore(%run_scoped3A : memref<!tpu.dma_semaphore, #tpu.memory_space<semaphore_mem>>) src(%dma_wait3A_167 : memref<128x128xf32, #tpu.memory_space<vmem_shared>>) dst(%arg14 : memref<128x128xf32, #tpu.memory_space<vmem>>)
      tpu.yield
    }) : () -> ()
    %mul3A_142 = arith.constant 10240 : i32
    %mul3A_143 = arith.muli %arg0, %mul3A_142 : i32
    %add3A_144 = arith.addi %mul3A_143, %add3A_141 : i32
    "tpu.region"() ({
      %run_scoped3A = tpu.sem_alloc : memref<!tpu.dma_semaphore, #tpu.memory_space<semaphore_mem>>
      %dma_start3A_160 = arith.constant 0 : i32
      %dma_start3A_161 = tpu.memref_slice %arg5[%add3A_144, %dma_start3A_160] : memref<20480x128xf32, #tpu.memory_space<hbm>> -> memref<128x128xf32, #tpu.memory_space<hbm>>
      %dma_start3A_162 = arith.constant 0 : i32
      %dma_start3A_163 = tpu.memref_slice %arg5[%add3A_144, %dma_start3A_162] : memref<20480x128xf32, #tpu.memory_space<hbm>> -> memref<128x128xf32, #tpu.memory_space<hbm>>
      tpu.enqueue_dma source(%arg14 : memref<128x128xf32, #tpu.memory_space<vmem>>) target(%dma_start3A_163 : memref<128x128xf32, #tpu.memory_space<hbm>>) target_semaphore(%run_scoped3A : memref<!tpu.dma_semaphore, #tpu.memory_space<semaphore_mem>>)
      %dma_wait3A_164 = arith.constant 0 : i32
      %dma_wait3A_165 = tpu.memref_slice %arg5[%add3A_144, %dma_wait3A_164] : memref<20480x128xf32, #tpu.memory_space<hbm>> -> memref<128x128xf32, #tpu.memory_space<hbm>>
      %dma_wait3A_166 = arith.constant 0 : i32
      %dma_wait3A_167 = tpu.memref_slice %arg5[%add3A_144, %dma_wait3A_166] : memref<20480x128xf32, #tpu.memory_space<hbm>> -> memref<128x128xf32, #tpu.memory_space<hbm>>
      tpu.wait_dma2 semaphore(%run_scoped3A : memref<!tpu.dma_semaphore, #tpu.memory_space<semaphore_mem>>) src(%arg14 : memref<128x128xf32, #tpu.memory_space<vmem>>) dst(%dma_wait3A_167 : memref<128x128xf32, #tpu.memory_space<hbm>>)
      tpu.yield
    }) : () -> ()
    %add3A_145 = arith.constant 256 : i32
    %add3A_146 = arith.addi %mul3A_2, %add3A_145 : i32
    "tpu.region"() ({
      %run_scoped3A = tpu.sem_alloc : memref<!tpu.dma_semaphore, #tpu.memory_space<semaphore_mem>>
      %dma_start3A_160 = arith.constant 0 : i32
      %dma_start3A_161 = tpu.memref_slice %arg16[%add3A_146, %dma_start3A_160] : memref<10240x128xf32, #tpu.memory_space<vmem_shared>> -> memref<128x128xf32, #tpu.memory_space<vmem_shared>>
      %dma_start3A_162 = arith.constant 0 : i32
      %dma_start3A_163 = tpu.memref_slice %arg16[%add3A_146, %dma_start3A_162] : memref<10240x128xf32, #tpu.memory_space<vmem_shared>> -> memref<128x128xf32, #tpu.memory_space<vmem_shared>>
      tpu.enqueue_dma source(%dma_start3A_163 : memref<128x128xf32, #tpu.memory_space<vmem_shared>>) target(%arg14 : memref<128x128xf32, #tpu.memory_space<vmem>>) target_semaphore(%run_scoped3A : memref<!tpu.dma_semaphore, #tpu.memory_space<semaphore_mem>>)
      %dma_wait3A_164 = arith.constant 0 : i32
      %dma_wait3A_165 = tpu.memref_slice %arg16[%add3A_146, %dma_wait3A_164] : memref<10240x128xf32, #tpu.memory_space<vmem_shared>> -> memref<128x128xf32, #tpu.memory_space<vmem_shared>>
      %dma_wait3A_166 = arith.constant 0 : i32
      %dma_wait3A_167 = tpu.memref_slice %arg16[%add3A_146, %dma_wait3A_166] : memref<10240x128xf32, #tpu.memory_space<vmem_shared>> -> memref<128x128xf32, #tpu.memory_space<vmem_shared>>
      tpu.wait_dma2 semaphore(%run_scoped3A : memref<!tpu.dma_semaphore, #tpu.memory_space<semaphore_mem>>) src(%dma_wait3A_167 : memref<128x128xf32, #tpu.memory_space<vmem_shared>>) dst(%arg14 : memref<128x128xf32, #tpu.memory_space<vmem>>)
      tpu.yield
    }) : () -> ()
    %mul3A_147 = arith.constant 10240 : i32
    %mul3A_148 = arith.muli %arg0, %mul3A_147 : i32
    %add3A_149 = arith.addi %mul3A_148, %add3A_146 : i32
    "tpu.region"() ({
      %run_scoped3A = tpu.sem_alloc : memref<!tpu.dma_semaphore, #tpu.memory_space<semaphore_mem>>
      %dma_start3A_160 = arith.constant 0 : i32
      %dma_start3A_161 = tpu.memref_slice %arg5[%add3A_149, %dma_start3A_160] : memref<20480x128xf32, #tpu.memory_space<hbm>> -> memref<128x128xf32, #tpu.memory_space<hbm>>
      %dma_start3A_162 = arith.constant 0 : i32
      %dma_start3A_163 = tpu.memref_slice %arg5[%add3A_149, %dma_start3A_162] : memref<20480x128xf32, #tpu.memory_space<hbm>> -> memref<128x128xf32, #tpu.memory_space<hbm>>
      tpu.enqueue_dma source(%arg14 : memref<128x128xf32, #tpu.memory_space<vmem>>) target(%dma_start3A_163 : memref<128x128xf32, #tpu.memory_space<hbm>>) target_semaphore(%run_scoped3A : memref<!tpu.dma_semaphore, #tpu.memory_space<semaphore_mem>>)
      %dma_wait3A_164 = arith.constant 0 : i32
      %dma_wait3A_165 = tpu.memref_slice %arg5[%add3A_149, %dma_wait3A_164] : memref<20480x128xf32, #tpu.memory_space<hbm>> -> memref<128x128xf32, #tpu.memory_space<hbm>>
      %dma_wait3A_166 = arith.constant 0 : i32
      %dma_wait3A_167 = tpu.memref_slice %arg5[%add3A_149, %dma_wait3A_166] : memref<20480x128xf32, #tpu.memory_space<hbm>> -> memref<128x128xf32, #tpu.memory_space<hbm>>
      tpu.wait_dma2 semaphore(%run_scoped3A : memref<!tpu.dma_semaphore, #tpu.memory_space<semaphore_mem>>) src(%arg14 : memref<128x128xf32, #tpu.memory_space<vmem>>) dst(%dma_wait3A_167 : memref<128x128xf32, #tpu.memory_space<hbm>>)
      tpu.yield
    }) : () -> ()
    %add3A_150 = arith.constant 384 : i32
    %add3A_151 = arith.addi %mul3A_2, %add3A_150 : i32
    "tpu.region"() ({
      %run_scoped3A = tpu.sem_alloc : memref<!tpu.dma_semaphore, #tpu.memory_space<semaphore_mem>>
      %dma_start3A_160 = arith.constant 0 : i32
      %dma_start3A_161 = tpu.memref_slice %arg16[%add3A_151, %dma_start3A_160] : memref<10240x128xf32, #tpu.memory_space<vmem_shared>> -> memref<128x128xf32, #tpu.memory_space<vmem_shared>>
      %dma_start3A_162 = arith.constant 0 : i32
      %dma_start3A_163 = tpu.memref_slice %arg16[%add3A_151, %dma_start3A_162] : memref<10240x128xf32, #tpu.memory_space<vmem_shared>> -> memref<128x128xf32, #tpu.memory_space<vmem_shared>>
      tpu.enqueue_dma source(%dma_start3A_163 : memref<128x128xf32, #tpu.memory_space<vmem_shared>>) target(%arg14 : memref<128x128xf32, #tpu.memory_space<vmem>>) target_semaphore(%run_scoped3A : memref<!tpu.dma_semaphore, #tpu.memory_space<semaphore_mem>>)
      %dma_wait3A_164 = arith.constant 0 : i32
      %dma_wait3A_165 = tpu.memref_slice %arg16[%add3A_151, %dma_wait3A_164] : memref<10240x128xf32, #tpu.memory_space<vmem_shared>> -> memref<128x128xf32, #tpu.memory_space<vmem_shared>>
      %dma_wait3A_166 = arith.constant 0 : i32
      %dma_wait3A_167 = tpu.memref_slice %arg16[%add3A_151, %dma_wait3A_166] : memref<10240x128xf32, #tpu.memory_space<vmem_shared>> -> memref<128x128xf32, #tpu.memory_space<vmem_shared>>
      tpu.wait_dma2 semaphore(%run_scoped3A : memref<!tpu.dma_semaphore, #tpu.memory_space<semaphore_mem>>) src(%dma_wait3A_167 : memref<128x128xf32, #tpu.memory_space<vmem_shared>>) dst(%arg14 : memref<128x128xf32, #tpu.memory_space<vmem>>)
      tpu.yield
    }) : () -> ()
    %mul3A_152 = arith.constant 10240 : i32
    %mul3A_153 = arith.muli %arg0, %mul3A_152 : i32
    %add3A_154 = arith.addi %mul3A_153, %add3A_151 : i32
    "tpu.region"() ({
      %run_scoped3A = tpu.sem_alloc : memref<!tpu.dma_semaphore, #tpu.memory_space<semaphore_mem>>
      %dma_start3A_160 = arith.constant 0 : i32
      %dma_start3A_161 = tpu.memref_slice %arg5[%add3A_154, %dma_start3A_160] : memref<20480x128xf32, #tpu.memory_space<hbm>> -> memref<128x128xf32, #tpu.memory_space<hbm>>
      %dma_start3A_162 = arith.constant 0 : i32
      %dma_start3A_163 = tpu.memref_slice %arg5[%add3A_154, %dma_start3A_162] : memref<20480x128xf32, #tpu.memory_space<hbm>> -> memref<128x128xf32, #tpu.memory_space<hbm>>
      tpu.enqueue_dma source(%arg14 : memref<128x128xf32, #tpu.memory_space<vmem>>) target(%dma_start3A_163 : memref<128x128xf32, #tpu.memory_space<hbm>>) target_semaphore(%run_scoped3A : memref<!tpu.dma_semaphore, #tpu.memory_space<semaphore_mem>>)
      %dma_wait3A_164 = arith.constant 0 : i32
      %dma_wait3A_165 = tpu.memref_slice %arg5[%add3A_154, %dma_wait3A_164] : memref<20480x128xf32, #tpu.memory_space<hbm>> -> memref<128x128xf32, #tpu.memory_space<hbm>>
      %dma_wait3A_166 = arith.constant 0 : i32
      %dma_wait3A_167 = tpu.memref_slice %arg5[%add3A_154, %dma_wait3A_166] : memref<20480x128xf32, #tpu.memory_space<hbm>> -> memref<128x128xf32, #tpu.memory_space<hbm>>
      tpu.wait_dma2 semaphore(%run_scoped3A : memref<!tpu.dma_semaphore, #tpu.memory_space<semaphore_mem>>) src(%arg14 : memref<128x128xf32, #tpu.memory_space<vmem>>) dst(%dma_wait3A_167 : memref<128x128xf32, #tpu.memory_space<hbm>>)
      tpu.yield
    }) : () -> ()
    %add3A_155 = arith.constant 512 : i32
    %add3A_156 = arith.addi %mul3A_2, %add3A_155 : i32
    "tpu.region"() ({
      %run_scoped3A = tpu.sem_alloc : memref<!tpu.dma_semaphore, #tpu.memory_space<semaphore_mem>>
      %dma_start3A_160 = arith.constant 0 : i32
      %dma_start3A_161 = tpu.memref_slice %arg16[%add3A_156, %dma_start3A_160] : memref<10240x128xf32, #tpu.memory_space<vmem_shared>> -> memref<128x128xf32, #tpu.memory_space<vmem_shared>>
      %dma_start3A_162 = arith.constant 0 : i32
      %dma_start3A_163 = tpu.memref_slice %arg16[%add3A_156, %dma_start3A_162] : memref<10240x128xf32, #tpu.memory_space<vmem_shared>> -> memref<128x128xf32, #tpu.memory_space<vmem_shared>>
      tpu.enqueue_dma source(%dma_start3A_163 : memref<128x128xf32, #tpu.memory_space<vmem_shared>>) target(%arg14 : memref<128x128xf32, #tpu.memory_space<vmem>>) target_semaphore(%run_scoped3A : memref<!tpu.dma_semaphore, #tpu.memory_space<semaphore_mem>>)
      %dma_wait3A_164 = arith.constant 0 : i32
      %dma_wait3A_165 = tpu.memref_slice %arg16[%add3A_156, %dma_wait3A_164] : memref<10240x128xf32, #tpu.memory_space<vmem_shared>> -> memref<128x128xf32, #tpu.memory_space<vmem_shared>>
      %dma_wait3A_166 = arith.constant 0 : i32
      %dma_wait3A_167 = tpu.memref_slice %arg16[%add3A_156, %dma_wait3A_166] : memref<10240x128xf32, #tpu.memory_space<vmem_shared>> -> memref<128x128xf32, #tpu.memory_space<vmem_shared>>
      tpu.wait_dma2 semaphore(%run_scoped3A : memref<!tpu.dma_semaphore, #tpu.memory_space<semaphore_mem>>) src(%dma_wait3A_167 : memref<128x128xf32, #tpu.memory_space<vmem_shared>>) dst(%arg14 : memref<128x128xf32, #tpu.memory_space<vmem>>)
      tpu.yield
    }) : () -> ()
    %mul3A_157 = arith.constant 10240 : i32
    %mul3A_158 = arith.muli %arg0, %mul3A_157 : i32
    %add3A_159 = arith.addi %mul3A_158, %add3A_156 : i32
    "tpu.region"() ({
      %run_scoped3A = tpu.sem_alloc : memref<!tpu.dma_semaphore, #tpu.memory_space<semaphore_mem>>
      %dma_start3A_160 = arith.constant 0 : i32
      %dma_start3A_161 = tpu.memref_slice %arg5[%add3A_159, %dma_start3A_160] : memref<20480x128xf32, #tpu.memory_space<hbm>> -> memref<128x128xf32, #tpu.memory_space<hbm>>
      %dma_start3A_162 = arith.constant 0 : i32
      %dma_start3A_163 = tpu.memref_slice %arg5[%add3A_159, %dma_start3A_162] : memref<20480x128xf32, #tpu.memory_space<hbm>> -> memref<128x128xf32, #tpu.memory_space<hbm>>
      tpu.enqueue_dma source(%arg14 : memref<128x128xf32, #tpu.memory_space<vmem>>) target(%dma_start3A_163 : memref<128x128xf32, #tpu.memory_space<hbm>>) target_semaphore(%run_scoped3A : memref<!tpu.dma_semaphore, #tpu.memory_space<semaphore_mem>>)
      %dma_wait3A_164 = arith.constant 0 : i32
      %dma_wait3A_165 = tpu.memref_slice %arg5[%add3A_159, %dma_wait3A_164] : memref<20480x128xf32, #tpu.memory_space<hbm>> -> memref<128x128xf32, #tpu.memory_space<hbm>>
      %dma_wait3A_166 = arith.constant 0 : i32
      %dma_wait3A_167 = tpu.memref_slice %arg5[%add3A_159, %dma_wait3A_166] : memref<20480x128xf32, #tpu.memory_space<hbm>> -> memref<128x128xf32, #tpu.memory_space<hbm>>
      tpu.wait_dma2 semaphore(%run_scoped3A : memref<!tpu.dma_semaphore, #tpu.memory_space<semaphore_mem>>) src(%arg14 : memref<128x128xf32, #tpu.memory_space<vmem>>) dst(%dma_wait3A_167 : memref<128x128xf32, #tpu.memory_space<hbm>>)
      tpu.yield
    }) : () -> ()
    return
  }
}

module attributes {stable_mosaic.version = 14 : i64} {
  func.func @_pre_body(%arg0: i32, %arg1: memref<1280x128xf32, #tpu.memory_space<vmem>>, %arg2: memref<128x128xf32, #tpu.memory_space<vmem>>, %arg3: memref<128x128xf32, #tpu.memory_space<vmem>>, %arg4: memref<1x128xf32, #tpu.memory_space<vmem>>, %arg5: memref<1280x128xf32, #tpu.memory_space<vmem>>, %arg6: memref<1280x128xf32, #tpu.memory_space<vmem>>) attributes {dimension_semantics = [#tpu.dimension_semantics<arbitrary>], iteration_bounds = array<i64: 8>, scalar_prefetch = 0 : i64, scratch_operands = 0 : i64, tpu.core_type = #tpu.core_type<tc>, window_params = [{transform_indices = @transform_0, window_bounds = array<i64: 1280, 128>}, {pipeline_mode = #tpu.pipeline_mode<synchronous>, transform_indices = @transform_1, window_bounds = array<i64: 128, 128>}, {pipeline_mode = #tpu.pipeline_mode<synchronous>, transform_indices = @transform_2, window_bounds = array<i64: 128, 128>}, {pipeline_mode = #tpu.pipeline_mode<synchronous>, transform_indices = @transform_3, window_bounds = array<i64: 1, 128>}, {transform_indices = @transform_4, window_bounds = array<i64: 1280, 128>}, {transform_indices = @transform_5, window_bounds = array<i64: 1280, 128>}]} {
    %get3A = arith.constant 0 : index
    %get3A_0 = arith.constant 0 : index
    %get3A_1 = vector.load %arg1[%get3A, %get3A_0] : memref<1280x128xf32, #tpu.memory_space<vmem>>, vector<1280x128xf32>
    %get3A_2 = arith.constant 0 : index
    %get3A_3 = arith.constant 0 : index
    %get3A_4 = vector.load %arg2[%get3A_2, %get3A_3] : memref<128x128xf32, #tpu.memory_space<vmem>>, vector<128x128xf32>
    %dot_general3A = arith.constant dense<0.000000e+00> : vector<1280x128xf32>
    %dot_general3A_5 = tpu.matmul %get3A_1, %get3A_4, %dot_general3A {dimension_numbers = #tpu.dot_dimension_numbers<[1], [0], [0], [1], [0, 0, 1, 1], [], []>, transpose_lhs_hint = false} : vector<1280x128xf32>, vector<128x128xf32>, vector<1280x128xf32> -> vector<1280x128xf32>
    %swap3A = arith.constant 0 : index
    %swap3A_6 = arith.constant 0 : index
    %swap3A_7 = vector.load %arg5[%swap3A, %swap3A_6] : memref<1280x128xf32, #tpu.memory_space<vmem>>, vector<1280x128xf32>
    tpu.vector_store %arg5[%swap3A, %swap3A_6], %dot_general3A_5 {strides = array<i32>} : memref<1280x128xf32, #tpu.memory_space<vmem>>, vector<1280x128xf32>,
    %get3A_8 = arith.constant 0 : index
    %get3A_9 = arith.constant 0 : index
    %get3A_10 = vector.load %arg3[%get3A_8, %get3A_9] : memref<128x128xf32, #tpu.memory_space<vmem>>, vector<128x128xf32>
    %dot_general3A_11 = arith.constant dense<0.000000e+00> : vector<1280x128xf32>
    %dot_general3A_12 = tpu.matmul %get3A_1, %get3A_10, %dot_general3A_11 {dimension_numbers = #tpu.dot_dimension_numbers<[1], [0], [0], [1], [0, 0, 1, 1], [], []>, transpose_lhs_hint = false} : vector<1280x128xf32>, vector<128x128xf32>, vector<1280x128xf32> -> vector<1280x128xf32>
    %get3A_13 = arith.constant 0 : index
    %get3A_14 = arith.constant 0 : index
    %get3A_15 = vector.load %arg4[%get3A_13, %get3A_14] : memref<1x128xf32, #tpu.memory_space<vmem>>, vector<1x128xf32>
    %add3A = vector.broadcast %get3A_15 : vector<1x128xf32> to vector<1280x128xf32>
    %add3A_16 = arith.addf %dot_general3A_12, %add3A : vector<1280x128xf32>
    %swap3A_17 = arith.constant 0 : index
    %swap3A_18 = arith.constant 0 : index
    %swap3A_19 = vector.load %arg6[%swap3A_17, %swap3A_18] : memref<1280x128xf32, #tpu.memory_space<vmem>>, vector<1280x128xf32>
    tpu.vector_store %arg6[%swap3A_17, %swap3A_18], %add3A_16 {strides = array<i32>} : memref<1280x128xf32, #tpu.memory_space<vmem>>, vector<1280x128xf32>,
    return
  }
  func.func @transform_0(%arg0: i32) -> (i32, i32) {
    %c0_i32 = arith.constant 0 : i32
    %c0_i32_0 = arith.constant 0 : i32
    return %arg0, %c0_i32 : i32, i32
  }
  func.func @transform_1(%arg0: i32) -> (i32, i32) {
    %c0_i32 = arith.constant 0 : i32
    %c0_i32_0 = arith.constant 0 : i32
    %c0_i32_1 = arith.constant 0 : i32
    return %c0_i32, %c0_i32_0 : i32, i32
  }
  func.func @transform_2(%arg0: i32) -> (i32, i32) {
    %c0_i32 = arith.constant 0 : i32
    %c0_i32_0 = arith.constant 0 : i32
    %c0_i32_1 = arith.constant 0 : i32
    return %c0_i32, %c0_i32_0 : i32, i32
  }
  func.func @transform_3(%arg0: i32) -> (i32, i32) {
    %c0_i32 = arith.constant 0 : i32
    %c0_i32_0 = arith.constant 0 : i32
    %c0_i32_1 = arith.constant 0 : i32
    return %c0_i32, %c0_i32_0 : i32, i32
  }
  func.func @transform_4(%arg0: i32) -> (i32, i32) {
    %c0_i32 = arith.constant 0 : i32
    %c0_i32_0 = arith.constant 0 : i32
    return %arg0, %c0_i32 : i32, i32
  }
  func.func @transform_5(%arg0: i32) -> (i32, i32) {
    %c0_i32 = arith.constant 0 : i32
    %c0_i32_0 = arith.constant 0 : i32
    return %arg0, %c0_i32 : i32, i32
  }
}

module attributes {stable_mosaic.version = 14 : i64} {
  func.func @_mid_body(%arg0: i32, %arg1: memref<2x1280x128xf32, #tpu.memory_space<vmem>>, %arg2: memref<2x1280x1xf32, #tpu.memory_space<vmem>>, %arg3: memref<1280x128xf32, #tpu.memory_space<vmem>>, %arg4: memref<128x128xf32, #tpu.memory_space<vmem>>, %arg5: memref<128x128xf32, #tpu.memory_space<vmem>>, %arg6: memref<1x128xf32, #tpu.memory_space<vmem>>, %arg7: memref<1280x128xf32, #tpu.memory_space<vmem>>, %arg8: memref<1280x128xf32, #tpu.memory_space<vmem>>) attributes {dimension_semantics = [#tpu.dimension_semantics<arbitrary>], iteration_bounds = array<i64: 8>, scalar_prefetch = 0 : i64, scratch_operands = 0 : i64, tpu.core_type = #tpu.core_type<tc>, window_params = [{transform_indices = @transform_0, window_bounds = array<i64: 2, 1280, 128>}, {transform_indices = @transform_1, window_bounds = array<i64: 2, 1280, 1>}, {transform_indices = @transform_2, window_bounds = array<i64: 1280, 128>}, {pipeline_mode = #tpu.pipeline_mode<synchronous>, transform_indices = @transform_3, window_bounds = array<i64: 128, 128>}, {pipeline_mode = #tpu.pipeline_mode<synchronous>, transform_indices = @transform_4, window_bounds = array<i64: 128, 128>}, {pipeline_mode = #tpu.pipeline_mode<synchronous>, transform_indices = @transform_5, window_bounds = array<i64: 1, 128>}, {transform_indices = @transform_6, window_bounds = array<i64: 1280, 128>}, {transform_indices = @transform_7, window_bounds = array<i64: 1280, 128>}]} {
    %get3A = arith.constant 0 : index
    %get3A_0 = arith.constant 0 : index
    %get3A_1 = arith.constant 0 : index
    %get3A_2 = vector.load %arg1[%get3A, %get3A_0, %get3A_1] : memref<2x1280x128xf32, #tpu.memory_space<vmem>>, vector<1x1280x128xf32>
    %get3A_3 = vector.shape_cast %get3A_2 : vector<1x1280x128xf32> to vector<1280x128xf32>
    %get3A_4 = arith.constant 1 : index
    %get3A_5 = arith.constant 0 : index
    %get3A_6 = arith.constant 0 : index
    %get3A_7 = vector.load %arg1[%get3A_4, %get3A_5, %get3A_6] : memref<2x1280x128xf32, #tpu.memory_space<vmem>>, vector<1x1280x128xf32>
    %get3A_8 = vector.shape_cast %get3A_7 : vector<1x1280x128xf32> to vector<1280x128xf32>
    %add3A = arith.addf %get3A_3, %get3A_8 : vector<1280x128xf32>
    %get3A_9 = arith.constant 0 : index
    %get3A_10 = arith.constant 0 : index
    %get3A_11 = arith.constant 0 : index
    %get3A_12 = vector.load %arg2[%get3A_9, %get3A_10, %get3A_11] : memref<2x1280x1xf32, #tpu.memory_space<vmem>>, vector<2x1280x1xf32>
    %slice3A = vector.extract_strided_slice %get3A_12 {offsets = [0, 0, 0], sizes = [1, 1280, 1], strides = [1, 1, 1]} : vector<2x1280x1xf32> to vector<1x1280x1xf32>
    %squeeze3A = vector.shape_cast %slice3A : vector<1x1280x1xf32> to vector<1280x1xf32>
    %slice3A_13 = vector.extract_strided_slice %get3A_12 {offsets = [1, 0, 0], sizes = [1, 1280, 1], strides = [1, 1, 1]} : vector<2x1280x1xf32> to vector<1x1280x1xf32>
    %squeeze3A_14 = vector.shape_cast %slice3A_13 : vector<1x1280x1xf32> to vector<1280x1xf32>
    %add3A_15 = arith.addf %squeeze3A, %squeeze3A_14 : vector<1280x1xf32>
    %max3A = arith.constant 1.000000e+00 : f32
    %max3A_16 = vector.broadcast %max3A : f32 to vector<1280x1xf32>
    %max3A_17 = arith.maximumf %add3A_15, %max3A_16 : vector<1280x1xf32>
    %div3A = arith.constant 1.000000e+00 : f32
    %div3A_18 = vector.broadcast %div3A : f32 to vector<1280x1xf32>
    %div3A_19 = arith.divf %div3A_18, %max3A_17 : vector<1280x1xf32>
    %mul3A = vector.broadcast %div3A_19 : vector<1280x1xf32> to vector<1280x128xf32>
    %mul3A_20 = arith.mulf %add3A, %mul3A : vector<1280x128xf32>
    %get3A_21 = arith.constant 0 : index
    %get3A_22 = arith.constant 0 : index
    %get3A_23 = vector.load %arg3[%get3A_21, %get3A_22] : memref<1280x128xf32, #tpu.memory_space<vmem>>, vector<1280x128xf32>
    %add3A_24 = arith.addf %mul3A_20, %get3A_23 : vector<1280x128xf32>
    %max3A_25 = arith.constant 0.000000e+00 : f32
    %max3A_26 = vector.broadcast %max3A_25 : f32 to vector<1280x128xf32>
    %max3A_27 = arith.maximumf %add3A_24, %max3A_26 : vector<1280x128xf32>
    %get3A_28 = arith.constant 0 : index
    %get3A_29 = arith.constant 0 : index
    %get3A_30 = vector.load %arg4[%get3A_28, %get3A_29] : memref<128x128xf32, #tpu.memory_space<vmem>>, vector<128x128xf32>
    %dot_general3A = arith.constant dense<0.000000e+00> : vector<1280x128xf32>
    %dot_general3A_31 = tpu.matmul %max3A_27, %get3A_30, %dot_general3A {dimension_numbers = #tpu.dot_dimension_numbers<[1], [0], [0], [1], [0, 0, 1, 1], [], []>, transpose_lhs_hint = false} : vector<1280x128xf32>, vector<128x128xf32>, vector<1280x128xf32> -> vector<1280x128xf32>
    %swap3A = arith.constant 0 : index
    %swap3A_32 = arith.constant 0 : index
    %swap3A_33 = vector.load %arg7[%swap3A, %swap3A_32] : memref<1280x128xf32, #tpu.memory_space<vmem>>, vector<1280x128xf32>
    tpu.vector_store %arg7[%swap3A, %swap3A_32], %dot_general3A_31 {strides = array<i32>} : memref<1280x128xf32, #tpu.memory_space<vmem>>, vector<1280x128xf32>,
    %get3A_34 = arith.constant 0 : index
    %get3A_35 = arith.constant 0 : index
    %get3A_36 = vector.load %arg5[%get3A_34, %get3A_35] : memref<128x128xf32, #tpu.memory_space<vmem>>, vector<128x128xf32>
    %dot_general3A_37 = arith.constant dense<0.000000e+00> : vector<1280x128xf32>
    %dot_general3A_38 = tpu.matmul %max3A_27, %get3A_36, %dot_general3A_37 {dimension_numbers = #tpu.dot_dimension_numbers<[1], [0], [0], [1], [0, 0, 1, 1], [], []>, transpose_lhs_hint = false} : vector<1280x128xf32>, vector<128x128xf32>, vector<1280x128xf32> -> vector<1280x128xf32>
    %get3A_39 = arith.constant 0 : index
    %get3A_40 = arith.constant 0 : index
    %get3A_41 = vector.load %arg6[%get3A_39, %get3A_40] : memref<1x128xf32, #tpu.memory_space<vmem>>, vector<1x128xf32>
    %add3A_42 = vector.broadcast %get3A_41 : vector<1x128xf32> to vector<1280x128xf32>
    %add3A_43 = arith.addf %dot_general3A_38, %add3A_42 : vector<1280x128xf32>
    %swap3A_44 = arith.constant 0 : index
    %swap3A_45 = arith.constant 0 : index
    %swap3A_46 = vector.load %arg8[%swap3A_44, %swap3A_45] : memref<1280x128xf32, #tpu.memory_space<vmem>>, vector<1280x128xf32>
    tpu.vector_store %arg8[%swap3A_44, %swap3A_45], %add3A_43 {strides = array<i32>} : memref<1280x128xf32, #tpu.memory_space<vmem>>, vector<1280x128xf32>,
    return
  }
  func.func @transform_0(%arg0: i32) -> (i32, i32, i32) {
    %c0_i32 = arith.constant 0 : i32
    %c0_i32_0 = arith.constant 0 : i32
    %c0_i32_1 = arith.constant 0 : i32
    return %c0_i32, %arg0, %c0_i32_0 : i32, i32, i32
  }
  func.func @transform_1(%arg0: i32) -> (i32, i32, i32) {
    %c0_i32 = arith.constant 0 : i32
    %c0_i32_0 = arith.constant 0 : i32
    %c0_i32_1 = arith.constant 0 : i32
    return %c0_i32, %arg0, %c0_i32_0 : i32, i32, i32
  }
  func.func @transform_2(%arg0: i32) -> (i32, i32) {
    %c0_i32 = arith.constant 0 : i32
    %c0_i32_0 = arith.constant 0 : i32
    return %arg0, %c0_i32 : i32, i32
  }
  func.func @transform_3(%arg0: i32) -> (i32, i32) {
    %c0_i32 = arith.constant 0 : i32
    %c0_i32_0 = arith.constant 0 : i32
    %c0_i32_1 = arith.constant 0 : i32
    return %c0_i32, %c0_i32_0 : i32, i32
  }
  func.func @transform_4(%arg0: i32) -> (i32, i32) {
    %c0_i32 = arith.constant 0 : i32
    %c0_i32_0 = arith.constant 0 : i32
    %c0_i32_1 = arith.constant 0 : i32
    return %c0_i32, %c0_i32_0 : i32, i32
  }
  func.func @transform_5(%arg0: i32) -> (i32, i32) {
    %c0_i32 = arith.constant 0 : i32
    %c0_i32_0 = arith.constant 0 : i32
    %c0_i32_1 = arith.constant 0 : i32
    return %c0_i32, %c0_i32_0 : i32, i32
  }
  func.func @transform_6(%arg0: i32) -> (i32, i32) {
    %c0_i32 = arith.constant 0 : i32
    %c0_i32_0 = arith.constant 0 : i32
    return %arg0, %c0_i32 : i32, i32
  }
  func.func @transform_7(%arg0: i32) -> (i32, i32) {
    %c0_i32 = arith.constant 0 : i32
    %c0_i32_0 = arith.constant 0 : i32
    return %arg0, %c0_i32 : i32, i32
  }
}

module attributes {stable_mosaic.version = 14 : i64} {
  func.func @_post_body(%arg0: i32, %arg1: memref<2x1280x128xf32, #tpu.memory_space<vmem>>, %arg2: memref<2x1280x1xf32, #tpu.memory_space<vmem>>, %arg3: memref<1280x128xf32, #tpu.memory_space<vmem>>, %arg4: memref<1280x128xf32, #tpu.memory_space<vmem>>) attributes {dimension_semantics = [#tpu.dimension_semantics<arbitrary>], iteration_bounds = array<i64: 8>, scalar_prefetch = 0 : i64, scratch_operands = 0 : i64, tpu.core_type = #tpu.core_type<tc>, window_params = [{transform_indices = @transform_0, window_bounds = array<i64: 2, 1280, 128>}, {transform_indices = @transform_1, window_bounds = array<i64: 2, 1280, 1>}, {transform_indices = @transform_2, window_bounds = array<i64: 1280, 128>}, {transform_indices = @transform_3, window_bounds = array<i64: 1280, 128>}]} {
    %get3A = arith.constant 0 : index
    %get3A_0 = arith.constant 0 : index
    %get3A_1 = arith.constant 0 : index
    %get3A_2 = vector.load %arg1[%get3A, %get3A_0, %get3A_1] : memref<2x1280x128xf32, #tpu.memory_space<vmem>>, vector<1x1280x128xf32>
    %get3A_3 = vector.shape_cast %get3A_2 : vector<1x1280x128xf32> to vector<1280x128xf32>
    %get3A_4 = arith.constant 1 : index
    %get3A_5 = arith.constant 0 : index
    %get3A_6 = arith.constant 0 : index
    %get3A_7 = vector.load %arg1[%get3A_4, %get3A_5, %get3A_6] : memref<2x1280x128xf32, #tpu.memory_space<vmem>>, vector<1x1280x128xf32>
    %get3A_8 = vector.shape_cast %get3A_7 : vector<1x1280x128xf32> to vector<1280x128xf32>
    %add3A = arith.addf %get3A_3, %get3A_8 : vector<1280x128xf32>
    %get3A_9 = arith.constant 0 : index
    %get3A_10 = arith.constant 0 : index
    %get3A_11 = arith.constant 0 : index
    %get3A_12 = vector.load %arg2[%get3A_9, %get3A_10, %get3A_11] : memref<2x1280x1xf32, #tpu.memory_space<vmem>>, vector<2x1280x1xf32>
    %slice3A = vector.extract_strided_slice %get3A_12 {offsets = [0, 0, 0], sizes = [1, 1280, 1], strides = [1, 1, 1]} : vector<2x1280x1xf32> to vector<1x1280x1xf32>
    %squeeze3A = vector.shape_cast %slice3A : vector<1x1280x1xf32> to vector<1280x1xf32>
    %slice3A_13 = vector.extract_strided_slice %get3A_12 {offsets = [1, 0, 0], sizes = [1, 1280, 1], strides = [1, 1, 1]} : vector<2x1280x1xf32> to vector<1x1280x1xf32>
    %squeeze3A_14 = vector.shape_cast %slice3A_13 : vector<1x1280x1xf32> to vector<1280x1xf32>
    %add3A_15 = arith.addf %squeeze3A, %squeeze3A_14 : vector<1280x1xf32>
    %max3A = arith.constant 1.000000e+00 : f32
    %max3A_16 = vector.broadcast %max3A : f32 to vector<1280x1xf32>
    %max3A_17 = arith.maximumf %add3A_15, %max3A_16 : vector<1280x1xf32>
    %div3A = arith.constant 1.000000e+00 : f32
    %div3A_18 = vector.broadcast %div3A : f32 to vector<1280x1xf32>
    %div3A_19 = arith.divf %div3A_18, %max3A_17 : vector<1280x1xf32>
    %mul3A = vector.broadcast %div3A_19 : vector<1280x1xf32> to vector<1280x128xf32>
    %mul3A_20 = arith.mulf %add3A, %mul3A : vector<1280x128xf32>
    %get3A_21 = arith.constant 0 : index
    %get3A_22 = arith.constant 0 : index
    %get3A_23 = vector.load %arg3[%get3A_21, %get3A_22] : memref<1280x128xf32, #tpu.memory_space<vmem>>, vector<1280x128xf32>
    %add3A_24 = arith.addf %mul3A_20, %get3A_23 : vector<1280x128xf32>
    %swap3A = arith.constant 0 : index
    %swap3A_25 = arith.constant 0 : index
    %swap3A_26 = vector.load %arg4[%swap3A, %swap3A_25] : memref<1280x128xf32, #tpu.memory_space<vmem>>, vector<1280x128xf32>
    tpu.vector_store %arg4[%swap3A, %swap3A_25], %add3A_24 {strides = array<i32>} : memref<1280x128xf32, #tpu.memory_space<vmem>>, vector<1280x128xf32>,
    return
  }
  func.func @transform_0(%arg0: i32) -> (i32, i32, i32) {
    %c0_i32 = arith.constant 0 : i32
    %c0_i32_0 = arith.constant 0 : i32
    %c0_i32_1 = arith.constant 0 : i32
    return %c0_i32, %arg0, %c0_i32_0 : i32, i32, i32
  }
  func.func @transform_1(%arg0: i32) -> (i32, i32, i32) {
    %c0_i32 = arith.constant 0 : i32
    %c0_i32_0 = arith.constant 0 : i32
    %c0_i32_1 = arith.constant 0 : i32
    return %c0_i32, %arg0, %c0_i32_0 : i32, i32, i32
  }
  func.func @transform_2(%arg0: i32) -> (i32, i32) {
    %c0_i32 = arith.constant 0 : i32
    %c0_i32_0 = arith.constant 0 : i32
    return %arg0, %c0_i32 : i32, i32
  }
  func.func @transform_3(%arg0: i32) -> (i32, i32) {
    %c0_i32 = arith.constant 0 : i32
    %c0_i32_0 = arith.constant 0 : i32
    return %arg0, %c0_i32 : i32, i32
  }
}

</mosaic_0001>

<sc_bundles>
// kernel: kernel.10.cloned.1.call-start
scs
__scs_entry_jumppad:
0x0: {  	(pc) =	sbr.rel $0x88, $3  }
0x1: {  	(tag) =	ssettag $0x0;
	lr =	simm.s32 $0x1  }
0x2: {  	[smem:$0x3F99] =	sst lr;
	_ =	strace $0xD0000000  }
0x3: {  	_ = 	snop  }
0x4: {  	_ = 	snop  }
0x5: {  	_ = 	snop  }
0x6: {  	_ = 	snop  }
0x7: {  	_ = 	snop  }
__scs_overlays_trampoline_lowered:
0x8: {  	[smem:$0x3FA8] =	sst s0  }
0x9: {  	[smem:$0x3FA9] =	sst s1  }
0xa: {  	[smem:$0x3FAA] =	sst s2  }
0xb: {  	[smem:$0x3FAB] =	sst s3  }
0xc: {  	[smem:$0x3FAC] =	sst s4  }
0xd: {  	[smem:$0x3FAD] =	sst s5  }
0xe: {  	[smem:$0x3FAE] =	sst s6  }
0xf: {  	[smem:$0x3FAF] =	sst s7  }
0x10: {  	[smem:$0x3FB0] =	sst s8  }
0x11: {  	[smem:$0x3FB1] =	sst s9;
	s0 =	simm.s32 @!p0 $0x0  }
0x12: {  	s1 =	sld [smem:$0x3F97];
	s0 =	simm.s32 @p0 $0x1  }
0x13: {  	[smem:$0x3FB2] =	sst s0;
	s0 =	simm.s32 @!p1 $0x0  }
0x14: {  	s2 =	sld [smem:$0x3F96];
	s0 =	simm.s32 @p1 $0x1  }
0x15: {  	[smem:$0x3FB3] =	sst s0;
	s0 =	simm.s32 @!p2 $0x0  }
0x16: {  	s3 =	sld [smem:$0x3FDB];
	s0 =	simm.s32 @p2 $0x1  }
0x17: {  	s4 =	simm.s32 $0x1BF5;
	[smem:$0x3FB5] =	sst s0  }
0x18: {  	s0 =	sld [smem:$0x3F98];
	_ =	swait.ge [sflag:s4], $0x0  }
0x19: {  	s7 =	sld [smem:$0x3F99]  }
0x1a: {  	s8 =	sadd.s32 $0xFFFFE003, lr  }
0x1b: {  	s9 =	sadd.s32 $0xFFFFFEF7, lr;
	s5 =	simm.s32 $0xFFFFFFFF;
	p2 =	slt.u32 s8, $0xFFFFF086  }
0x1c: {  	p1 =	slt.u32 s9, $0xF7A;
	s5 =	simm.s32 @!p2 $0x0  }
0x1d: {  	s5 =	simm.s32 @p1 $0x1;
	p0 =	seq.s32 s7, s2  }
0x1e: {  	s7 =	smul.u32 @!p0 $0xF7A, s2;
	p2 =	seq.s32 @!p0 s5, $0x0  }
0x1f: {  	s9 =	smul.u32 $0xF7A, s1;
	s8 =	simm.s32 @!p0 $0x1BF5;
	p2 =	por !p2, p0  }
0x20: {  	[sflag:s8] =	ssyncset.s32 @!p0 $0xFFFFF086;
	s6 =	sadd.s32 @!p0 s3, s7;
	s7 =	simm.s32 @!p0 $0x108  }
0x21: {  	s3 =	sadd.s32 s3, s9;
	s6 =	sadd.s32 @!p0 $0x88, s6;
	s7 =	simm.s32 @p2 $0x1082  }
0x22: {  	[simem:s7], [sflag:s8] =	dma.local @!p0 [hbm:s6], $0xF7A  }
0x23: {  	s9 =	sor.u32 $0xD0000000, s2;
	s6 =	simm.s32 $0x108;
	_ =	swait.ge @!p0 [sflag:s8], $0x0  }
0x24: {  	s3 =	sadd.s32 $0x88, s3;
	s6 =	simm.s32 @!p1 $0x1082;
	[sflag:s4] =	ssyncset.s32 $0xFFFFF086  }
0x25: {  	[simem:s6], [sflag:s4] =	dma.local [hbm:s3], $0xF7A  }
0x26: {  	[smem:$0x3F99] =	sst s1;
	(tag) =	ssettag s2;
	_ =	strace s9  }
0x27: {  	s1 =	sld [smem:$0x3FA9]  }
0x28: {  	s2 =	sld [smem:$0x3FAA]  }
0x29: {  	s4 =	sld [smem:$0x3FAC]  }
0x2a: {  	p0 =	seq.s32 s5, $0x0;
	s5 =	sld [smem:$0x3FAD]  }
0x2b: {  	s6 =	sld [smem:$0x3FAE]  }
0x2c: {  	s7 =	sld [smem:$0x3FAF]  }
0x2d: {  	s3 =	simm.s32 $0x108;
	s8 =	sld [smem:$0x3FB0]  }
0x2e: {  	s3 =	simm.s32 @!p0 $0x1082;
	s9 =	sld [smem:$0x3FB1]  }
0x2f: {  	lr =	sadd.s32 s0, s3;
	s0 =	sld [smem:$0x3FA8]  }
0x30: {  	s3 =	sld [smem:$0x3FAB]  }
0x31: {  	[smem:$0x3FB4] =	sst s10  }
0x32: {  	s10 =	sld [smem:$0x3FB2];
	_ =	sdelay $0x3  }
0x33: {  	p0 =	seq.s32 s10, $0x1;
	s10 =	sld [smem:$0x3FB4];
	_ =	sdelay $0x3  }
0x34: {  	[smem:$0x3FB4] =	sst s10  }
0x35: {  	s10 =	sld [smem:$0x3FB3];
	_ =	sdelay $0x3  }
0x36: {  	p1 =	seq.s32 s10, $0x1;
	s10 =	sld [smem:$0x3FB4];
	_ =	sdelay $0x3  }
0x37: {  	[smem:$0x3FB4] =	sst s10  }
0x38: {  	s10 =	sld [smem:$0x3FB5]  }
0x39: {  	_ = 	snop;
	(pc) =	sbr.ind lr, $3  }
0x3a: {  	_ = 	snop  }
0x3b: {  	_ = 	snop  }
0x3c: {  	p2 =	seq.s32 s10, $0x1;
	s10 =	sld [smem:$0x3FB4]  }
0x3d: {  	_ =	shalt  }
0x3e: {  	_ =	shalt  }
0x3f: {  	_ =	shalt  }
0x40: {  	_ =	shalt  }
0x41: {  	_ =	shalt  }
0x42: {  	_ =	shalt  }
0x43: {  	_ =	shalt  }
0x44: {  	_ =	shalt  }
0x45: {  	_ =	shalt  }
0x46: {  	_ =	shalt  }
0x47: {  	_ =	shalt  }
0x48: {  	_ =	shalt  }
0x49: {  	_ =	shalt  }
0x4a: {  	_ =	shalt  }
0x4b: {  	_ =	shalt  }
0x4c: {  	_ =	shalt  }
0x4d: {  	_ =	shalt  }
0x4e: {  	_ =	shalt  }
0x4f: {  	_ =	shalt  }
0x50: {  	_ =	shalt  }
0x51: {  	_ =	shalt  }
0x52: {  	_ =	shalt  }
0x53: {  	_ =	shalt  }
0x54: {  	_ =	shalt  }
0x55: {  	_ =	shalt  }
0x56: {  	_ =	shalt  }
0x57: {  	_ =	shalt  }
0x58: {  	_ =	shalt  }
0x59: {  	_ =	shalt  }
0x5a: {  	_ =	shalt  }
0x5b: {  	_ =	shalt  }
0x5c: {  	_ =	shalt  }
0x5d: {  	_ =	shalt  }
0x5e: {  	_ =	shalt  }
0x5f: {  	_ =	shalt  }
0x60: {  	_ =	shalt  }
0x61: {  	_ =	shalt  }
0x62: {  	_ =	shalt  }
0x63: {  	_ =	shalt  }
0x64: {  	_ =	shalt  }
0x65: {  	_ =	shalt  }
0x66: {  	_ =	shalt  }
0x67: {  	_ =	shalt  }
0x68: {  	_ =	shalt  }
0x69: {  	_ =	shalt  }
0x6a: {  	_ =	shalt  }
0x6b: {  	_ =	shalt  }
0x6c: {  	_ =	shalt  }
0x6d: {  	_ =	shalt  }
0x6e: {  	_ =	shalt  }
0x6f: {  	_ =	shalt  }
0x70: {  	_ =	shalt  }
0x71: {  	_ =	shalt  }
0x72: {  	_ =	shalt  }
0x73: {  	_ =	shalt  }
0x74: {  	_ =	shalt  }
0x75: {  	_ =	shalt  }
0x76: {  	_ =	shalt  }
0x77: {  	_ =	shalt  }
0x78: {  	_ =	shalt  }
0x79: {  	_ =	shalt  }
0x7a: {  	_ =	shalt  }
0x7b: {  	_ =	shalt  }
0x7c: {  	_ =	shalt  }
0x7d: {  	_ =	shalt  }
0x7e: {  	_ =	shalt  }
0x7f: {  	_ =	shalt  }
0x80: {  	_ =	shalt  }
0x81: {  	_ =	shalt  }
0x82: {  	_ =	shalt  }
0x83: {  	_ =	shalt  }
0x84: {  	_ =	shalt  }
0x85: {  	_ =	shalt  }
0x86: {  	_ =	shalt  }
0x87: {  	_ =	shalt  }
.Lfunc_end0:
.L_simem_size_0:
called_computation.1_lowered:
.L_overlay_start_0:
0x88: {  	s2 =	sld [smem:$0x3FD9]  }
0x89: {  	s3 =	sld [smem:$0x3FFE];
	_ =	sdelay $0x1  }
0x8a: {  	s1 =	srdreg.scid  }
0x8b: {  	s0 =	sand.u32 $0x1, s1  }
0x8c: {  	s17 =	sshll.u32 s0, $0xA;
	s2 =	sadd.s32 s3, s2  }
0x8d: {  	s2 =	sadd.s32 s2, s17  }
0x8e: {  	[smem:$0x3FC0] =	sst s2  }
0x8f: {  	_ = 	snop  }
0x90: {  	s2 =	sld [smem:$0x3FD0];
	(tm) =	ssettm $0x1  }
0x91: {  	s18 =	sld [smem:$0x3FFB];
	_ =	sdelay $0x3  }
0x92: {  	_ =	strace s18  }
0x93: {  	s3 =	sld [smem:$0x3FFC];
	_ =	sdelay $0x3  }
0x94: {  	_ =	strace s3  }
0x95: {  	s3 =	sld [smem:$0x3FFD];
	_ =	sdelay $0x3  }
0x96: {  	_ =	strace s3  }
0x97: {  	_ =	strace $0x8FFFFFFF  }
0x98: {  	s19 =	sld [smem:$0x3FDB];
	_ =	sdelay $0x1  }
0x99: {  	s4 =	simm.s32 $_scs_section_size  }
0x9a: {  	s5 =	simm.s32 $_size__tile_overlayer_lowered;
	s6 =	simm.s32 $_tile_overlayer_lowered  }
0x9b: {  	s22 =	simm.s32 $0x1BFF;
	s21 =	sshll.u32 s6, $0x1;
	s3 =	sadd.s32 s4, s19  }
0x9c: {  	s7 =	simm.s32 $0x0;
	s20 =	sshll.u32 s5, $0x1;
	s5 =	sadd.s32 s21, s3  }
0x9d: {  	[timem:s7], [sflag:s22] =	dma.local [hbm:s5], s20  }
0x9e: {  	_ =	swait.ge [sflag:s22], s20  }
0x9f: {  	s4 =	ssub.s32 $0x0, s20;
	[sflag:s22] =	ssyncset.done $0x0  }
0xa0: {  	[sflag:s22] =	ssyncadd.s32 s4;
	_ =	sdelay $0x1  }
0xa1: {  	s23 =	simm.s32 $0x1B8B  }
0xa2: {  	_ =	swait.ge [sflag:s23], $0x1  }
0xa3: {  	[sflag:s23] =	ssyncset.done $0x0  }
0xa4: {  	s25 =	simm.s32 $0x1B8E;
	s24 =	sld [smem:$0x3FFE];
	[sflag:s23] =	ssyncadd.s32 $0xFFFFFFFF  }
0xa5: {  	s26 =	simm.s32 $execute0_lowered;
	[smem:$0x3FD2] =	sst s25  }
0xa6: {  	s5 =	sshll.u32 s26, $0x1;
	_ =	strace $0x80000049;
	[dreg:$0x1] =	wrdreg $0xFFFFFFFF  }
0xa7: {  	s28 =	simm.s32 $_size_execute0_lowered;
	s3 =	sadd.s32 s3, s5;
	[dreg:$0x0] =	wrdreg $0x0  }
0xa8: {  	s5 =	sshll.u32 s28, $0x1;
	[dreg:$0x2] =	wrdreg s3  }
0xa9: {  	[dreg:$0x3] =	wrdreg s5  }
0xaa: {  	[dreg:$0x4] =	wrdreg $0xC0  }
0xab: {  	_ =	task [dreg:s7], $0x5FFFF  }
0xac: {  	[dreg:$0x1] =	wrdreg $0xFFFFFFFF  }
0xad: {  	[dreg:$0x0] =	wrdreg $0x60  }
0xae: {  	[dreg:$0x2] =	wrdreg s24  }
0xaf: {  	[dreg:$0x3] =	wrdreg s2  }
0xb0: {  	[dreg:$0x4] =	wrdreg $0x84000  }
0xb1: {  	[dreg:$0x5] =	wrdreg $0x9  }
0xb2: {  	_ =	task.clear_ibuf [dreg:s7], $0x6FFFF;
	_ =	strace $0x90000049  }
0xb3: {  	s29 =	simm.s32 $0x9;
	_ =	strace $0x8000004B  }
0xb4: {  	_ =	swait.ge [sflag:s29], $0x1  }
0xb5: {  	[sflag:s29] =	ssyncadd.s32 $0xFFFFFFFF  }
0xb6: {  	_ =	strace $0x9000004B  }
0xb7: {  	_ =	sfence  }
0xb8: {  	s30 =	sld [smem:$0x0];
	_ =	sdelay $0x2  }
0xb9: {  	s31 =	sshll.u32 s1, $0xD;
	s1 =	sshrl.u32 s1, $0x2  }
0xba: {  	s3 =	sand.u32 $0x4000, s31;
	s1 =	sadd.s32 s1, s30  }
0xbb: {  	s0 =	sor.u32 s3, s0;
	s1 =	sshll.u32 s1, $0x11  }
0xbc: {  	s0 =	sor.u32 s1, s0  }
0xbd: {  	s0 =	sadd.s32 $0x8F2B, s0  }
0xbe: {  	[sflag:s0] =	ssyncadd.remote.s32 $0x1  }
0xbf: {  	_ =	sfence.sel $0xFFFF  }
0xc0: {  	[dreg:$0x0] =	wrdreg $0xFFFFFFFF;
	(pc) =	sbr.abs _section_cstart, $3  }
0xc1: {  	[dreg:$0x1] =	wrdreg $0xFFFFFFFF  }
0xc2: {  	_ =	task.clear_ibuf [dreg:s7], $0x2FFFF;
	_ =	strace $0x9FFFFFFF  }
0xc3: {  	(tm) =	ssettm $0x7FFFFFFF  }
tec
execute0_lowered:
.L_overlay_start_1:
0x0: {  	(tag) =	ssettag $0x1  }
0x1: {  	s0 =	rddreg [dreg:$0x0]  }
0x2: {  	s3 =	rddreg [dreg:$0x1]  }
0x3: {  	s1 =	rddreg [dreg:$0x2];
	s2 =	simm.s32 $0x0;
	s4 =	srdreg.scid  }
0x4: {  	s18 =	stileid.u32;
	s28 =	simm.s32 $0x9;
	s29 =	simm.s32 $0x200  }
0x5: {  	s30 =	simm.s32 $0x80;
	s31 =	simm.s32 $0x280;
	[smem:$0x7FF] =	sst s2  }
0x6: {  	s5 =	sadd.s32 $0x1E00, s0;
	s6 =	sand.u32 $0x1, s4;
	s8 =	smul.u32 $0x280, s18  }
0x7: {  	s7 =	sshll.u32 s18, $0x1;
	s10 =	smul.u32 $0x50000, s18;
	s11 =	sadd.s32 $0x33E00, s0  }
0x8: {  	s18 =	smul.u32 $0x5000, s18;
	_ =	strace $0x8000004A;
	s4 =	ssub.s32 $0x2, s6  }
0x9: {  	s7 =	sor.u32 s6, s7;
	s6 =	smul.u32 $0x2800, s6;
	s9 =	sshrl.u32 s4, $0x1  }
0xa: {  	s7 =	smul.u32 $0x2800, s7;
	s12 =	sadd.s32 $0x100, s8;
	s13 =	sadd.s32 $0x180, s8  }
0xb: {  	s14 =	sadd.s32 $0x200, s8;
	s4 =	ssub.s32 s4, s9;
	s9 =	sadd.s32 $0x80, s8  }
0xc: {  	s8 =	sadd.s32 s8, s6;
	s17 =	sadd.s32 s6, s12;
	s7 =	sshrl.u32 s7, $0x3  }
0xd: {  	s22 =	sadd.s32 s6, s13;
	s8 =	sshll.u32 s8, $0x4;
	s15 =	sadd.s32 s3, s7  }
0xe: {  	s16 =	sadd.s32 s6, s9;
	s19 =	sadd.s32 s5, s7;
	[dreg:$0xa] =	wrdreg s15  }
0xf: {  	s16 =	sshll.u32 s16, $0x4;
	s8 =	sadd.s32 s11, s8;
	[dreg:$0xb] =	wrdreg s19  }
0x10: {  	s21 =	sshll.u32 s17, $0x4;
	[dreg:$0xc] =	wrdreg s8;
	s20 =	sadd.s32 s11, s16  }
0x11: {  	s15 =	sor.u32 $0x10, s7;
	s8 =	sadd.s32 s11, s21;
	[dreg:$0xd] =	wrdreg s20  }
0x12: {  	s16 =	sadd.s32 s6, s18;
	s6 =	sadd.s32 s6, s14;
	[dreg:$0xe] =	wrdreg s8  }
0x13: {  	s8 =	sshll.u32 s22, $0x4;
	s23 =	sor.u32 $0x380, s16;
	s6 =	sshll.u32 s6, $0x4  }
0x14: {  	s26 =	sor.u32 $0x300, s16;
	s20 =	sor.u32 $0x280, s16;
	s8 =	sadd.s32 s11, s8  }
0x15: {  	s24 =	sshrl.u32 s23, $0x3;
	s6 =	sadd.s32 s11, s6;
	s18 =	sshrl.u32 s26, $0x3  }
0x16: {  	s22 =	sshrl.u32 s20, $0x3;
	s23 =	sadd.s32 s3, s15;
	[dreg:$0xf] =	wrdreg s8  }
0x17: {  	s26 =	sadd.s32 s5, s15;
	s15 =	sor.u32 $0x30, s7;
	[dreg:$0x10] =	wrdreg s6  }
0x18: {  	s20 =	sshrl.u32 s10, $0x2;
	s10 =	simm.s32 $0x7;
	[dreg:$0x11] =	wrdreg s23  }
0x19: {  	s25 =	sadd.s32 s24, s5;
	s17 =	sadd.s32 s24, s3;
	[dreg:$0x12] =	wrdreg s26  }
0x1a: {  	s19 =	sadd.s32 s18, s5;
	s21 =	sadd.s32 s18, s3;
	[dreg:$0x4] =	wrdreg s25  }
0x1b: {  	s24 =	sadd.s32 s22, s5;
	s8 =	sadd.s32 s22, s3;
	[dreg:$0x5] =	wrdreg s17  }
0x1c: {  	s18 =	sadd.s32 s3, s15;
	s20 =	sadd.s32 s20, s1;
	[dreg:$0x6] =	wrdreg s19  }
0x1d: {  	s22 =	sshll.u32 s12, $0x7;
	s23 =	sshll.u32 s13, $0x7;
	[dreg:$0x7] =	wrdreg s21  }
0x1e: {  	s26 =	smax.u32 s4, $0x1;
	s4 =	simm.s32 $0x180;
	[dreg:$0x8] =	wrdreg s24  }
0x1f: {  	s12 =	simm.s32 $0x6;
	s13 =	simm.s32 $0x8;
	[dreg:$0x9] =	wrdreg s8  }
0x20: {  	s25 =	sor.u32 $0x20, s7;
	s17 =	sor.u32 $0x200, s16;
	[dreg:$0x15] =	wrdreg s18  }
0x21: {  	s21 =	sshll.u32 s9, $0x7;
	s24 =	sadd.s32 s23, s1;
	[dreg:$0x19] =	wrdreg s26  }
0x22: {  	s26 =	simm.s32 $0x400;
	s7 =	simm.s32 $0x2;
	s8 =	simm.s32 $0x4400  }
0x23: {  	s9 =	simm.s32 $0x5;
	s11 =	sadd.s32 s3, s25;
	s6 =	sadd.s32 s5, s25  }
0x24: {  	s19 =	sshrl.u32 s17, $0x3;
	s21 =	sadd.s32 s21, s1;
	[dreg:$0x18] =	wrdreg s24  }
0x25: {  	s25 =	sshll.u32 s14, $0x7;
	s14 =	simm.s32 $0x4;
	[dreg:$0x13] =	wrdreg s11  }
0x26: {  	[dreg:$0x14] =	wrdreg s6;
	s6 =	sadd.s32 s5, s15;
	s17 =	sadd.s32 s19, s5  }
0x27: {  	s18 =	sadd.s32 s19, s3;
	s19 =	sadd.s32 $0xBE00, s0;
	s0 =	sadd.s32 s22, s1  }
0x28: {  	s24 =	sadd.s32 s25, s1;
	s3 =	simm.s32 $0x300;
	s5 =	simm.s32 $0x380  }
0x29: {  	s11 =	simm.s32 $0x3;
	s15 =	simm.s32 $0x0;
	[dreg:$0x16] =	wrdreg s6  }
0x2a: {  	v0 =	vimm.f32 $0.0e+00;
	[dreg:$0x17] =	wrdreg s0;
	s0 =	simm.s32 $0x100;
	s6 =	simm.s32 $0x1  }
.LBB2_1:
0x2b: {  	s16 =	simm.s32 $0x0;
	s25 =	simm.s32 $0x200  }
.LBB2_2:
0x2c: {  	p0 =	sne.s32 s25, $0xFE00;
	[tilespmem:s16+$0x470] =	vst v0  }
0x2d: {  	[tilespmem:s16+$0x400] =	vst v0  }
0x2e: {  	[tilespmem:s16+$0x410] =	vst v0  }
.Ltmp0:
0x2f: {  	[tilespmem:s16+$0x420] =	vst v0;
	(pc) =	sbr.rel @p0 .LBB2_2-.Ltmp0, $4  }
0x30: {  	[tilespmem:s16+$0x430] =	vst v0  }
0x31: {  	[tilespmem:s16+$0x440] =	vst v0  }
0x32: {  	[tilespmem:s16+$0x450] =	vst v0  }
0x33: {  	[tilespmem:s16+$0x460] =	vst v0;
	s16 =	sshra.s32 s25, $0x2;
	s25 =	sadd.s32 $0x200, s25  }
0x34: {  	[tilespmem:s16+$0x470] =	vst v0  }
0x35: {  	[tilespmem:s16+$0x400] =	vst v0  }
0x36: {  	[tilespmem:s16+$0x410] =	vst v0  }
0x37: {  	[tilespmem:s16+$0x420] =	vst v0  }
0x38: {  	[tilespmem:s16+$0x430] =	vst v0  }
0x39: {  	[tilespmem:s16+$0x440] =	vst v0  }
0x3a: {  	[tilespmem:s16+$0x450] =	vst v0  }
0x3b: {  	[tilespmem:s16+$0x460] =	vst v0  }
0x3c: {  	[spmem:s20] =	stream.linear.scatter [tilespmem:s26], [sflag:$0x9], $0x4000, $0x38;
	[tilespmem:$0x1C400] =	vst v63  }
0x3d: {  	_ =	swait.ge [sflag:s28], $0x4000  }
0x3e: {  	[sflag:s28] =	ssyncset.done $0x0  }
0x3f: {  	[sflag:s28] =	ssyncadd.s32 $0xFFFFC000  }
0x40: {  	[spmem:s21] =	stream.linear.scatter [tilespmem:s26], [sflag:$0x9], $0x4000, $0x38;
	[tilespmem:$0x1C400] =	vst v63  }
0x41: {  	_ =	swait.ge [sflag:s28], $0x4000  }
0x42: {  	[sflag:s28] =	ssyncset.done $0x0  }
0x43: {  	s22 =	smov.u32 s20;
	s20 =	rddreg [dreg:$0x17];
	[sflag:s28] =	ssyncadd.s32 $0xFFFFC000  }
0x44: {  	[spmem:s20] =	stream.linear.scatter [tilespmem:s26], [sflag:$0x9], $0x4000, $0x38;
	[tilespmem:$0x1C400] =	vst v63  }
0x45: {  	_ =	swait.ge [sflag:s28], $0x4000  }
0x46: {  	[sflag:s28] =	ssyncset.done $0x0  }
0x47: {  	s23 =	smov.u32 s21;
	s21 =	rddreg [dreg:$0x18];
	[sflag:s28] =	ssyncadd.s32 $0xFFFFC000  }
0x48: {  	[spmem:s21] =	stream.linear.scatter [tilespmem:s26], [sflag:$0x9], $0x4000, $0x38;
	[tilespmem:$0x1C400] =	vst v63  }
0x49: {  	_ =	swait.ge [sflag:s28], $0x4000  }
0x4a: {  	[sflag:s28] =	ssyncset.done $0x0  }
0x4b: {  	[sflag:s28] =	ssyncadd.s32 $0xFFFFC000  }
0x4c: {  	[spmem:s24] =	stream.linear.scatter [tilespmem:s26], [sflag:$0x9], $0x4000, $0x38;
	[tilespmem:$0x1C400] =	vst v63  }
0x4d: {  	_ =	swait.ge [sflag:s28], $0x4000  }
0x4e: {  	[sflag:s28] =	ssyncset.done $0x0  }
0x4f: {  	[sflag:s28] =	ssyncadd.s32 $0xFFFFC000  }
0x50: {  	[bflag:$0x0] =	sbarrier.arrive $0xFFFF  }
0x51: {  	s16 =	simm.s32 $0x0;
	s25 =	rddreg [dreg:$0xa]  }
0x52: {  	[tilespmem:s16], [sflag:$0x1] =	stream.linear.gather [hbm4b:s25+s16], $0x80, $0x38;
	[tilespmem:$0x1C400] =	vst v63  }
0x53: {  	s21 =	rddreg [dreg:$0xb]  }
0x54: {  	[tilespmem:s29], [sflag:$0x1] =	stream.linear.gather [hbm4b:s21+s16], $0x80, $0x38;
	[tilespmem:$0x1C400] =	vst v63  }
0x55: {  	s25 =	rddreg [dreg:$0x11]  }
0x56: {  	[tilespmem:s30], [sflag:$0x2] =	stream.linear.gather [hbm4b:s25+s16], $0x80, $0x38;
	[tilespmem:$0x1C400] =	vst v63  }
0x57: {  	s21 =	rddreg [dreg:$0x12]  }
0x58: {  	[tilespmem:s31], [sflag:$0x2] =	stream.linear.gather [hbm4b:s21+s16], $0x80, $0x38;
	[tilespmem:$0x1C400] =	vst v63  }
0x59: {  	s25 =	rddreg [dreg:$0x13]  }
0x5a: {  	[tilespmem:s0], [sflag:$0x3] =	stream.linear.gather [hbm4b:s25+s16], $0x80, $0x38;
	[tilespmem:$0x1C400] =	vst v63  }
0x5b: {  	s21 =	rddreg [dreg:$0x14]  }
0x5c: {  	[tilespmem:s3], [sflag:$0x3] =	stream.linear.gather [hbm4b:s21+s16], $0x80, $0x38;
	[tilespmem:$0x1C400] =	vst v63  }
0x5d: {  	s25 =	rddreg [dreg:$0x15]  }
0x5e: {  	[tilespmem:s4], [sflag:$0x4] =	stream.linear.gather [hbm4b:s25+s16], $0x80, $0x38;
	[tilespmem:$0x1C400] =	vst v63  }
0x5f: {  	s21 =	rddreg [dreg:$0x16]  }
0x60: {  	[tilespmem:s5], [sflag:$0x4] =	stream.linear.gather [hbm4b:s21+s16], $0x80, $0x38;
	[tilespmem:$0x1C400] =	vst v63  }
0x61: {  	_ =	swait.ge [sflag:s6], $0x80  }
0x62: {  	[sflag:s6] =	ssyncset.done $0x0  }
0x63: {  	[sflag:s6] =	ssyncadd.s32 $0xFFFFFF80  }
0x64: {  	_ =	swait.ge [sflag:s6], $0x80  }
0x65: {  	[sflag:s6] =	ssyncset.done $0x0  }
0x66: {  	[sflag:s6] =	ssyncadd.s32 $0xFFFFFF80  }
0x67: {  	[tilespmem:s26], [sflag:$0x5] =	stream.indirect.gather [hbm4b:s19+s30], $0x80, s16, s30, $0xb8;
	[tilespmem:$0x1C400] =	vst v63  }
0x68: {  	_ =	swait.ge [sflag:s7], $0x80  }
0x69: {  	[sflag:s7] =	ssyncset.done $0x0  }
0x6a: {  	[sflag:s7] =	ssyncadd.s32 $0xFFFFFF80  }
0x6b: {  	_ =	swait.ge [sflag:s7], $0x80  }
0x6c: {  	[sflag:s7] =	ssyncset.done $0x0  }
0x6d: {  	[sflag:s7] =	ssyncadd.s32 $0xFFFFFF80  }
0x6e: {  	[tilespmem:s8], [sflag:$0x6] =	stream.indirect.gather [hbm4b:s19+s30], $0x80, s30, s30, $0xb8;
	[tilespmem:$0x1C400] =	vst v63  }
0x6f: {  	_ =	swait.ge [sflag:s9], $0x4000  }
0x70: {  	[sflag:s9] =	ssyncset.done $0x0  }
0x71: {  	[sflag:s9] =	ssyncadd.s32 $0xFFFFC000  }
0x72: {  	[spmem:s1] =	stream.indirect.scatter.add.f32 [tilespmem:s26], [sflag:$0x7], $0x80, s29, s30, $0xb8;
	[tilespmem:$0x1C400] =	vst v63  }
0x73: {  	_ =	swait.ge [sflag:s10], $0x4000  }
0x74: {  	[sflag:s10] =	ssyncset.done $0x0  }
0x75: {  	[sflag:s10] =	ssyncadd.s32 $0xFFFFC000  }
0x76: {  	_ =	swait.ge [sflag:s11], $0x80  }
0x77: {  	[sflag:s11] =	ssyncset.done $0x0  }
0x78: {  	[sflag:s11] =	ssyncadd.s32 $0xFFFFFF80  }
0x79: {  	_ =	swait.ge [sflag:s11], $0x80  }
0x7a: {  	[sflag:s11] =	ssyncset.done $0x0  }
0x7b: {  	[sflag:s11] =	ssyncadd.s32 $0xFFFFFF80  }
0x7c: {  	[tilespmem:s26], [sflag:$0x5] =	stream.indirect.gather [hbm4b:s19+s30], $0x80, s0, s30, $0xb8;
	[tilespmem:$0x1C400] =	vst v63  }
0x7d: {  	s25 =	sadd.s32 $0x0, s18  }
0x7e: {  	[tilespmem:s2], [sflag:$0x1] =	stream.linear.gather [hbm4b:s25+s2], $0x80, $0x38;
	[tilespmem:$0x1C400] =	vst v63  }
0x7f: {  	s20 =	sadd.s32 $0x0, s17  }
0x80: {  	[tilespmem:s29], [sflag:$0x1] =	stream.linear.gather [hbm4b:s20+s2], $0x80, $0x38;
	[tilespmem:$0x1C400] =	vst v63  }
0x81: {  	_ =	swait.ge [sflag:s12], $0x4000  }
0x82: {  	[sflag:s12] =	ssyncset.done $0x0  }
0x83: {  	[sflag:s12] =	ssyncadd.s32 $0xFFFFC000  }
0x84: {  	[spmem:s1] =	stream.indirect.scatter.add.f32 [tilespmem:s8], [sflag:$0x8], $0x80, s31, s30, $0xb8;
	[tilespmem:$0x1C400] =	vst v63  }
0x85: {  	_ =	swait.ge [sflag:s13], $0x4000  }
0x86: {  	[sflag:s13] =	ssyncset.done $0x0  }
0x87: {  	[sflag:s13] =	ssyncadd.s32 $0xFFFFC000  }
0x88: {  	_ =	swait.ge [sflag:s14], $0x80  }
0x89: {  	[sflag:s14] =	ssyncset.done $0x0  }
0x8a: {  	[sflag:s14] =	ssyncadd.s32 $0xFFFFFF80  }
0x8b: {  	_ =	swait.ge [sflag:s14], $0x80  }
0x8c: {  	[sflag:s14] =	ssyncset.done $0x0  }
0x8d: {  	s21 =	rddreg [dreg:$0x9];
	[sflag:s14] =	ssyncadd.s32 $0xFFFFFF80  }
0x8e: {  	[tilespmem:s8], [sflag:$0x6] =	stream.indirect.gather [hbm4b:s19+s30], $0x80, s4, s30, $0xb8;
	[tilespmem:$0x1C400] =	vst v63  }
0x8f: {  	s25 =	rddreg [dreg:$0x8];
	s16 =	sadd.s32 $0x0, s21  }
0x90: {  	[tilespmem:s30], [sflag:$0x2] =	stream.linear.gather [hbm4b:s16+s2], $0x80, $0x38;
	[tilespmem:$0x1C400] =	vst v63  }
0x91: {  	s25 =	sadd.s32 $0x0, s25  }
0x92: {  	[tilespmem:s31], [sflag:$0x2] =	stream.linear.gather [hbm4b:s25+s2], $0x80, $0x38;
	[tilespmem:$0x1C400] =	vst v63  }
0x93: {  	_ =	swait.ge [sflag:s9], $0x4000  }
0x94: {  	[sflag:s9] =	ssyncset.done $0x0  }
0x95: {  	[sflag:s9] =	ssyncadd.s32 $0xFFFFC000  }
0x96: {  	[spmem:s1] =	stream.indirect.scatter.add.f32 [tilespmem:s26], [sflag:$0x7], $0x80, s3, s30, $0xb8;
	[tilespmem:$0x1C400] =	vst v63  }
0x97: {  	_ =	swait.ge [sflag:s10], $0x4000  }
0x98: {  	[sflag:s10] =	ssyncset.done $0x0  }
0x99: {  	[sflag:s10] =	ssyncadd.s32 $0xFFFFC000  }
0x9a: {  	_ =	swait.ge [sflag:s6], $0x80  }
0x9b: {  	[sflag:s6] =	ssyncset.done $0x0  }
0x9c: {  	[sflag:s6] =	ssyncadd.s32 $0xFFFFFF80  }
0x9d: {  	_ =	swait.ge [sflag:s6], $0x80  }
0x9e: {  	[sflag:s6] =	ssyncset.done $0x0  }
0x9f: {  	s20 =	rddreg [dreg:$0x7];
	[sflag:s6] =	ssyncadd.s32 $0xFFFFFF80  }
0xa0: {  	[tilespmem:s26], [sflag:$0x5] =	stream.indirect.gather [hbm4b:s19+s30], $0x80, s2, s30, $0xb8;
	[tilespmem:$0x1C400] =	vst v63  }
0xa1: {  	s21 =	rddreg [dreg:$0x6];
	s16 =	sadd.s32 $0x0, s20  }
0xa2: {  	[tilespmem:s0], [sflag:$0x3] =	stream.linear.gather [hbm4b:s16+s2], $0x80, $0x38;
	[tilespmem:$0x1C400] =	vst v63  }
0xa3: {  	s25 =	sadd.s32 $0x0, s21  }
0xa4: {  	[tilespmem:s3], [sflag:$0x3] =	stream.linear.gather [hbm4b:s25+s2], $0x80, $0x38;
	[tilespmem:$0x1C400] =	vst v63  }
0xa5: {  	_ =	swait.ge [sflag:s12], $0x4000  }
0xa6: {  	[sflag:s12] =	ssyncset.done $0x0  }
0xa7: {  	[sflag:s12] =	ssyncadd.s32 $0xFFFFC000  }
0xa8: {  	[spmem:s1] =	stream.indirect.scatter.add.f32 [tilespmem:s8], [sflag:$0x8], $0x80, s5, s30, $0xb8;
	[tilespmem:$0x1C400] =	vst v63  }
0xa9: {  	_ =	swait.ge [sflag:s13], $0x4000  }
0xaa: {  	[sflag:s13] =	ssyncset.done $0x0  }
0xab: {  	[sflag:s13] =	ssyncadd.s32 $0xFFFFC000  }
0xac: {  	_ =	swait.ge [sflag:s7], $0x80  }
0xad: {  	[sflag:s7] =	ssyncset.done $0x0  }
0xae: {  	[sflag:s7] =	ssyncadd.s32 $0xFFFFFF80  }
0xaf: {  	_ =	swait.ge [sflag:s7], $0x80  }
0xb0: {  	[sflag:s7] =	ssyncset.done $0x0  }
0xb1: {  	s20 =	rddreg [dreg:$0x5];
	[sflag:s7] =	ssyncadd.s32 $0xFFFFFF80  }
0xb2: {  	[tilespmem:s8], [sflag:$0x6] =	stream.indirect.gather [hbm4b:s19+s30], $0x80, s30, s30, $0xb8;
	[tilespmem:$0x1C400] =	vst v63  }
0xb3: {  	s21 =	rddreg [dreg:$0x4];
	s16 =	sadd.s32 $0x0, s20  }
0xb4: {  	[tilespmem:s4], [sflag:$0x4] =	stream.linear.gather [hbm4b:s16+s2], $0x80, $0x38;
	[tilespmem:$0x1C400] =	vst v63  }
0xb5: {  	s25 =	sadd.s32 $0x0, s21  }
0xb6: {  	[tilespmem:s5], [sflag:$0x4] =	stream.linear.gather [hbm4b:s25+s2], $0x80, $0x38;
	[tilespmem:$0x1C400] =	vst v63  }
0xb7: {  	_ =	swait.ge [sflag:s9], $0x4000  }
0xb8: {  	[sflag:s9] =	ssyncset.done $0x0  }
0xb9: {  	s16 =	simm.s32 $0x40;
	[sflag:s9] =	ssyncadd.s32 $0xFFFFC000  }
.LBB2_4:
0xba: {  	[spmem:s1] =	stream.indirect.scatter.add.f32 [tilespmem:s26], [sflag:$0x7], $0x80, s29, s30, $0xb8;
	[tilespmem:$0x1C400] =	vst v63  }
0xbb: {  	_ =	swait.ge [sflag:s10], $0x4000  }
0xbc: {  	[sflag:s10] =	ssyncset.done $0x0  }
0xbd: {  	[sflag:s10] =	ssyncadd.s32 $0xFFFFC000  }
0xbe: {  	_ =	swait.ge [sflag:s11], $0x80  }
0xbf: {  	[sflag:s11] =	ssyncset.done $0x0  }
0xc0: {  	[sflag:s11] =	ssyncadd.s32 $0xFFFFFF80  }
0xc1: {  	_ =	swait.ge [sflag:s11], $0x80  }
0xc2: {  	[sflag:s11] =	ssyncset.done $0x0  }
0xc3: {  	s25 =	smov.u32 s16;
	[sflag:s11] =	ssyncadd.s32 $0xFFFFFF80  }
0xc4: {  	[tilespmem:s26], [sflag:$0x5] =	stream.indirect.gather [hbm4b:s19+s30], $0x80, s0, s30, $0xb8;
	[tilespmem:$0x1C400] =	vst v63  }
0xc5: {  	s20 =	sadd.s32 s25, s18  }
0xc6: {  	[tilespmem:s2], [sflag:$0x1] =	stream.linear.gather [hbm4b:s20+s2], $0x80, $0x38;
	[tilespmem:$0x1C400] =	vst v63  }
0xc7: {  	s21 =	sadd.s32 s25, s17  }
0xc8: {  	[tilespmem:s29], [sflag:$0x1] =	stream.linear.gather [hbm4b:s21+s2], $0x80, $0x38;
	[tilespmem:$0x1C400] =	vst v63  }
0xc9: {  	_ =	swait.ge [sflag:s12], $0x4000  }
0xca: {  	[sflag:s12] =	ssyncset.done $0x0  }
0xcb: {  	[sflag:s12] =	ssyncadd.s32 $0xFFFFC000  }
0xcc: {  	[spmem:s1] =	stream.indirect.scatter.add.f32 [tilespmem:s8], [sflag:$0x8], $0x80, s31, s30, $0xb8;
	[tilespmem:$0x1C400] =	vst v63  }
0xcd: {  	_ =	swait.ge [sflag:s13], $0x4000  }
0xce: {  	[sflag:s13] =	ssyncset.done $0x0  }
0xcf: {  	[sflag:s13] =	ssyncadd.s32 $0xFFFFC000  }
0xd0: {  	_ =	swait.ge [sflag:s14], $0x80  }
0xd1: {  	[sflag:s14] =	ssyncset.done $0x0  }
0xd2: {  	[sflag:s14] =	ssyncadd.s32 $0xFFFFFF80  }
0xd3: {  	_ =	swait.ge [sflag:s14], $0x80  }
0xd4: {  	[sflag:s14] =	ssyncset.done $0x0  }
0xd5: {  	s20 =	rddreg [dreg:$0x9];
	[sflag:s14] =	ssyncadd.s32 $0xFFFFFF80  }
0xd6: {  	[tilespmem:s8], [sflag:$0x6] =	stream.indirect.gather [hbm4b:s19+s30], $0x80, s4, s30, $0xb8;
	[tilespmem:$0x1C400] =	vst v63  }
0xd7: {  	s21 =	rddreg [dreg:$0x8];
	s20 =	sadd.s32 s25, s20  }
0xd8: {  	[tilespmem:s30], [sflag:$0x2] =	stream.linear.gather [hbm4b:s20+s2], $0x80, $0x38;
	[tilespmem:$0x1C400] =	vst v63  }
0xd9: {  	s21 =	sadd.s32 s25, s21  }
0xda: {  	[tilespmem:s31], [sflag:$0x2] =	stream.linear.gather [hbm4b:s21+s2], $0x80, $0x38;
	[tilespmem:$0x1C400] =	vst v63  }
0xdb: {  	_ =	swait.ge [sflag:s9], $0x4000  }
0xdc: {  	[sflag:s9] =	ssyncset.done $0x0  }
0xdd: {  	[sflag:s9] =	ssyncadd.s32 $0xFFFFC000  }
0xde: {  	[spmem:s1] =	stream.indirect.scatter.add.f32 [tilespmem:s26], [sflag:$0x7], $0x80, s3, s30, $0xb8;
	[tilespmem:$0x1C400] =	vst v63  }
0xdf: {  	_ =	swait.ge [sflag:s10], $0x4000  }
0xe0: {  	[sflag:s10] =	ssyncset.done $0x0  }
0xe1: {  	[sflag:s10] =	ssyncadd.s32 $0xFFFFC000  }
0xe2: {  	_ =	swait.ge [sflag:s6], $0x80  }
0xe3: {  	[sflag:s6] =	ssyncset.done $0x0  }
0xe4: {  	[sflag:s6] =	ssyncadd.s32 $0xFFFFFF80  }
0xe5: {  	_ =	swait.ge [sflag:s6], $0x80  }
0xe6: {  	[sflag:s6] =	ssyncset.done $0x0  }
0xe7: {  	s20 =	rddreg [dreg:$0x7];
	[sflag:s6] =	ssyncadd.s32 $0xFFFFFF80  }
0xe8: {  	[tilespmem:s26], [sflag:$0x5] =	stream.indirect.gather [hbm4b:s19+s30], $0x80, s2, s30, $0xb8;
	[tilespmem:$0x1C400] =	vst v63  }
0xe9: {  	s21 =	rddreg [dreg:$0x6];
	s20 =	sadd.s32 s25, s20  }
0xea: {  	[tilespmem:s0], [sflag:$0x3] =	stream.linear.gather [hbm4b:s20+s2], $0x80, $0x38;
	[tilespmem:$0x1C400] =	vst v63  }
0xeb: {  	s21 =	sadd.s32 s25, s21  }
0xec: {  	[tilespmem:s3], [sflag:$0x3] =	stream.linear.gather [hbm4b:s21+s2], $0x80, $0x38;
	[tilespmem:$0x1C400] =	vst v63  }
0xed: {  	_ =	swait.ge [sflag:s12], $0x4000  }
0xee: {  	[sflag:s12] =	ssyncset.done $0x0  }
0xef: {  	[sflag:s12] =	ssyncadd.s32 $0xFFFFC000  }
0xf0: {  	[spmem:s1] =	stream.indirect.scatter.add.f32 [tilespmem:s8], [sflag:$0x8], $0x80, s5, s30, $0xb8;
	[tilespmem:$0x1C400] =	vst v63  }
0xf1: {  	_ =	swait.ge [sflag:s13], $0x4000  }
0xf2: {  	[sflag:s13] =	ssyncset.done $0x0  }
0xf3: {  	[sflag:s13] =	ssyncadd.s32 $0xFFFFC000  }
0xf4: {  	_ =	swait.ge [sflag:s7], $0x80  }
0xf5: {  	[sflag:s7] =	ssyncset.done $0x0  }
0xf6: {  	[sflag:s7] =	ssyncadd.s32 $0xFFFFFF80  }
0xf7: {  	_ =	swait.ge [sflag:s7], $0x80  }
0xf8: {  	[sflag:s7] =	ssyncset.done $0x0  }
0xf9: {  	s20 =	rddreg [dreg:$0x5];
	[sflag:s7] =	ssyncadd.s32 $0xFFFFFF80  }
0xfa: {  	[tilespmem:s8], [sflag:$0x6] =	stream.indirect.gather [hbm4b:s19+s30], $0x80, s30, s30, $0xb8;
	[tilespmem:$0x1C400] =	vst v63  }
0xfb: {  	p0 =	sne.s32 s16, $0x480;
	s21 =	rddreg [dreg:$0x4];
	s20 =	sadd.s32 s25, s20  }
0xfc: {  	[tilespmem:s4], [sflag:$0x4] =	stream.linear.gather [hbm4b:s20+s2], $0x80, $0x38;
	[tilespmem:$0x1C400] =	vst v63  }
.Ltmp1:
0xfd: {  	s25 =	sadd.s32 s25, s21;
	(pc) =	sbr.rel @p0 .LBB2_4-.Ltmp1, $4  }
0xfe: {  	[tilespmem:s5], [sflag:$0x4] =	stream.linear.gather [hbm4b:s25+s2], $0x80, $0x38;
	[tilespmem:$0x1C400] =	vst v63  }
0xff: {  	_ =	swait.ge [sflag:s9], $0x4000  }
0x100: {  	[sflag:s9] =	ssyncset.done $0x0  }
0x101: {  	s16 =	sadd.s32 $0x40, s16;
	[sflag:s9] =	ssyncadd.s32 $0xFFFFC000  }
0x102: {  	[spmem:s1] =	stream.indirect.scatter.add.f32 [tilespmem:s26], [sflag:$0x7], $0x80, s29, s30, $0xb8;
	[tilespmem:$0x1C400] =	vst v63  }
0x103: {  	_ =	swait.ge [sflag:s10], $0x4000  }
0x104: {  	[sflag:s10] =	ssyncset.done $0x0  }
0x105: {  	[sflag:s10] =	ssyncadd.s32 $0xFFFFC000  }
0x106: {  	_ =	swait.ge [sflag:s11], $0x80  }
0x107: {  	[sflag:s11] =	ssyncset.done $0x0  }
0x108: {  	[sflag:s11] =	ssyncadd.s32 $0xFFFFFF80  }
0x109: {  	_ =	swait.ge [sflag:s11], $0x80  }
0x10a: {  	[sflag:s11] =	ssyncset.done $0x0  }
0x10b: {  	[sflag:s11] =	ssyncadd.s32 $0xFFFFFF80  }
0x10c: {  	[tilespmem:s26], [sflag:$0x5] =	stream.indirect.gather [hbm4b:s19+s30], $0x80, s0, s30, $0xb8;
	[tilespmem:$0x1C400] =	vst v63  }
0x10d: {  	_ =	swait.ge [sflag:s12], $0x4000  }
0x10e: {  	[sflag:s12] =	ssyncset.done $0x0  }
0x10f: {  	[sflag:s12] =	ssyncadd.s32 $0xFFFFC000  }
0x110: {  	[spmem:s1] =	stream.indirect.scatter.add.f32 [tilespmem:s8], [sflag:$0x8], $0x80, s31, s30, $0xb8;
	[tilespmem:$0x1C400] =	vst v63  }
0x111: {  	_ =	swait.ge [sflag:s13], $0x4000  }
0x112: {  	[sflag:s13] =	ssyncset.done $0x0  }
0x113: {  	[sflag:s13] =	ssyncadd.s32 $0xFFFFC000  }
0x114: {  	_ =	swait.ge [sflag:s14], $0x80  }
0x115: {  	[sflag:s14] =	ssyncset.done $0x0  }
0x116: {  	[sflag:s14] =	ssyncadd.s32 $0xFFFFFF80  }
0x117: {  	_ =	swait.ge [sflag:s14], $0x80  }
0x118: {  	[sflag:s14] =	ssyncset.done $0x0  }
0x119: {  	[sflag:s14] =	ssyncadd.s32 $0xFFFFFF80  }
0x11a: {  	[tilespmem:s8], [sflag:$0x6] =	stream.indirect.gather [hbm4b:s19+s30], $0x80, s4, s30, $0xb8;
	[tilespmem:$0x1C400] =	vst v63  }
0x11b: {  	_ =	swait.ge [sflag:s9], $0x4000  }
0x11c: {  	[sflag:s9] =	ssyncset.done $0x0  }
0x11d: {  	[sflag:s9] =	ssyncadd.s32 $0xFFFFC000  }
0x11e: {  	[spmem:s1] =	stream.indirect.scatter.add.f32 [tilespmem:s26], [sflag:$0x7], $0x80, s3, s30, $0xb8;
	[tilespmem:$0x1C400] =	vst v63  }
0x11f: {  	_ =	swait.ge [sflag:s12], $0x4000  }
0x120: {  	[sflag:s12] =	ssyncset.done $0x0  }
0x121: {  	[sflag:s12] =	ssyncadd.s32 $0xFFFFC000  }
0x122: {  	[spmem:s1] =	stream.indirect.scatter.add.f32 [tilespmem:s8], [sflag:$0x8], $0x80, s5, s30, $0xb8;
	[tilespmem:$0x1C400] =	vst v63  }
0x123: {  	_ =	swait.ge [sflag:s10], $0x4000  }
0x124: {  	[sflag:s10] =	ssyncset.done $0x0  }
0x125: {  	[sflag:s10] =	ssyncadd.s32 $0xFFFFC000  }
0x126: {  	_ =	swait.ge [sflag:s13], $0x4000  }
0x127: {  	[sflag:s13] =	ssyncset.done $0x0  }
0x128: {  	[sflag:s13] =	ssyncadd.s32 $0xFFFFC000  }
0x129: {  	[bflag:$0x0] =	sbarrier.arrive $0xFFFF  }
0x12a: {  	[tilespmem:s26], [sflag:$0x9] =	stream.linear.gather [spmem:s22], $0x4000, $0x38;
	[tilespmem:$0x1C400] =	vst v63  }
0x12b: {  	_ =	swait.ge [sflag:s28], $0x4000  }
0x12c: {  	[sflag:s28] =	ssyncset.done $0x0  }
0x12d: {  	s16 =	rddreg [dreg:$0xc];
	[sflag:s28] =	ssyncadd.s32 $0xFFFFC000  }
0x12e: {  	[hbm4b:s16+s2] =	stream.linear.scatter [tilespmem:s26], [sflag:$0x9], $0x4000, $0x38;
	[tilespmem:$0x1C400] =	vst v63  }
0x12f: {  	_ =	swait.ge [sflag:s28], $0x4000  }
0x130: {  	[sflag:s28] =	ssyncset.done $0x0  }
0x131: {  	[sflag:s28] =	ssyncadd.s32 $0xFFFFC000  }
0x132: {  	[tilespmem:s26], [sflag:$0x9] =	stream.linear.gather [spmem:s23], $0x4000, $0x38;
	[tilespmem:$0x1C400] =	vst v63  }
0x133: {  	_ =	swait.ge [sflag:s28], $0x4000  }
0x134: {  	[sflag:s28] =	ssyncset.done $0x0  }
0x135: {  	s25 =	rddreg [dreg:$0xd];
	[sflag:s28] =	ssyncadd.s32 $0xFFFFC000  }
0x136: {  	[hbm4b:s25+s2] =	stream.linear.scatter [tilespmem:s26], [sflag:$0x9], $0x4000, $0x38;
	[tilespmem:$0x1C400] =	vst v63  }
0x137: {  	_ =	swait.ge [sflag:s28], $0x4000  }
0x138: {  	[sflag:s28] =	ssyncset.done $0x0  }
0x139: {  	s20 =	smov.u32 s22;
	s22 =	rddreg [dreg:$0x17];
	[sflag:s28] =	ssyncadd.s32 $0xFFFFC000  }
0x13a: {  	[tilespmem:s26], [sflag:$0x9] =	stream.linear.gather [spmem:s22], $0x4000, $0x38;
	[tilespmem:$0x1C400] =	vst v63  }
0x13b: {  	_ =	swait.ge [sflag:s28], $0x4000  }
0x13c: {  	[sflag:s28] =	ssyncset.done $0x0  }
0x13d: {  	s21 =	smov.u32 s23;
	s23 =	rddreg [dreg:$0xe];
	[sflag:s28] =	ssyncadd.s32 $0xFFFFC000  }
0x13e: {  	[hbm4b:s23+s2] =	stream.linear.scatter [tilespmem:s26], [sflag:$0x9], $0x4000, $0x38;
	[tilespmem:$0x1C400] =	vst v63  }
0x13f: {  	_ =	swait.ge [sflag:s28], $0x4000  }
0x140: {  	[sflag:s28] =	ssyncset.done $0x0  }
0x141: {  	s25 =	rddreg [dreg:$0x18];
	[sflag:s28] =	ssyncadd.s32 $0xFFFFC000  }
0x142: {  	[tilespmem:s26], [sflag:$0x9] =	stream.linear.gather [spmem:s25], $0x4000, $0x38;
	[tilespmem:$0x1C400] =	vst v63  }
0x143: {  	_ =	swait.ge [sflag:s28], $0x4000  }
0x144: {  	[sflag:s28] =	ssyncset.done $0x0  }
0x145: {  	s22 =	rddreg [dreg:$0xf];
	[sflag:s28] =	ssyncadd.s32 $0xFFFFC000  }
0x146: {  	[hbm4b:s22+s2] =	stream.linear.scatter [tilespmem:s26], [sflag:$0x9], $0x4000, $0x38;
	[tilespmem:$0x1C400] =	vst v63  }
0x147: {  	_ =	swait.ge [sflag:s28], $0x4000  }
0x148: {  	[sflag:s28] =	ssyncset.done $0x0  }
0x149: {  	[sflag:s28] =	ssyncadd.s32 $0xFFFFC000  }
0x14a: {  	[tilespmem:s26], [sflag:$0x9] =	stream.linear.gather [spmem:s24], $0x4000, $0x38;
	[tilespmem:$0x1C400] =	vst v63  }
0x14b: {  	_ =	swait.ge [sflag:s28], $0x4000  }
0x14c: {  	[sflag:s28] =	ssyncset.done $0x0  }
0x14d: {  	s23 =	rddreg [dreg:$0x10];
	[sflag:s28] =	ssyncadd.s32 $0xFFFFC000  }
0x14e: {  	[hbm4b:s23+s2] =	stream.linear.scatter [tilespmem:s26], [sflag:$0x9], $0x4000, $0x38;
	[tilespmem:$0x1C400] =	vst v63  }
0x14f: {  	_ =	swait.ge [sflag:s28], $0x4000  }
0x150: {  	s15 =	sadd.s32 $0x1, s15;
	s25 =	rddreg [dreg:$0x19]  }
0x151: {  	p0 =	sne.s32 s15, s25  }
.Ltmp2:
0x152: {  	_ = 	snop;
	(pc) =	sbr.rel @p0 .LBB2_1-.Ltmp2, $3  }
0x153: {  	_ =	sdelay $0x1  }
0x154: {  	[sflag:s28] =	ssyncset.done $0x0  }
0x155: {  	[sflag:s28] =	ssyncadd.s32 $0xFFFFC000  }
0x156: {  	_ =	sfence.sel $0x180000  }
0x157: {  	[bflag:$0x0] =	sbarrier.arrive $0xFFFF  }
0x158: {  	_ =	strace $0x9000004A  }
0x159: {  	s0 =	stileid.u32;
	[bflag:$0x2] =	sbarrier.arrive $0xFFFF  }
0x15a: {  	p0 =	sne.s32 s0, $0x0;
	s0 =	rddreg [dreg:$0x3]  }
0x15b: {  	s0 =	sadd.s32 @!p0 $0x100000, s0  }
0x15c: {  	[sflag:s0] =	ssyncadd.tile.s32 @!p0 $0x1;
	_ =	shalt  }
.Lfunc_end2:
_tile_overlayer_lowered:
.L_overlay_start_2:
0x15d: {  	(tag) =	ssettag $0x2  }
0x15e: {  	s0 =	rddreg [dreg:$0x0];
	s2 =	stileid.u32  }
0x15f: {  	s1 =	rddreg [dreg:$0x1];
	p0 =	sne.s32 s2, $0x0  }
0x160: {  	s3 =	rddreg [dreg:$0x2];
	[bflag:$0x3] =	sbarrier.arrive $0xFFFF;
	s2 =	simm.s32 @!p0 $0x1C09  }
0x161: {  	[timem:s3], [sflag:s2] =	dma.local @!p0 [hbm:s0], s1  }
0x162: {  	s0 =	simm.s32 @!p0 $0x9  }
0x163: {  	_ =	swait.ge @!p0 [sflag:s0], s1  }
0x164: {  	s1 =	ssub.s32 @!p0 $0x0, s1;
	[sflag:s0] =	ssyncset.done @!p0 $0x0  }
0x165: {  	[sflag:s0] =	ssyncadd.s32 @!p0 s1  }
0x166: {  	[bflag:$0x3] =	sbarrier.arrive $0xFFFF  }
0x167: {  	_ =	shalt  }

// kernel: kernel.7.cloned.1.call-start
scs
__scs_entry_jumppad:
0x0: {  	(pc) =	sbr.rel $0x88, $3  }
0x1: {  	(tag) =	ssettag $0x0;
	lr =	simm.s32 $0x1  }
0x2: {  	[smem:$0x3F99] =	sst lr;
	_ =	strace $0xD0000000  }
0x3: {  	_ = 	snop  }
0x4: {  	_ = 	snop  }
0x5: {  	_ = 	snop  }
0x6: {  	_ = 	snop  }
0x7: {  	_ = 	snop  }
__scs_overlays_trampoline_lowered:
0x8: {  	[smem:$0x3FA8] =	sst s0  }
0x9: {  	[smem:$0x3FA9] =	sst s1  }
0xa: {  	[smem:$0x3FAA] =	sst s2  }
0xb: {  	[smem:$0x3FAB] =	sst s3  }
0xc: {  	[smem:$0x3FAC] =	sst s4  }
0xd: {  	[smem:$0x3FAD] =	sst s5  }
0xe: {  	[smem:$0x3FAE] =	sst s6  }
0xf: {  	[smem:$0x3FAF] =	sst s7  }
0x10: {  	[smem:$0x3FB0] =	sst s8  }
0x11: {  	[smem:$0x3FB1] =	sst s9;
	s0 =	simm.s32 @!p0 $0x0  }
0x12: {  	s1 =	sld [smem:$0x3F97];
	s0 =	simm.s32 @p0 $0x1  }
0x13: {  	[smem:$0x3FB2] =	sst s0;
	s0 =	simm.s32 @!p1 $0x0  }
0x14: {  	s2 =	sld [smem:$0x3F96];
	s0 =	simm.s32 @p1 $0x1  }
0x15: {  	[smem:$0x3FB3] =	sst s0;
	s0 =	simm.s32 @!p2 $0x0  }
0x16: {  	s3 =	sld [smem:$0x3FDB];
	s0 =	simm.s32 @p2 $0x1  }
0x17: {  	s4 =	simm.s32 $0x1BF5;
	[smem:$0x3FB5] =	sst s0  }
0x18: {  	s0 =	sld [smem:$0x3F98];
	_ =	swait.ge [sflag:s4], $0x0  }
0x19: {  	s7 =	sld [smem:$0x3F99]  }
0x1a: {  	s8 =	sadd.s32 $0xFFFFE003, lr  }
0x1b: {  	s9 =	sadd.s32 $0xFFFFFEF7, lr;
	s5 =	simm.s32 $0xFFFFFFFF;
	p2 =	slt.u32 s8, $0xFFFFF086  }
0x1c: {  	p1 =	slt.u32 s9, $0xF7A;
	s5 =	simm.s32 @!p2 $0x0  }
0x1d: {  	s5 =	simm.s32 @p1 $0x1;
	p0 =	seq.s32 s7, s2  }
0x1e: {  	s7 =	smul.u32 @!p0 $0xF7A, s2;
	p2 =	seq.s32 @!p0 s5, $0x0  }
0x1f: {  	s9 =	smul.u32 $0xF7A, s1;
	s8 =	simm.s32 @!p0 $0x1BF5;
	p2 =	por !p2, p0  }
0x20: {  	[sflag:s8] =	ssyncset.s32 @!p0 $0xFFFFF086;
	s6 =	sadd.s32 @!p0 s3, s7;
	s7 =	simm.s32 @!p0 $0x108  }
0x21: {  	s3 =	sadd.s32 s3, s9;
	s6 =	sadd.s32 @!p0 $0x88, s6;
	s7 =	simm.s32 @p2 $0x1082  }
0x22: {  	[simem:s7], [sflag:s8] =	dma.local @!p0 [hbm:s6], $0xF7A  }
0x23: {  	s9 =	sor.u32 $0xD0000000, s2;
	s6 =	simm.s32 $0x108;
	_ =	swait.ge @!p0 [sflag:s8], $0x0  }
0x24: {  	s3 =	sadd.s32 $0x88, s3;
	s6 =	simm.s32 @!p1 $0x1082;
	[sflag:s4] =	ssyncset.s32 $0xFFFFF086  }
0x25: {  	[simem:s6], [sflag:s4] =	dma.local [hbm:s3], $0xF7A  }
0x26: {  	[smem:$0x3F99] =	sst s1;
	(tag) =	ssettag s2;
	_ =	strace s9  }
0x27: {  	s1 =	sld [smem:$0x3FA9]  }
0x28: {  	s2 =	sld [smem:$0x3FAA]  }
0x29: {  	s4 =	sld [smem:$0x3FAC]  }
0x2a: {  	p0 =	seq.s32 s5, $0x0;
	s5 =	sld [smem:$0x3FAD]  }
0x2b: {  	s6 =	sld [smem:$0x3FAE]  }
0x2c: {  	s7 =	sld [smem:$0x3FAF]  }
0x2d: {  	s3 =	simm.s32 $0x108;
	s8 =	sld [smem:$0x3FB0]  }
0x2e: {  	s3 =	simm.s32 @!p0 $0x1082;
	s9 =	sld [smem:$0x3FB1]  }
0x2f: {  	lr =	sadd.s32 s0, s3;
	s0 =	sld [smem:$0x3FA8]  }
0x30: {  	s3 =	sld [smem:$0x3FAB]  }
0x31: {  	[smem:$0x3FB4] =	sst s10  }
0x32: {  	s10 =	sld [smem:$0x3FB2];
	_ =	sdelay $0x3  }
0x33: {  	p0 =	seq.s32 s10, $0x1;
	s10 =	sld [smem:$0x3FB4];
	_ =	sdelay $0x3  }
0x34: {  	[smem:$0x3FB4] =	sst s10  }
0x35: {  	s10 =	sld [smem:$0x3FB3];
	_ =	sdelay $0x3  }
0x36: {  	p1 =	seq.s32 s10, $0x1;
	s10 =	sld [smem:$0x3FB4];
	_ =	sdelay $0x3  }
0x37: {  	[smem:$0x3FB4] =	sst s10  }
0x38: {  	s10 =	sld [smem:$0x3FB5]  }
0x39: {  	_ = 	snop;
	(pc) =	sbr.ind lr, $3  }
0x3a: {  	_ = 	snop  }
0x3b: {  	_ = 	snop  }
0x3c: {  	p2 =	seq.s32 s10, $0x1;
	s10 =	sld [smem:$0x3FB4]  }
0x3d: {  	_ =	shalt  }
0x3e: {  	_ =	shalt  }
0x3f: {  	_ =	shalt  }
0x40: {  	_ =	shalt  }
0x41: {  	_ =	shalt  }
0x42: {  	_ =	shalt  }
0x43: {  	_ =	shalt  }
0x44: {  	_ =	shalt  }
0x45: {  	_ =	shalt  }
0x46: {  	_ =	shalt  }
0x47: {  	_ =	shalt  }
0x48: {  	_ =	shalt  }
0x49: {  	_ =	shalt  }
0x4a: {  	_ =	shalt  }
0x4b: {  	_ =	shalt  }
0x4c: {  	_ =	shalt  }
0x4d: {  	_ =	shalt  }
0x4e: {  	_ =	shalt  }
0x4f: {  	_ =	shalt  }
0x50: {  	_ =	shalt  }
0x51: {  	_ =	shalt  }
0x52: {  	_ =	shalt  }
0x53: {  	_ =	shalt  }
0x54: {  	_ =	shalt  }
0x55: {  	_ =	shalt  }
0x56: {  	_ =	shalt  }
0x57: {  	_ =	shalt  }
0x58: {  	_ =	shalt  }
0x59: {  	_ =	shalt  }
0x5a: {  	_ =	shalt  }
0x5b: {  	_ =	shalt  }
0x5c: {  	_ =	shalt  }
0x5d: {  	_ =	shalt  }
0x5e: {  	_ =	shalt  }
0x5f: {  	_ =	shalt  }
0x60: {  	_ =	shalt  }
0x61: {  	_ =	shalt  }
0x62: {  	_ =	shalt  }
0x63: {  	_ =	shalt  }
0x64: {  	_ =	shalt  }
0x65: {  	_ =	shalt  }
0x66: {  	_ =	shalt  }
0x67: {  	_ =	shalt  }
0x68: {  	_ =	shalt  }
0x69: {  	_ =	shalt  }
0x6a: {  	_ =	shalt  }
0x6b: {  	_ =	shalt  }
0x6c: {  	_ =	shalt  }
0x6d: {  	_ =	shalt  }
0x6e: {  	_ =	shalt  }
0x6f: {  	_ =	shalt  }
0x70: {  	_ =	shalt  }
0x71: {  	_ =	shalt  }
0x72: {  	_ =	shalt  }
0x73: {  	_ =	shalt  }
0x74: {  	_ =	shalt  }
0x75: {  	_ =	shalt  }
0x76: {  	_ =	shalt  }
0x77: {  	_ =	shalt  }
0x78: {  	_ =	shalt  }
0x79: {  	_ =	shalt  }
0x7a: {  	_ =	shalt  }
0x7b: {  	_ =	shalt  }
0x7c: {  	_ =	shalt  }
0x7d: {  	_ =	shalt  }
0x7e: {  	_ =	shalt  }
0x7f: {  	_ =	shalt  }
0x80: {  	_ =	shalt  }
0x81: {  	_ =	shalt  }
0x82: {  	_ =	shalt  }
0x83: {  	_ =	shalt  }
0x84: {  	_ =	shalt  }
0x85: {  	_ =	shalt  }
0x86: {  	_ =	shalt  }
0x87: {  	_ =	shalt  }
.Lfunc_end0:
.L_simem_size_0:
called_computation_lowered:
.L_overlay_start_0:
0x88: {  	s2 =	sld [smem:$0x3FD9]  }
0x89: {  	s3 =	sld [smem:$0x3FFE];
	_ =	sdelay $0x1  }
0x8a: {  	s1 =	srdreg.scid  }
0x8b: {  	s0 =	sand.u32 $0x1, s1  }
0x8c: {  	s17 =	sshll.u32 s0, $0xA;
	s2 =	sadd.s32 s3, s2  }
0x8d: {  	s2 =	sadd.s32 s2, s17  }
0x8e: {  	[smem:$0x3FC0] =	sst s2  }
0x8f: {  	_ = 	snop  }
0x90: {  	s2 =	sld [smem:$0x3FD0];
	(tm) =	ssettm $0x1  }
0x91: {  	s18 =	sld [smem:$0x3FFB];
	_ =	sdelay $0x3  }
0x92: {  	_ =	strace s18  }
0x93: {  	s3 =	sld [smem:$0x3FFC];
	_ =	sdelay $0x3  }
0x94: {  	_ =	strace s3  }
0x95: {  	s3 =	sld [smem:$0x3FFD];
	_ =	sdelay $0x3  }
0x96: {  	_ =	strace s3  }
0x97: {  	_ =	strace $0x8FFFFFFF  }
0x98: {  	s19 =	sld [smem:$0x3FDB];
	_ =	sdelay $0x1  }
0x99: {  	s4 =	simm.s32 $_scs_section_size  }
0x9a: {  	s5 =	simm.s32 $_size__tile_overlayer_lowered;
	s6 =	simm.s32 $_tile_overlayer_lowered  }
0x9b: {  	s22 =	simm.s32 $0x1BFF;
	s21 =	sshll.u32 s6, $0x1;
	s3 =	sadd.s32 s4, s19  }
0x9c: {  	s7 =	simm.s32 $0x0;
	s20 =	sshll.u32 s5, $0x1;
	s5 =	sadd.s32 s21, s3  }
0x9d: {  	[timem:s7], [sflag:s22] =	dma.local [hbm:s5], s20  }
0x9e: {  	_ =	swait.ge [sflag:s22], s20  }
0x9f: {  	s4 =	ssub.s32 $0x0, s20;
	[sflag:s22] =	ssyncset.done $0x0  }
0xa0: {  	[sflag:s22] =	ssyncadd.s32 s4;
	_ =	sdelay $0x1  }
0xa1: {  	s23 =	simm.s32 $0x1B8B  }
0xa2: {  	_ =	swait.ge [sflag:s23], $0x1  }
0xa3: {  	[sflag:s23] =	ssyncset.done $0x0  }
0xa4: {  	s25 =	simm.s32 $0x1B8E;
	s24 =	sld [smem:$0x3FFE];
	[sflag:s23] =	ssyncadd.s32 $0xFFFFFFFF  }
0xa5: {  	s26 =	simm.s32 $execute0_lowered;
	[smem:$0x3FD2] =	sst s25  }
0xa6: {  	s5 =	sshll.u32 s26, $0x1;
	_ =	strace $0x80000046;
	[dreg:$0x1] =	wrdreg $0xFFFFFFFF  }
0xa7: {  	s28 =	simm.s32 $_size_execute0_lowered;
	s3 =	sadd.s32 s3, s5;
	[dreg:$0x0] =	wrdreg $0x0  }
0xa8: {  	s5 =	sshll.u32 s28, $0x1;
	[dreg:$0x2] =	wrdreg s3  }
0xa9: {  	[dreg:$0x3] =	wrdreg s5  }
0xaa: {  	[dreg:$0x4] =	wrdreg $0xC0  }
0xab: {  	_ =	task [dreg:s7], $0x5FFFF  }
0xac: {  	[dreg:$0x1] =	wrdreg $0xFFFFFFFF  }
0xad: {  	[dreg:$0x0] =	wrdreg $0x60  }
0xae: {  	[dreg:$0x2] =	wrdreg s24  }
0xaf: {  	[dreg:$0x3] =	wrdreg s2  }
0xb0: {  	[dreg:$0x4] =	wrdreg $0x84000  }
0xb1: {  	[dreg:$0x5] =	wrdreg $0x1C7000  }
0xb2: {  	[dreg:$0x6] =	wrdreg $0x9  }
0xb3: {  	_ =	task.clear_ibuf [dreg:s7], $0x7FFFF;
	_ =	strace $0x90000046  }
0xb4: {  	s29 =	simm.s32 $0x9;
	_ =	strace $0x80000048  }
0xb5: {  	_ =	swait.ge [sflag:s29], $0x1  }
0xb6: {  	[sflag:s29] =	ssyncadd.s32 $0xFFFFFFFF  }
0xb7: {  	_ =	strace $0x90000048  }
0xb8: {  	_ =	sfence  }
0xb9: {  	s30 =	sld [smem:$0x0];
	_ =	sdelay $0x2  }
0xba: {  	s31 =	sshll.u32 s1, $0xD;
	s1 =	sshrl.u32 s1, $0x2  }
0xbb: {  	s3 =	sand.u32 $0x4000, s31;
	s1 =	sadd.s32 s1, s30  }
0xbc: {  	s0 =	sor.u32 s3, s0;
	s1 =	sshll.u32 s1, $0x11  }
0xbd: {  	s0 =	sor.u32 s1, s0  }
0xbe: {  	s0 =	sadd.s32 $0x8F2B, s0  }
0xbf: {  	[sflag:s0] =	ssyncadd.remote.s32 $0x1  }
0xc0: {  	_ =	sfence.sel $0xFFFF  }
0xc1: {  	[dreg:$0x0] =	wrdreg $0xFFFFFFFF;
	(pc) =	sbr.abs _section_cstart, $3  }
0xc2: {  	[dreg:$0x1] =	wrdreg $0xFFFFFFFF  }
0xc3: {  	_ =	task.clear_ibuf [dreg:s7], $0x2FFFF;
	_ =	strace $0x9FFFFFFF  }
0xc4: {  	(tm) =	ssettm $0x7FFFFFFF  }
0xc5: {  	_ =	shalt  }
tec
execute0_lowered:
.L_overlay_start_1:
0x0: {  	(tag) =	ssettag $0x1  }
0x1: {  	s0 =	rddreg [dreg:$0x0]  }
0x2: {  	s6 =	rddreg [dreg:$0x1]  }
0x3: {  	s1 =	rddreg [dreg:$0x2]  }
0x4: {  	s2 =	rddreg [dreg:$0x3];
	s3 =	simm.s32 $0x0  }
0x5: {  	s4 =	srdreg.scid;
	s20 =	stileid.u32;
	s28 =	simm.s32 $0x400  }
0x6: {  	s29 =	simm.s32 $0x9;
	s31 =	simm.s32 $0x200;
	[smem:$0x7FF] =	sst s3  }
0x7: {  	s7 =	sadd.s32 $0x1E00, s0;
	s5 =	sand.u32 $0x1, s4;
	s4 =	smul.u32 $0x280, s20  }
0x8: {  	s8 =	sshll.u32 s20, $0x1;
	s22 =	smul.u32 $0x5000, s20;
	_ =	strace $0x80000047  }
0x9: {  	s9 =	smul.u32 $0x2800, s5;
	s10 =	ssub.s32 $0x2, s5;
	s5 =	sor.u32 s5, s8  }
0xa: {  	s8 =	sadd.s32 $0x34800, s0;
	s11 =	sshrl.u32 s10, $0x1;
	s12 =	smul.u32 $0x2800, s5  }
0xb: {  	s14 =	sadd.s32 $0x100, s4;
	s15 =	sadd.s32 $0x180, s4;
	s13 =	sadd.s32 s4, s9  }
0xc: {  	s5 =	ssub.s32 s10, s11;
	s11 =	sadd.s32 $0x80, s4;
	s10 =	sadd.s32 s9, s22  }
0xd: {  	s12 =	sshrl.u32 s12, $0x3;
	s17 =	sor.u32 $0x380, s10;
	s19 =	sor.u32 $0x300, s10  }
0xe: {  	s16 =	sadd.s32 s6, s12;
	s23 =	sadd.s32 s7, s12;
	s24 =	sor.u32 $0x10, s12  }
0xf: {  	s25 =	sshrl.u32 s17, $0x3;
	s26 =	sor.u32 $0x20, s12;
	[dreg:$0xd] =	wrdreg s16  }
0x10: {  	s21 =	sshrl.u32 s19, $0x3;
	[dreg:$0xe] =	wrdreg s23;
	s18 =	sadd.s32 s6, s24  }
0x11: {  	s12 =	sor.u32 $0x30, s12;
	s16 =	sadd.s32 s7, s24;
	[dreg:$0xf] =	wrdreg s18  }
0x12: {  	s19 =	sadd.s32 s9, s11;
	s30 =	sadd.s32 s25, s7;
	[dreg:$0x10] =	wrdreg s16  }
0x13: {  	s22 =	sadd.s32 s6, s26;
	s23 =	sadd.s32 s21, s7;
	[dreg:$0x5] =	wrdreg s30  }
0x14: {  	s17 =	sadd.s32 s7, s26;
	s24 =	sor.u32 $0x280, s10;
	[dreg:$0x11] =	wrdreg s22  }
0x15: {  	s10 =	sor.u32 $0x200, s10;
	s16 =	sadd.s32 s25, s6;
	[dreg:$0x12] =	wrdreg s17  }
0x16: {  	[dreg:$0x7] =	wrdreg s23;
	s25 =	sadd.s32 s21, s6;
	s10 =	sshrl.u32 s10, $0x3  }
0x17: {  	s30 =	sadd.s32 s7, s12;
	s18 =	sshll.u32 s13, $0x4;
	[dreg:$0x6] =	wrdreg s16  }
0x18: {  	s12 =	sadd.s32 s6, s12;
	s22 =	sadd.s32 s9, s14;
	[dreg:$0x8] =	wrdreg s25  }
0x19: {  	s23 =	sadd.s32 $0x200, s4;
	s17 =	sshll.u32 s14, $0x7;
	[dreg:$0x13] =	wrdreg s30  }
0x1a: {  	s14 =	simm.s32 $0x7;
	s16 =	sshrl.u32 s24, $0x3;
	[dreg:$0x14] =	wrdreg s12  }
0x1b: {  	s21 =	sadd.s32 s8, s18;
	s24 =	sadd.s32 s9, s15;
	s9 =	sadd.s32 s9, s23  }
0x1c: {  	s30 =	smul.u32 $0x50000, s20;
	s12 =	sshrl.u32 s13, $0x3;
	s18 =	sadd.s32 $0xBE00, s0  }
0x1d: {  	s26 =	sadd.s32 s16, s7;
	s16 =	sadd.s32 s16, s6;
	[dreg:$0x15] =	wrdreg s21  }
0x1e: {  	s7 =	sadd.s32 s10, s7;
	s6 =	sadd.s32 s10, s6;
	[dreg:$0x9] =	wrdreg s26  }
0x1f: {  	s25 =	sshll.u32 s24, $0x4;
	s10 =	simm.s32 $0x2;
	[dreg:$0xa] =	wrdreg s16  }
0x20: {  	[dreg:$0xb] =	wrdreg s7;
	s7 =	sshll.u32 s19, $0x4;
	s26 =	sshll.u32 s9, $0x4  }
0x21: {  	[dreg:$0xc] =	wrdreg s6;
	s6 =	sadd.s32 s12, s0;
	s13 =	sshrl.u32 s30, $0x2  }
0x22: {  	s16 =	sshll.u32 s11, $0x7;
	s19 =	sshll.u32 s15, $0x7;
	s0 =	sadd.s32 s17, s1  }
0x23: {  	s30 =	smax.u32 s5, $0x1;
	s5 =	simm.s32 $0x100;
	s9 =	simm.s32 $0x1  }
0x24: {  	s11 =	simm.s32 $0x4400;
	s12 =	simm.s32 $0x5;
	s15 =	simm.s32 $0x3  }
0x25: {  	s17 =	simm.s32 $0x8;
	s7 =	sadd.s32 s8, s7;
	[dreg:$0x1a] =	wrdreg s0  }
0x26: {  	s20 =	sadd.s32 s13, s1;
	s21 =	sadd.s32 s16, s1;
	[dreg:$0x1e] =	wrdreg s30  }
0x27: {  	s0 =	simm.s32 $0x80;
	s13 =	simm.s32 $0x1C400;
	[dreg:$0x16] =	wrdreg s7  }
0x28: {  	s7 =	sshll.u32 s22, $0x4;
	s22 =	sshll.u32 s23, $0x7;
	s23 =	sadd.s32 s19, s1  }
0x29: {  	s16 =	simm.s32 $0x6;
	s7 =	sadd.s32 s8, s7;
	[dreg:$0x1b] =	wrdreg s23  }
0x2a: {  	s24 =	sadd.s32 s22, s1;
	[dreg:$0x17] =	wrdreg s7;
	s7 =	sadd.s32 s8, s25  }
0x2b: {  	[dreg:$0x1c] =	wrdreg s24;
	s25 =	sadd.s32 s4, s2;
	s24 =	simm.s32 $0x1C480  }
0x2c: {  	s4 =	simm.s32 $0x280;
	[dreg:$0x18] =	wrdreg s7;
	s7 =	sadd.s32 s8, s26  }
0x2d: {  	[dreg:$0x1f] =	wrdreg s25;
	s26 =	sadd.s32 $0x33E00, s6;
	s6 =	simm.s32 $0x300  }
0x2e: {  	s8 =	simm.s32 $0x380;
	s25 =	simm.s32 $0x4;
	[dreg:$0x19] =	wrdreg s7  }
0x2f: {  	v0 =	vimm.f32 $0.0e+00;
	v1 =	vimm.f32 $1.000000000e+00;
	[dreg:$0x1d] =	wrdreg s26;
	s7 =	simm.s32 $0x180;
	s26 =	simm.s32 $0x0  }
.LBB2_1:
0x30: {  	s19 =	simm.s32 $0x0;
	s30 =	simm.s32 $0x200  }
.LBB2_2:
0x31: {  	p0 =	sne.s32 s30, $0xFE00;
	[tilespmem:s19+$0x470] =	vst v0  }
0x32: {  	[tilespmem:s19+$0x400] =	vst v0  }
0x33: {  	[tilespmem:s19+$0x410] =	vst v0  }
.Ltmp0:
0x34: {  	[tilespmem:s19+$0x420] =	vst v0;
	(pc) =	sbr.rel @p0 .LBB2_2-.Ltmp0, $4  }
0x35: {  	[tilespmem:s19+$0x430] =	vst v0  }
0x36: {  	[tilespmem:s19+$0x440] =	vst v0  }
0x37: {  	[tilespmem:s19+$0x450] =	vst v0  }
0x38: {  	[tilespmem:s19+$0x460] =	vst v0;
	s19 =	sshra.s32 s30, $0x2;
	s30 =	sadd.s32 $0x200, s30  }
0x39: {  	[tilespmem:s19+$0x470] =	vst v0  }
0x3a: {  	[tilespmem:s19+$0x400] =	vst v0  }
0x3b: {  	[tilespmem:s19+$0x410] =	vst v0  }
0x3c: {  	[tilespmem:s19+$0x420] =	vst v0  }
0x3d: {  	[tilespmem:s19+$0x430] =	vst v0  }
0x3e: {  	[tilespmem:s19+$0x440] =	vst v0  }
0x3f: {  	[tilespmem:s19+$0x450] =	vst v0  }
0x40: {  	[tilespmem:s19+$0x460] =	vst v0  }
0x41: {  	[spmem:s20] =	stream.linear.scatter [tilespmem:s28], [sflag:$0x9], $0x4000, $0x38;
	[tilespmem:$0x1C980] =	vst v63  }
0x42: {  	_ =	swait.ge [sflag:s29], $0x4000  }
0x43: {  	[sflag:s29] =	ssyncset.done $0x0  }
0x44: {  	[sflag:s29] =	ssyncadd.s32 $0xFFFFC000  }
0x45: {  	[spmem:s21] =	stream.linear.scatter [tilespmem:s28], [sflag:$0x9], $0x4000, $0x38;
	[tilespmem:$0x1C980] =	vst v63  }
0x46: {  	_ =	swait.ge [sflag:s29], $0x4000  }
0x47: {  	[sflag:s29] =	ssyncset.done $0x0  }
0x48: {  	s23 =	smov.u32 s21;
	s21 =	rddreg [dreg:$0x1a];
	[sflag:s29] =	ssyncadd.s32 $0xFFFFC000  }
0x49: {  	[spmem:s21] =	stream.linear.scatter [tilespmem:s28], [sflag:$0x9], $0x4000, $0x38;
	[tilespmem:$0x1C980] =	vst v63  }
0x4a: {  	_ =	swait.ge [sflag:s29], $0x4000  }
0x4b: {  	[sflag:s29] =	ssyncset.done $0x0  }
0x4c: {  	s22 =	smov.u32 s20;
	s20 =	rddreg [dreg:$0x1b];
	[sflag:s29] =	ssyncadd.s32 $0xFFFFC000  }
0x4d: {  	[spmem:s20] =	stream.linear.scatter [tilespmem:s28], [sflag:$0x9], $0x4000, $0x38;
	[tilespmem:$0x1C980] =	vst v63  }
0x4e: {  	_ =	swait.ge [sflag:s29], $0x4000  }
0x4f: {  	[sflag:s29] =	ssyncset.done $0x0  }
0x50: {  	s21 =	rddreg [dreg:$0x1c];
	[sflag:s29] =	ssyncadd.s32 $0xFFFFC000  }
0x51: {  	[spmem:s21] =	stream.linear.scatter [tilespmem:s28], [sflag:$0x9], $0x4000, $0x38;
	[tilespmem:$0x1C980] =	vst v63  }
0x52: {  	_ =	swait.ge [sflag:s29], $0x4000  }
0x53: {  	[sflag:s29] =	ssyncset.done $0x0  }
0x54: {  	[sflag:s29] =	ssyncadd.s32 $0xFFFFC000  }
0x55: {  	[tilespmem:$0x1C400] =	vst v1  }
0x56: {  	[tilespmem:$0x1C410] =	vst v1  }
0x57: {  	[tilespmem:$0x1C420] =	vst v1  }
0x58: {  	[tilespmem:$0x1C430] =	vst v1  }
0x59: {  	[tilespmem:$0x1C440] =	vst v1  }
0x5a: {  	[tilespmem:$0x1C450] =	vst v1  }
0x5b: {  	[tilespmem:$0x1C460] =	vst v1  }
0x5c: {  	[tilespmem:$0x1C470] =	vst v1  }
0x5d: {  	[tilespmem:$0x1C480] =	vst v0  }
0x5e: {  	[tilespmem:$0x1C490] =	vst v0  }
0x5f: {  	[tilespmem:$0x1C4A0] =	vst v0  }
0x60: {  	[tilespmem:$0x1C4B0] =	vst v0  }
0x61: {  	[tilespmem:$0x1C4C0] =	vst v0  }
0x62: {  	[tilespmem:$0x1C4D0] =	vst v0  }
0x63: {  	[tilespmem:$0x1C4E0] =	vst v0  }
0x64: {  	[tilespmem:$0x1C4F0] =	vst v0  }
0x65: {  	[tilespmem:$0x1C500] =	vst v0  }
0x66: {  	[tilespmem:$0x1C510] =	vst v0  }
0x67: {  	[tilespmem:$0x1C520] =	vst v0  }
0x68: {  	[tilespmem:$0x1C530] =	vst v0  }
0x69: {  	[tilespmem:$0x1C540] =	vst v0  }
0x6a: {  	[tilespmem:$0x1C550] =	vst v0  }
0x6b: {  	[tilespmem:$0x1C560] =	vst v0  }
0x6c: {  	[tilespmem:$0x1C570] =	vst v0  }
0x6d: {  	[tilespmem:$0x1C580] =	vst v0  }
0x6e: {  	[tilespmem:$0x1C590] =	vst v0  }
0x6f: {  	[tilespmem:$0x1C5A0] =	vst v0  }
0x70: {  	[tilespmem:$0x1C5B0] =	vst v0  }
0x71: {  	[tilespmem:$0x1C5C0] =	vst v0  }
0x72: {  	[tilespmem:$0x1C5D0] =	vst v0  }
0x73: {  	[tilespmem:$0x1C5E0] =	vst v0  }
0x74: {  	[tilespmem:$0x1C5F0] =	vst v0  }
0x75: {  	[tilespmem:$0x1C600] =	vst v0  }
0x76: {  	[tilespmem:$0x1C610] =	vst v0  }
0x77: {  	[tilespmem:$0x1C620] =	vst v0  }
0x78: {  	[tilespmem:$0x1C630] =	vst v0  }
0x79: {  	[tilespmem:$0x1C640] =	vst v0  }
0x7a: {  	[tilespmem:$0x1C650] =	vst v0  }
0x7b: {  	[tilespmem:$0x1C660] =	vst v0  }
0x7c: {  	[tilespmem:$0x1C670] =	vst v0  }
0x7d: {  	[tilespmem:$0x1C680] =	vst v0  }
0x7e: {  	[tilespmem:$0x1C690] =	vst v0  }
0x7f: {  	[tilespmem:$0x1C6A0] =	vst v0  }
0x80: {  	[tilespmem:$0x1C6B0] =	vst v0  }
0x81: {  	[tilespmem:$0x1C6C0] =	vst v0  }
0x82: {  	[tilespmem:$0x1C6D0] =	vst v0  }
0x83: {  	[tilespmem:$0x1C6E0] =	vst v0  }
0x84: {  	s20 =	rddreg [dreg:$0x1f];
	[tilespmem:$0x1C6F0] =	vst v0  }
0x85: {  	[spmem:s20] =	stream.linear.scatter [tilespmem:s24], [sflag:$0x9], $0x280, $0x38;
	[tilespmem:$0x1C980] =	vst v63  }
0x86: {  	_ =	swait.ge [sflag:s29], $0x280  }
0x87: {  	[sflag:s29] =	ssyncset.done $0x0  }
0x88: {  	[sflag:s29] =	ssyncadd.s32 $0xFFFFFD80  }
0x89: {  	[bflag:$0x0] =	sbarrier.arrive $0xFFFF  }
0x8a: {  	s19 =	simm.s32 $0x0;
	s21 =	rddreg [dreg:$0xd]  }
0x8b: {  	[tilespmem:s19], [sflag:$0x1] =	stream.linear.gather [hbm4b:s21+s19], $0x80, $0x38;
	[tilespmem:$0x1C980] =	vst v63  }
0x8c: {  	s24 =	rddreg [dreg:$0xe]  }
0x8d: {  	[tilespmem:s31], [sflag:$0x1] =	stream.linear.gather [hbm4b:s24+s19], $0x80, $0x38;
	[tilespmem:$0x1C980] =	vst v63  }
0x8e: {  	s21 =	rddreg [dreg:$0xf]  }
0x8f: {  	[tilespmem:s0], [sflag:$0x2] =	stream.linear.gather [hbm4b:s21+s19], $0x80, $0x38;
	[tilespmem:$0x1C980] =	vst v63  }
0x90: {  	s24 =	rddreg [dreg:$0x10]  }
0x91: {  	[tilespmem:s4], [sflag:$0x2] =	stream.linear.gather [hbm4b:s24+s19], $0x80, $0x38;
	[tilespmem:$0x1C980] =	vst v63  }
0x92: {  	s21 =	rddreg [dreg:$0x11]  }
0x93: {  	[tilespmem:s5], [sflag:$0x3] =	stream.linear.gather [hbm4b:s21+s19], $0x80, $0x38;
	[tilespmem:$0x1C980] =	vst v63  }
0x94: {  	s24 =	rddreg [dreg:$0x12]  }
0x95: {  	[tilespmem:s6], [sflag:$0x3] =	stream.linear.gather [hbm4b:s24+s19], $0x80, $0x38;
	[tilespmem:$0x1C980] =	vst v63  }
0x96: {  	s21 =	rddreg [dreg:$0x14]  }
0x97: {  	[tilespmem:s7], [sflag:$0x4] =	stream.linear.gather [hbm4b:s21+s19], $0x80, $0x38;
	[tilespmem:$0x1C980] =	vst v63  }
0x98: {  	s24 =	rddreg [dreg:$0x13]  }
0x99: {  	[tilespmem:s8], [sflag:$0x4] =	stream.linear.gather [hbm4b:s24+s19], $0x80, $0x38;
	[tilespmem:$0x1C980] =	vst v63  }
0x9a: {  	_ =	swait.ge [sflag:s9], $0x80  }
0x9b: {  	[sflag:s9] =	ssyncset.done $0x0  }
0x9c: {  	[sflag:s9] =	ssyncadd.s32 $0xFFFFFF80  }
0x9d: {  	_ =	swait.ge [sflag:s9], $0x80  }
0x9e: {  	[sflag:s9] =	ssyncset.done $0x0  }
0x9f: {  	[sflag:s9] =	ssyncadd.s32 $0xFFFFFF80  }
0xa0: {  	[tilespmem:s28], [sflag:$0x5] =	stream.indirect.gather [hbm4b:s18+s0], $0x80, s19, s0, $0xb8;
	[tilespmem:$0x1C980] =	vst v63  }
0xa1: {  	_ =	swait.ge [sflag:s10], $0x80  }
0xa2: {  	[sflag:s10] =	ssyncset.done $0x0  }
0xa3: {  	[sflag:s10] =	ssyncadd.s32 $0xFFFFFF80  }
0xa4: {  	_ =	swait.ge [sflag:s10], $0x80  }
0xa5: {  	[sflag:s10] =	ssyncset.done $0x0  }
0xa6: {  	[sflag:s10] =	ssyncadd.s32 $0xFFFFFF80  }
0xa7: {  	[tilespmem:s11], [sflag:$0x6] =	stream.indirect.gather [hbm4b:s18+s0], $0x80, s0, s0, $0xb8;
	[tilespmem:$0x1C980] =	vst v63  }
0xa8: {  	_ =	swait.ge [sflag:s12], $0x4000  }
0xa9: {  	[sflag:s12] =	ssyncset.done $0x0  }
0xaa: {  	[sflag:s12] =	ssyncadd.s32 $0xFFFFC000  }
0xab: {  	[spmem:s1] =	stream.indirect.scatter.add.f32 [tilespmem:s28], [sflag:$0x7], $0x80, s31, s0, $0xb8;
	[tilespmem:$0x1C980] =	vst v63  }
0xac: {  	_ = 	snop  }
0xad: {  	[spmem:s2] =	stream.indirect.scatter.add.f32 [tilespmem:s13], [sflag:$0x9], $0x1, s31, s0, $0xb8;
	[tilespmem:$0x1C980] =	vst v63  }
0xae: {  	_ =	swait.ge [sflag:s29], $0x80  }
0xaf: {  	[sflag:s29] =	ssyncset.done $0x0  }
0xb0: {  	[sflag:s29] =	ssyncadd.s32 $0xFFFFFF80  }
0xb1: {  	_ =	swait.ge [sflag:s14], $0x4000  }
0xb2: {  	[sflag:s14] =	ssyncset.done $0x0  }
0xb3: {  	[sflag:s14] =	ssyncadd.s32 $0xFFFFC000  }
0xb4: {  	_ =	swait.ge [sflag:s15], $0x80  }
0xb5: {  	[sflag:s15] =	ssyncset.done $0x0  }
0xb6: {  	[sflag:s15] =	ssyncadd.s32 $0xFFFFFF80  }
0xb7: {  	_ =	swait.ge [sflag:s15], $0x80  }
0xb8: {  	[sflag:s15] =	ssyncset.done $0x0  }
0xb9: {  	s21 =	rddreg [dreg:$0xc];
	[sflag:s15] =	ssyncadd.s32 $0xFFFFFF80  }
0xba: {  	[tilespmem:s28], [sflag:$0x5] =	stream.indirect.gather [hbm4b:s18+s0], $0x80, s5, s0, $0xb8;
	[tilespmem:$0x1C980] =	vst v63  }
0xbb: {  	s30 =	rddreg [dreg:$0xb];
	s19 =	sadd.s32 $0x0, s21  }
0xbc: {  	[tilespmem:s3], [sflag:$0x1] =	stream.linear.gather [hbm4b:s19+s3], $0x80, $0x38;
	[tilespmem:$0x1C980] =	vst v63  }
0xbd: {  	s24 =	sadd.s32 $0x0, s30  }
0xbe: {  	[tilespmem:s31], [sflag:$0x1] =	stream.linear.gather [hbm4b:s24+s3], $0x80, $0x38;
	[tilespmem:$0x1C980] =	vst v63  }
0xbf: {  	_ =	swait.ge [sflag:s16], $0x4000  }
0xc0: {  	[sflag:s16] =	ssyncset.done $0x0  }
0xc1: {  	[sflag:s16] =	ssyncadd.s32 $0xFFFFC000  }
0xc2: {  	[spmem:s1] =	stream.indirect.scatter.add.f32 [tilespmem:s11], [sflag:$0x8], $0x80, s4, s0, $0xb8;
	[tilespmem:$0x1C980] =	vst v63  }
0xc3: {  	_ = 	snop  }
0xc4: {  	[spmem:s2] =	stream.indirect.scatter.add.f32 [tilespmem:s13], [sflag:$0x9], $0x1, s4, s0, $0xb8;
	[tilespmem:$0x1C980] =	vst v63  }
0xc5: {  	_ =	swait.ge [sflag:s29], $0x80  }
0xc6: {  	[sflag:s29] =	ssyncset.done $0x0  }
0xc7: {  	[sflag:s29] =	ssyncadd.s32 $0xFFFFFF80  }
0xc8: {  	_ =	swait.ge [sflag:s17], $0x4000  }
0xc9: {  	[sflag:s17] =	ssyncset.done $0x0  }
0xca: {  	[sflag:s17] =	ssyncadd.s32 $0xFFFFC000  }
0xcb: {  	_ =	swait.ge [sflag:s25], $0x80  }
0xcc: {  	[sflag:s25] =	ssyncset.done $0x0  }
0xcd: {  	[sflag:s25] =	ssyncadd.s32 $0xFFFFFF80  }
0xce: {  	_ =	swait.ge [sflag:s25], $0x80  }
0xcf: {  	[sflag:s25] =	ssyncset.done $0x0  }
0xd0: {  	s20 =	rddreg [dreg:$0xa];
	[sflag:s25] =	ssyncadd.s32 $0xFFFFFF80  }
0xd1: {  	[tilespmem:s11], [sflag:$0x6] =	stream.indirect.gather [hbm4b:s18+s0], $0x80, s7, s0, $0xb8;
	[tilespmem:$0x1C980] =	vst v63  }
0xd2: {  	s30 =	rddreg [dreg:$0x9];
	s19 =	sadd.s32 $0x0, s20  }
0xd3: {  	[tilespmem:s0], [sflag:$0x2] =	stream.linear.gather [hbm4b:s19+s3], $0x80, $0x38;
	[tilespmem:$0x1C980] =	vst v63  }
0xd4: {  	s21 =	sadd.s32 $0x0, s30  }
0xd5: {  	[tilespmem:s4], [sflag:$0x2] =	stream.linear.gather [hbm4b:s21+s3], $0x80, $0x38;
	[tilespmem:$0x1C980] =	vst v63  }
0xd6: {  	_ =	swait.ge [sflag:s12], $0x4000  }
0xd7: {  	[sflag:s12] =	ssyncset.done $0x0  }
0xd8: {  	[sflag:s12] =	ssyncadd.s32 $0xFFFFC000  }
0xd9: {  	[spmem:s1] =	stream.indirect.scatter.add.f32 [tilespmem:s28], [sflag:$0x7], $0x80, s6, s0, $0xb8;
	[tilespmem:$0x1C980] =	vst v63  }
0xda: {  	_ = 	snop  }
0xdb: {  	[spmem:s2] =	stream.indirect.scatter.add.f32 [tilespmem:s13], [sflag:$0x9], $0x1, s6, s0, $0xb8;
	[tilespmem:$0x1C980] =	vst v63  }
0xdc: {  	_ =	swait.ge [sflag:s29], $0x80  }
0xdd: {  	[sflag:s29] =	ssyncset.done $0x0  }
0xde: {  	[sflag:s29] =	ssyncadd.s32 $0xFFFFFF80  }
0xdf: {  	_ =	swait.ge [sflag:s14], $0x4000  }
0xe0: {  	[sflag:s14] =	ssyncset.done $0x0  }
0xe1: {  	[sflag:s14] =	ssyncadd.s32 $0xFFFFC000  }
0xe2: {  	_ =	swait.ge [sflag:s9], $0x80  }
0xe3: {  	[sflag:s9] =	ssyncset.done $0x0  }
0xe4: {  	[sflag:s9] =	ssyncadd.s32 $0xFFFFFF80  }
0xe5: {  	_ =	swait.ge [sflag:s9], $0x80  }
0xe6: {  	[sflag:s9] =	ssyncset.done $0x0  }
0xe7: {  	s24 =	rddreg [dreg:$0x8];
	[sflag:s9] =	ssyncadd.s32 $0xFFFFFF80  }
0xe8: {  	[tilespmem:s28], [sflag:$0x5] =	stream.indirect.gather [hbm4b:s18+s0], $0x80, s3, s0, $0xb8;
	[tilespmem:$0x1C980] =	vst v63  }
0xe9: {  	s30 =	rddreg [dreg:$0x7];
	s19 =	sadd.s32 $0x0, s24  }
0xea: {  	[tilespmem:s5], [sflag:$0x3] =	stream.linear.gather [hbm4b:s19+s3], $0x80, $0x38;
	[tilespmem:$0x1C980] =	vst v63  }
0xeb: {  	s20 =	sadd.s32 $0x0, s30  }
0xec: {  	[tilespmem:s6], [sflag:$0x3] =	stream.linear.gather [hbm4b:s20+s3], $0x80, $0x38;
	[tilespmem:$0x1C980] =	vst v63  }
0xed: {  	_ =	swait.ge [sflag:s16], $0x4000  }
0xee: {  	[sflag:s16] =	ssyncset.done $0x0  }
0xef: {  	[sflag:s16] =	ssyncadd.s32 $0xFFFFC000  }
0xf0: {  	[spmem:s1] =	stream.indirect.scatter.add.f32 [tilespmem:s11], [sflag:$0x8], $0x80, s8, s0, $0xb8;
	[tilespmem:$0x1C980] =	vst v63  }
0xf1: {  	_ = 	snop  }
0xf2: {  	[spmem:s2] =	stream.indirect.scatter.add.f32 [tilespmem:s13], [sflag:$0x9], $0x1, s8, s0, $0xb8;
	[tilespmem:$0x1C980] =	vst v63  }
0xf3: {  	_ =	swait.ge [sflag:s29], $0x80  }
0xf4: {  	[sflag:s29] =	ssyncset.done $0x0  }
0xf5: {  	[sflag:s29] =	ssyncadd.s32 $0xFFFFFF80  }
0xf6: {  	_ =	swait.ge [sflag:s17], $0x4000  }
0xf7: {  	[sflag:s17] =	ssyncset.done $0x0  }
0xf8: {  	[sflag:s17] =	ssyncadd.s32 $0xFFFFC000  }
0xf9: {  	_ =	swait.ge [sflag:s10], $0x80  }
0xfa: {  	[sflag:s10] =	ssyncset.done $0x0  }
0xfb: {  	[sflag:s10] =	ssyncadd.s32 $0xFFFFFF80  }
0xfc: {  	_ =	swait.ge [sflag:s10], $0x80  }
0xfd: {  	[sflag:s10] =	ssyncset.done $0x0  }
0xfe: {  	s21 =	rddreg [dreg:$0x6];
	[sflag:s10] =	ssyncadd.s32 $0xFFFFFF80  }
0xff: {  	[tilespmem:s11], [sflag:$0x6] =	stream.indirect.gather [hbm4b:s18+s0], $0x80, s0, s0, $0xb8;
	[tilespmem:$0x1C980] =	vst v63  }
0x100: {  	s30 =	rddreg [dreg:$0x5];
	s19 =	sadd.s32 $0x0, s21  }
0x101: {  	[tilespmem:s7], [sflag:$0x4] =	stream.linear.gather [hbm4b:s19+s3], $0x80, $0x38;
	[tilespmem:$0x1C980] =	vst v63  }
0x102: {  	s24 =	sadd.s32 $0x0, s30  }
0x103: {  	[tilespmem:s8], [sflag:$0x4] =	stream.linear.gather [hbm4b:s24+s3], $0x80, $0x38;
	[tilespmem:$0x1C980] =	vst v63  }
0x104: {  	_ =	swait.ge [sflag:s12], $0x4000  }
0x105: {  	[sflag:s12] =	ssyncset.done $0x0  }
0x106: {  	[sflag:s12] =	ssyncadd.s32 $0xFFFFC000  }
0x107: {  	[spmem:s1] =	stream.indirect.scatter.add.f32 [tilespmem:s28], [sflag:$0x7], $0x80, s31, s0, $0xb8;
	[tilespmem:$0x1C980] =	vst v63  }
0x108: {  	_ = 	snop  }
0x109: {  	[spmem:s2] =	stream.indirect.scatter.add.f32 [tilespmem:s13], [sflag:$0x9], $0x1, s31, s0, $0xb8;
	[tilespmem:$0x1C980] =	vst v63  }
0x10a: {  	_ =	swait.ge [sflag:s29], $0x80  }
0x10b: {  	s30 =	simm.s32 $0x40;
	[sflag:s29] =	ssyncset.done $0x0  }
.LBB2_4:
0x10c: {  	[sflag:s29] =	ssyncadd.s32 $0xFFFFFF80  }
0x10d: {  	_ =	swait.ge [sflag:s14], $0x4000  }
0x10e: {  	[sflag:s14] =	ssyncset.done $0x0  }
0x10f: {  	[sflag:s14] =	ssyncadd.s32 $0xFFFFC000  }
0x110: {  	_ =	swait.ge [sflag:s15], $0x80  }
0x111: {  	[sflag:s15] =	ssyncset.done $0x0  }
0x112: {  	[sflag:s15] =	ssyncadd.s32 $0xFFFFFF80  }
0x113: {  	_ =	swait.ge [sflag:s15], $0x80  }
0x114: {  	[sflag:s15] =	ssyncset.done $0x0  }
0x115: {  	s19 =	smov.u32 s30;
	s20 =	rddreg [dreg:$0xc];
	[sflag:s15] =	ssyncadd.s32 $0xFFFFFF80  }
0x116: {  	[tilespmem:s28], [sflag:$0x5] =	stream.indirect.gather [hbm4b:s18+s0], $0x80, s5, s0, $0xb8;
	[tilespmem:$0x1C980] =	vst v63  }
0x117: {  	s21 =	rddreg [dreg:$0xb];
	s20 =	sadd.s32 s19, s20  }
0x118: {  	[tilespmem:s3], [sflag:$0x1] =	stream.linear.gather [hbm4b:s20+s3], $0x80, $0x38;
	[tilespmem:$0x1C980] =	vst v63  }
0x119: {  	s24 =	sadd.s32 s19, s21  }
0x11a: {  	[tilespmem:s31], [sflag:$0x1] =	stream.linear.gather [hbm4b:s24+s3], $0x80, $0x38;
	[tilespmem:$0x1C980] =	vst v63  }
0x11b: {  	_ =	swait.ge [sflag:s16], $0x4000  }
0x11c: {  	[sflag:s16] =	ssyncset.done $0x0  }
0x11d: {  	[sflag:s16] =	ssyncadd.s32 $0xFFFFC000  }
0x11e: {  	[spmem:s1] =	stream.indirect.scatter.add.f32 [tilespmem:s11], [sflag:$0x8], $0x80, s4, s0, $0xb8;
	[tilespmem:$0x1C980] =	vst v63  }
0x11f: {  	_ = 	snop  }
0x120: {  	[spmem:s2] =	stream.indirect.scatter.add.f32 [tilespmem:s13], [sflag:$0x9], $0x1, s4, s0, $0xb8;
	[tilespmem:$0x1C980] =	vst v63  }
0x121: {  	_ =	swait.ge [sflag:s29], $0x80  }
0x122: {  	[sflag:s29] =	ssyncset.done $0x0  }
0x123: {  	[sflag:s29] =	ssyncadd.s32 $0xFFFFFF80  }
0x124: {  	_ =	swait.ge [sflag:s17], $0x4000  }
0x125: {  	[sflag:s17] =	ssyncset.done $0x0  }
0x126: {  	[sflag:s17] =	ssyncadd.s32 $0xFFFFC000  }
0x127: {  	_ =	swait.ge [sflag:s25], $0x80  }
0x128: {  	[sflag:s25] =	ssyncset.done $0x0  }
0x129: {  	[sflag:s25] =	ssyncadd.s32 $0xFFFFFF80  }
0x12a: {  	_ =	swait.ge [sflag:s25], $0x80  }
0x12b: {  	[sflag:s25] =	ssyncset.done $0x0  }
0x12c: {  	s21 =	rddreg [dreg:$0xa];
	[sflag:s25] =	ssyncadd.s32 $0xFFFFFF80  }
0x12d: {  	[tilespmem:s11], [sflag:$0x6] =	stream.indirect.gather [hbm4b:s18+s0], $0x80, s7, s0, $0xb8;
	[tilespmem:$0x1C980] =	vst v63  }
0x12e: {  	s24 =	rddreg [dreg:$0x9];
	s20 =	sadd.s32 s19, s21  }
0x12f: {  	[tilespmem:s0], [sflag:$0x2] =	stream.linear.gather [hbm4b:s20+s3], $0x80, $0x38;
	[tilespmem:$0x1C980] =	vst v63  }
0x130: {  	s24 =	sadd.s32 s19, s24  }
0x131: {  	[tilespmem:s4], [sflag:$0x2] =	stream.linear.gather [hbm4b:s24+s3], $0x80, $0x38;
	[tilespmem:$0x1C980] =	vst v63  }
0x132: {  	_ =	swait.ge [sflag:s12], $0x4000  }
0x133: {  	[sflag:s12] =	ssyncset.done $0x0  }
0x134: {  	[sflag:s12] =	ssyncadd.s32 $0xFFFFC000  }
0x135: {  	[spmem:s1] =	stream.indirect.scatter.add.f32 [tilespmem:s28], [sflag:$0x7], $0x80, s6, s0, $0xb8;
	[tilespmem:$0x1C980] =	vst v63  }
0x136: {  	_ = 	snop  }
0x137: {  	[spmem:s2] =	stream.indirect.scatter.add.f32 [tilespmem:s13], [sflag:$0x9], $0x1, s6, s0, $0xb8;
	[tilespmem:$0x1C980] =	vst v63  }
0x138: {  	_ =	swait.ge [sflag:s29], $0x80  }
0x139: {  	[sflag:s29] =	ssyncset.done $0x0  }
0x13a: {  	[sflag:s29] =	ssyncadd.s32 $0xFFFFFF80  }
0x13b: {  	_ =	swait.ge [sflag:s14], $0x4000  }
0x13c: {  	[sflag:s14] =	ssyncset.done $0x0  }
0x13d: {  	[sflag:s14] =	ssyncadd.s32 $0xFFFFC000  }
0x13e: {  	_ =	swait.ge [sflag:s9], $0x80  }
0x13f: {  	[sflag:s9] =	ssyncset.done $0x0  }
0x140: {  	[sflag:s9] =	ssyncadd.s32 $0xFFFFFF80  }
0x141: {  	_ =	swait.ge [sflag:s9], $0x80  }
0x142: {  	[sflag:s9] =	ssyncset.done $0x0  }
0x143: {  	s21 =	rddreg [dreg:$0x8];
	[sflag:s9] =	ssyncadd.s32 $0xFFFFFF80  }
0x144: {  	[tilespmem:s28], [sflag:$0x5] =	stream.indirect.gather [hbm4b:s18+s0], $0x80, s3, s0, $0xb8;
	[tilespmem:$0x1C980] =	vst v63  }
0x145: {  	s24 =	rddreg [dreg:$0x7];
	s20 =	sadd.s32 s19, s21  }
0x146: {  	[tilespmem:s5], [sflag:$0x3] =	stream.linear.gather [hbm4b:s20+s3], $0x80, $0x38;
	[tilespmem:$0x1C980] =	vst v63  }
0x147: {  	s24 =	sadd.s32 s19, s24  }
0x148: {  	[tilespmem:s6], [sflag:$0x3] =	stream.linear.gather [hbm4b:s24+s3], $0x80, $0x38;
	[tilespmem:$0x1C980] =	vst v63  }
0x149: {  	_ =	swait.ge [sflag:s16], $0x4000  }
0x14a: {  	[sflag:s16] =	ssyncset.done $0x0  }
0x14b: {  	[sflag:s16] =	ssyncadd.s32 $0xFFFFC000  }
0x14c: {  	[spmem:s1] =	stream.indirect.scatter.add.f32 [tilespmem:s11], [sflag:$0x8], $0x80, s8, s0, $0xb8;
	[tilespmem:$0x1C980] =	vst v63  }
0x14d: {  	_ = 	snop  }
0x14e: {  	[spmem:s2] =	stream.indirect.scatter.add.f32 [tilespmem:s13], [sflag:$0x9], $0x1, s8, s0, $0xb8;
	[tilespmem:$0x1C980] =	vst v63  }
0x14f: {  	_ =	swait.ge [sflag:s29], $0x80  }
0x150: {  	[sflag:s29] =	ssyncset.done $0x0  }
0x151: {  	[sflag:s29] =	ssyncadd.s32 $0xFFFFFF80  }
0x152: {  	_ =	swait.ge [sflag:s17], $0x4000  }
0x153: {  	[sflag:s17] =	ssyncset.done $0x0  }
0x154: {  	[sflag:s17] =	ssyncadd.s32 $0xFFFFC000  }
0x155: {  	_ =	swait.ge [sflag:s10], $0x80  }
0x156: {  	[sflag:s10] =	ssyncset.done $0x0  }
0x157: {  	[sflag:s10] =	ssyncadd.s32 $0xFFFFFF80  }
0x158: {  	_ =	swait.ge [sflag:s10], $0x80  }
0x159: {  	[sflag:s10] =	ssyncset.done $0x0  }
0x15a: {  	s21 =	rddreg [dreg:$0x6];
	[sflag:s10] =	ssyncadd.s32 $0xFFFFFF80  }
0x15b: {  	[tilespmem:s11], [sflag:$0x6] =	stream.indirect.gather [hbm4b:s18+s0], $0x80, s0, s0, $0xb8;
	[tilespmem:$0x1C980] =	vst v63  }
0x15c: {  	s24 =	rddreg [dreg:$0x5];
	s20 =	sadd.s32 s19, s21  }
0x15d: {  	[tilespmem:s7], [sflag:$0x4] =	stream.linear.gather [hbm4b:s20+s3], $0x80, $0x38;
	[tilespmem:$0x1C980] =	vst v63  }
0x15e: {  	s19 =	sadd.s32 s19, s24  }
0x15f: {  	[tilespmem:s8], [sflag:$0x4] =	stream.linear.gather [hbm4b:s19+s3], $0x80, $0x38;
	[tilespmem:$0x1C980] =	vst v63  }
0x160: {  	_ =	swait.ge [sflag:s12], $0x4000  }
0x161: {  	[sflag:s12] =	ssyncset.done $0x0  }
0x162: {  	p0 =	sne.s32 s30, $0x480;
	[sflag:s12] =	ssyncadd.s32 $0xFFFFC000  }
0x163: {  	[spmem:s1] =	stream.indirect.scatter.add.f32 [tilespmem:s28], [sflag:$0x7], $0x80, s31, s0, $0xb8;
	[tilespmem:$0x1C980] =	vst v63  }
.Ltmp1:
0x164: {  	_ = 	snop;
	(pc) =	sbr.rel @p0 .LBB2_4-.Ltmp1, $4  }
0x165: {  	_ = 	snop  }
0x166: {  	[spmem:s2] =	stream.indirect.scatter.add.f32 [tilespmem:s13], [sflag:$0x9], $0x1, s31, s0, $0xb8;
	[tilespmem:$0x1C980] =	vst v63  }
0x167: {  	_ =	swait.ge [sflag:s29], $0x80  }
0x168: {  	s30 =	sadd.s32 $0x40, s30;
	[sflag:s29] =	ssyncset.done $0x0  }
0x169: {  	[sflag:s29] =	ssyncadd.s32 $0xFFFFFF80  }
0x16a: {  	_ =	swait.ge [sflag:s14], $0x4000  }
0x16b: {  	[sflag:s14] =	ssyncset.done $0x0  }
0x16c: {  	[sflag:s14] =	ssyncadd.s32 $0xFFFFC000  }
0x16d: {  	_ =	swait.ge [sflag:s15], $0x80  }
0x16e: {  	[sflag:s15] =	ssyncset.done $0x0  }
0x16f: {  	[sflag:s15] =	ssyncadd.s32 $0xFFFFFF80  }
0x170: {  	_ =	swait.ge [sflag:s15], $0x80  }
0x171: {  	[sflag:s15] =	ssyncset.done $0x0  }
0x172: {  	[sflag:s15] =	ssyncadd.s32 $0xFFFFFF80  }
0x173: {  	[tilespmem:s28], [sflag:$0x5] =	stream.indirect.gather [hbm4b:s18+s0], $0x80, s5, s0, $0xb8;
	[tilespmem:$0x1C980] =	vst v63  }
0x174: {  	_ =	swait.ge [sflag:s16], $0x4000  }
0x175: {  	[sflag:s16] =	ssyncset.done $0x0  }
0x176: {  	[sflag:s16] =	ssyncadd.s32 $0xFFFFC000  }
0x177: {  	[spmem:s1] =	stream.indirect.scatter.add.f32 [tilespmem:s11], [sflag:$0x8], $0x80, s4, s0, $0xb8;
	[tilespmem:$0x1C980] =	vst v63  }
0x178: {  	_ = 	snop  }
0x179: {  	[spmem:s2] =	stream.indirect.scatter.add.f32 [tilespmem:s13], [sflag:$0x9], $0x1, s4, s0, $0xb8;
	[tilespmem:$0x1C980] =	vst v63  }
0x17a: {  	_ =	swait.ge [sflag:s29], $0x80  }
0x17b: {  	[sflag:s29] =	ssyncset.done $0x0  }
0x17c: {  	[sflag:s29] =	ssyncadd.s32 $0xFFFFFF80  }
0x17d: {  	_ =	swait.ge [sflag:s17], $0x4000  }
0x17e: {  	[sflag:s17] =	ssyncset.done $0x0  }
0x17f: {  	[sflag:s17] =	ssyncadd.s32 $0xFFFFC000  }
0x180: {  	_ =	swait.ge [sflag:s25], $0x80  }
0x181: {  	[sflag:s25] =	ssyncset.done $0x0  }
0x182: {  	[sflag:s25] =	ssyncadd.s32 $0xFFFFFF80  }
0x183: {  	_ =	swait.ge [sflag:s25], $0x80  }
0x184: {  	[sflag:s25] =	ssyncset.done $0x0  }
0x185: {  	[sflag:s25] =	ssyncadd.s32 $0xFFFFFF80  }
0x186: {  	[tilespmem:s11], [sflag:$0x6] =	stream.indirect.gather [hbm4b:s18+s0], $0x80, s7, s0, $0xb8;
	[tilespmem:$0x1C980] =	vst v63  }
0x187: {  	_ =	swait.ge [sflag:s12], $0x4000  }
0x188: {  	[sflag:s12] =	ssyncset.done $0x0  }
0x189: {  	[sflag:s12] =	ssyncadd.s32 $0xFFFFC000  }
0x18a: {  	[spmem:s1] =	stream.indirect.scatter.add.f32 [tilespmem:s28], [sflag:$0x7], $0x80, s6, s0, $0xb8;
	[tilespmem:$0x1C980] =	vst v63  }
0x18b: {  	_ = 	snop  }
0x18c: {  	[spmem:s2] =	stream.indirect.scatter.add.f32 [tilespmem:s13], [sflag:$0x9], $0x1, s6, s0, $0xb8;
	[tilespmem:$0x1C980] =	vst v63  }
0x18d: {  	_ =	swait.ge [sflag:s29], $0x80  }
0x18e: {  	[sflag:s29] =	ssyncset.done $0x0  }
0x18f: {  	[sflag:s29] =	ssyncadd.s32 $0xFFFFFF80  }
0x190: {  	_ =	swait.ge [sflag:s16], $0x4000  }
0x191: {  	[sflag:s16] =	ssyncset.done $0x0  }
0x192: {  	[sflag:s16] =	ssyncadd.s32 $0xFFFFC000  }
0x193: {  	[spmem:s1] =	stream.indirect.scatter.add.f32 [tilespmem:s11], [sflag:$0x8], $0x80, s8, s0, $0xb8;
	[tilespmem:$0x1C980] =	vst v63  }
0x194: {  	_ = 	snop  }
0x195: {  	[spmem:s2] =	stream.indirect.scatter.add.f32 [tilespmem:s13], [sflag:$0x9], $0x1, s8, s0, $0xb8;
	[tilespmem:$0x1C980] =	vst v63  }
0x196: {  	_ =	swait.ge [sflag:s29], $0x80  }
0x197: {  	[sflag:s29] =	ssyncset.done $0x0  }
0x198: {  	[sflag:s29] =	ssyncadd.s32 $0xFFFFFF80  }
0x199: {  	_ =	swait.ge [sflag:s14], $0x4000  }
0x19a: {  	[sflag:s14] =	ssyncset.done $0x0  }
0x19b: {  	[sflag:s14] =	ssyncadd.s32 $0xFFFFC000  }
0x19c: {  	_ =	swait.ge [sflag:s17], $0x4000  }
0x19d: {  	[sflag:s17] =	ssyncset.done $0x0  }
0x19e: {  	[sflag:s17] =	ssyncadd.s32 $0xFFFFC000  }
0x19f: {  	[bflag:$0x0] =	sbarrier.arrive $0xFFFF  }
0x1a0: {  	[tilespmem:s28], [sflag:$0x9] =	stream.linear.gather [spmem:s22], $0x4000, $0x38;
	[tilespmem:$0x1C980] =	vst v63  }
0x1a1: {  	_ =	swait.ge [sflag:s29], $0x4000  }
0x1a2: {  	[sflag:s29] =	ssyncset.done $0x0  }
0x1a3: {  	s19 =	rddreg [dreg:$0x15];
	[sflag:s29] =	ssyncadd.s32 $0xFFFFC000  }
0x1a4: {  	[hbm4b:s19+s3] =	stream.linear.scatter [tilespmem:s28], [sflag:$0x9], $0x4000, $0x38;
	[tilespmem:$0x1C980] =	vst v63  }
0x1a5: {  	_ =	swait.ge [sflag:s29], $0x4000  }
0x1a6: {  	[sflag:s29] =	ssyncset.done $0x0  }
0x1a7: {  	[sflag:s29] =	ssyncadd.s32 $0xFFFFC000  }
0x1a8: {  	[tilespmem:s28], [sflag:$0x9] =	stream.linear.gather [spmem:s23], $0x4000, $0x38;
	[tilespmem:$0x1C980] =	vst v63  }
0x1a9: {  	_ =	swait.ge [sflag:s29], $0x4000  }
0x1aa: {  	[sflag:s29] =	ssyncset.done $0x0  }
0x1ab: {  	s20 =	smov.u32 s22;
	s22 =	rddreg [dreg:$0x16];
	[sflag:s29] =	ssyncadd.s32 $0xFFFFC000  }
0x1ac: {  	[hbm4b:s22+s3] =	stream.linear.scatter [tilespmem:s28], [sflag:$0x9], $0x4000, $0x38;
	[tilespmem:$0x1C980] =	vst v63  }
0x1ad: {  	_ =	swait.ge [sflag:s29], $0x4000  }
0x1ae: {  	[sflag:s29] =	ssyncset.done $0x0  }
0x1af: {  	s21 =	smov.u32 s23;
	s23 =	rddreg [dreg:$0x1a];
	[sflag:s29] =	ssyncadd.s32 $0xFFFFC000  }
0x1b0: {  	[tilespmem:s28], [sflag:$0x9] =	stream.linear.gather [spmem:s23], $0x4000, $0x38;
	[tilespmem:$0x1C980] =	vst v63  }
0x1b1: {  	_ =	swait.ge [sflag:s29], $0x4000  }
0x1b2: {  	[sflag:s29] =	ssyncset.done $0x0  }
0x1b3: {  	s24 =	rddreg [dreg:$0x17];
	[sflag:s29] =	ssyncadd.s32 $0xFFFFC000  }
0x1b4: {  	[hbm4b:s24+s3] =	stream.linear.scatter [tilespmem:s28], [sflag:$0x9], $0x4000, $0x38;
	[tilespmem:$0x1C980] =	vst v63  }
0x1b5: {  	_ =	swait.ge [sflag:s29], $0x4000  }
0x1b6: {  	[sflag:s29] =	ssyncset.done $0x0  }
0x1b7: {  	s30 =	rddreg [dreg:$0x1b];
	[sflag:s29] =	ssyncadd.s32 $0xFFFFC000  }
0x1b8: {  	[tilespmem:s28], [sflag:$0x9] =	stream.linear.gather [spmem:s30], $0x4000, $0x38;
	[tilespmem:$0x1C980] =	vst v63  }
0x1b9: {  	_ =	swait.ge [sflag:s29], $0x4000  }
0x1ba: {  	[sflag:s29] =	ssyncset.done $0x0  }
0x1bb: {  	s22 =	rddreg [dreg:$0x18];
	[sflag:s29] =	ssyncadd.s32 $0xFFFFC000  }
0x1bc: {  	[hbm4b:s22+s3] =	stream.linear.scatter [tilespmem:s28], [sflag:$0x9], $0x4000, $0x38;
	[tilespmem:$0x1C980] =	vst v63  }
0x1bd: {  	_ =	swait.ge [sflag:s29], $0x4000  }
0x1be: {  	[sflag:s29] =	ssyncset.done $0x0  }
0x1bf: {  	s23 =	rddreg [dreg:$0x1c];
	[sflag:s29] =	ssyncadd.s32 $0xFFFFC000  }
0x1c0: {  	[tilespmem:s28], [sflag:$0x9] =	stream.linear.gather [spmem:s23], $0x4000, $0x38;
	[tilespmem:$0x1C980] =	vst v63  }
0x1c1: {  	_ =	swait.ge [sflag:s29], $0x4000  }
0x1c2: {  	[sflag:s29] =	ssyncset.done $0x0  }
0x1c3: {  	s24 =	rddreg [dreg:$0x19];
	[sflag:s29] =	ssyncadd.s32 $0xFFFFC000  }
0x1c4: {  	[hbm4b:s24+s3] =	stream.linear.scatter [tilespmem:s28], [sflag:$0x9], $0x4000, $0x38;
	[tilespmem:$0x1C980] =	vst v63  }
0x1c5: {  	_ =	swait.ge [sflag:s29], $0x4000  }
0x1c6: {  	[sflag:s29] =	ssyncset.done $0x0  }
0x1c7: {  	s22 =	simm.s32 $0x1C480;
	s30 =	rddreg [dreg:$0x1f];
	[sflag:s29] =	ssyncadd.s32 $0xFFFFC000  }
0x1c8: {  	[tilespmem:s22], [sflag:$0x9] =	stream.linear.gather [spmem:s30], $0x280, $0x38;
	[tilespmem:$0x1C980] =	vst v63  }
0x1c9: {  	_ =	swait.ge [sflag:s29], $0x280  }
0x1ca: {  	[sflag:s29] =	ssyncset.done $0x0  }
0x1cb: {  	s23 =	rddreg [dreg:$0x1d];
	[sflag:s29] =	ssyncadd.s32 $0xFFFFFD80  }
0x1cc: {  	[hbm4b:s23+s3] =	stream.linear.scatter [tilespmem:s22], [sflag:$0x9], $0x280, $0x38;
	[tilespmem:$0x1C980] =	vst v63  }
0x1cd: {  	_ =	swait.ge [sflag:s29], $0x280  }
0x1ce: {  	s26 =	sadd.s32 $0x1, s26;
	s30 =	rddreg [dreg:$0x1e]  }
0x1cf: {  	p0 =	sne.s32 s26, s30  }
.Ltmp2:
0x1d0: {  	_ = 	snop;
	(pc) =	sbr.rel @p0 .LBB2_1-.Ltmp2, $3  }
0x1d1: {  	_ =	sdelay $0x1  }
0x1d2: {  	[sflag:s29] =	ssyncset.done $0x0  }
0x1d3: {  	s24 =	simm.s32 $0x1C480;
	[sflag:s29] =	ssyncadd.s32 $0xFFFFFD80  }
0x1d4: {  	_ =	sfence.sel $0x180000  }
0x1d5: {  	[bflag:$0x0] =	sbarrier.arrive $0xFFFF  }
0x1d6: {  	_ =	strace $0x90000047  }
0x1d7: {  	s0 =	stileid.u32;
	[bflag:$0x2] =	sbarrier.arrive $0xFFFF  }
0x1d8: {  	p0 =	sne.s32 s0, $0x0;
	s0 =	rddreg [dreg:$0x4]  }
0x1d9: {  	s0 =	sadd.s32 @!p0 $0x100000, s0  }
0x1da: {  	[sflag:s0] =	ssyncadd.tile.s32 @!p0 $0x1;
	_ =	shalt  }
.Lfunc_end2:
_tile_overlayer_lowered:
.L_overlay_start_2:
0x1db: {  	(tag) =	ssettag $0x2  }
0x1dc: {  	s0 =	rddreg [dreg:$0x0];
	s2 =	stileid.u32  }
0x1dd: {  	s1 =	rddreg [dreg:$0x1];
	p0 =	sne.s32 s2, $0x0  }
0x1de: {  	s3 =	rddreg [dreg:$0x2];
	[bflag:$0x3] =	sbarrier.arrive $0xFFFF;
	s2 =	simm.s32 @!p0 $0x1C09  }
0x1df: {  	[timem:s3], [sflag:s2] =	dma.local @!p0 [hbm:s0], s1  }
0x1e0: {  	s0 =	simm.s32 @!p0 $0x9  }
0x1e1: {  	_ =	swait.ge @!p0 [sflag:s0], s1  }
0x1e2: {  	s1 =	ssub.s32 @!p0 $0x0, s1;
	[sflag:s0] =	ssyncset.done @!p0 $0x0  }
0x1e3: {  	[sflag:s0] =	ssyncadd.s32 @!p0 s1  }
0x1e4: {  	[bflag:$0x3] =	sbarrier.arrive $0xFFFF  }
0x1e5: {  	_ =	shalt  }

</sc_bundles>
